<compile_context>
chip_gen: v7x
topology: tpu7x:2x2x1
jax: 0.10.2.dev20260603
libtpu: 0.0.44.dev20260713+nightly
codegen_flags: <defaults>
</compile_context>

<pallas_src>
import functools

import numpy as np
import jax
import jax.numpy as jnp
from jax import lax
from jax.experimental import pallas as pl
from jax.experimental.pallas import tpu as pltpu
from jax.experimental.pallas import tpu_sc as plsc

N = 1024
M = 2048
KNN = 16
F = 512
TW = F + 128

_f32 = jnp.float32


def _dot(a, w):
    return lax.dot_general(a, w, (((1,), (1,)), ((), ())),
                           preferred_element_type=jnp.float32)


_KNN_TB = 256


def _prep_body(e_ref, ev128_ref, w0_ref, b0_ref, w1_ref, b1_ref, w2_ref,
               b2_ref, kw_ref, kb_ref, wq_ref, wkv_ref,
               upf_ref, q_ref, xkv_ref):
    e = e_ref[...]
    f = jnp.maximum(_dot(e, w0_ref[...]) + b0_ref[...], 0.0)
    f = jnp.maximum(_dot(f, w1_ref[...]) + b1_ref[...], 0.0)
    f = _dot(f, w2_ref[...]) + b2_ref[...]
    c0 = _f32(2.0 / 3.0)
    c1 = _f32(1.0 / 3.0)
    upf = jnp.concatenate([f, f * c0 + f * c1], axis=0)
    upf_ref[...] = upf
    x = _dot(upf, kw_ref[...]) + kb_ref[...]
    q_ref[...] = _dot(x, wq_ref[...])
    kv = _dot(x, wkv_ref[...])
    ki = lax.bitcast_convert_type(kv[:, :F], jnp.int32)
    vi = lax.bitcast_convert_type(kv[:, F:], jnp.int32)
    ki = ki + 0x7FFF + ((ki >> 16) & 1)
    vi = vi + 0x7FFF + ((vi >> 16) & 1)
    packed = (ki & -65536) | ((vi >> 16) & 65535)
    xkv_ref[:, :F] = lax.bitcast_convert_type(packed, jnp.float32)

    xkv_ref[:, F:] = ev128_ref[...]


def _prep(e, ev128, w0, b0, w1, b1, w2, b2, kw, kb, wq, wkv):
    full = lambda shape: pl.BlockSpec(shape, lambda: (0, 0))
    return pl.pallas_call(
        _prep_body,
        grid=(),
        in_specs=[full(a.shape) for a in
                  (e, ev128, w0, b0, w1, b1, w2, b2, kw, kb, wq, wkv)],
        out_specs=[full((M, F)), full((M, F)), full((M, TW))],
        out_shape=[jax.ShapeDtypeStruct((M, F), _f32),
                   jax.ShapeDtypeStruct((M, F), _f32),
                   jax.ShapeDtypeStruct((M, TW), _f32)],
    )(e, ev128, w0, b0, w1, b1, w2, b2, kw, kb, wq, wkv)


def _knn_body(ev_ref, evt_ref, idx_ref):
    a = ev_ref[...]
    bt = evt_ref[...]
    d = jnp.zeros((_KNN_TB, M), _f32)
    for c in range(3):
        dc = a[:, c:c + 1] - bt[c:c + 1, :]
        d = d + dc * dc
    iota = lax.broadcasted_iota(jnp.int32, (_KNN_TB, M), 1)
    iota16 = lax.broadcasted_iota(jnp.int32, (_KNN_TB, KNN), 1)
    out = jnp.zeros((_KNN_TB, KNN), jnp.int32)
    inf = _f32(np.inf)
    for j in range(KNN):
        am = jnp.argmin(d, axis=1).astype(jnp.int32)[:, None]
        out = jnp.where(iota16 == j, am, out)
        d = jnp.where(iota == am, inf, d)
    idx_ref[...] = out


def _knn(ev128, evt, half, mh):
    base = half * mh // _KNN_TB
    return pl.pallas_call(
        _knn_body,
        grid=(mh // _KNN_TB,),
        in_specs=[pl.BlockSpec((_KNN_TB, 128), lambda i, b=base: (b + i, 0)),
                  pl.BlockSpec((8, M), lambda i: (0, 0))],
        out_specs=pl.BlockSpec((_KNN_TB, KNN), lambda i: (i, 0)),
        out_shape=jax.ShapeDtypeStruct((mh, KNN), jnp.int32),
    )(ev128, evt)


_SC_CHUNK = 64


def _sc_gather(xkv, idxf):
    info = plsc.get_sparse_core_info()
    nw = info.num_cores * info.num_subcores
    b = idxf.shape[0]
    per_w = b // nw
    mesh = plsc.VectorSubcoreMesh(core_axis_name="c", subcore_axis_name="s")

    nch = per_w // _SC_CHUNK

    @functools.partial(
        pl.kernel,
        out_type=jax.ShapeDtypeStruct((b, TW), _f32),
        mesh=mesh,
        scratch_types=[pltpu.VMEM((per_w,), jnp.int32),
                       pltpu.VMEM((_SC_CHUNK, TW), _f32),
                       pltpu.VMEM((_SC_CHUNK, TW), _f32),
                       pltpu.SemaphoreType.DMA,
                       pltpu.SemaphoreType.DMA,
                       pltpu.SemaphoreType.DMA],
    )
    def gat(xkv_hbm, idx_hbm, okv_hbm, idx_v, r0, r1, semg, s0, s1):
        wid = lax.axis_index("s") * info.num_cores + lax.axis_index("c")
        base = wid * per_w
        pltpu.sync_copy(idx_hbm.at[pl.ds(base, per_w)], idx_v)
        bufs, sems, pend = (r0, r1), (s0, s1), [None, None]
        for i in range(nch):
            bb = i & 1
            if pend[bb] is not None:
                pend[bb].wait()
            pltpu.async_copy(
                xkv_hbm.at[idx_v.at[pl.ds(i * _SC_CHUNK, _SC_CHUNK)]],
                bufs[bb], semg).wait()
            pend[bb] = pltpu.async_copy(
                bufs[bb], okv_hbm.at[pl.ds(base + i * _SC_CHUNK, _SC_CHUNK)],
                sems[bb])
        for bb in (0, 1):
            if pend[bb] is not None:
                pend[bb].wait()

    return gat(xkv, idxf)


_ATT_TB = 128


def _att_body(q_ref, evm_ref, upf_ref, kvg_ref,
              wm_ref, wk_ref, wd_ref, peb0_ref, pw1_ref, peb1_ref,
              a0_ref, ab0_ref, a1_ref, ab1_ref, ag_ref, agb_ref,
              ow_ref, ob_ref, out_ref):
    tb = _ATT_TB
    rows = tb * KNN
    evm = evm_ref[...]
    evk = kvg_ref[:, F:]
    pm = jnp.broadcast_to(evm[:, None, :], (tb, KNN, 128)).reshape(rows, 128)
    diff = pm - evk
    sq = jnp.sqrt(diff * diff + _f32(1e-12))
    ha = _dot(evm, wm_ref[...]) + peb0_ref[...]
    ha = jnp.broadcast_to(ha[:, None, :], (tb, KNN, F)).reshape(rows, F)
    h = ha + _dot(evk, wk_ref[...]) + _dot(sq, wd_ref[...])
    h = jnp.maximum(h, 0.0)
    pe = _dot(h, pw1_ref[...]) + peb1_ref[...]
    w = lax.bitcast_convert_type(kvg_ref[:, :F], jnp.int32)
    kk = lax.bitcast_convert_type(w & -65536, jnp.float32)
    vv = lax.bitcast_convert_type(w << 16, jnp.float32)
    q = q_ref[...]
    q_rep = jnp.broadcast_to(q[:, None, :], (tb, KNN, F)).reshape(rows, F)
    pre = q_rep - kk + pe
    t = jnp.maximum(_dot(pre, a0_ref[...]) + ab0_ref[...], 0.0)
    att = _dot(t, a1_ref[...]) + ab1_ref[...]
    ex = jnp.exp(att.reshape(tb, KNN, F))
    pv3 = (vv + pe).reshape(tb, KNN, F)
    res = jnp.sum(ex * pv3, axis=1) / jnp.sum(ex, axis=1)
    res = _dot(res, ag_ref[...]) + agb_ref[...] + upf_ref[...]
    out_ref[...] = _dot(res, ow_ref[...]) + ob_ref[...]


def _att(q, ev128, upf, kvg, wm, wk, wd, peb0, pw1, peb1,
         a0, ab0, a1, ab1, ag, agb, owp, obp):
    mt = q.shape[0]
    grid = mt // _ATT_TB
    rows = _ATT_TB * KNN
    cw = lambda a: pl.BlockSpec(a.shape, lambda i: (0, 0))
    return pl.pallas_call(
        _att_body,
        grid=(grid,),
        in_specs=[pl.BlockSpec((_ATT_TB, F), lambda i: (i, 0)),
                  pl.BlockSpec((_ATT_TB, 128), lambda i: (i, 0)),
                  pl.BlockSpec((_ATT_TB, F), lambda i: (i, 0)),
                  pl.BlockSpec((rows, TW), lambda i: (i, 0)),
                  cw(wm), cw(wk), cw(wd), cw(peb0), cw(pw1), cw(peb1),
                  cw(a0), cw(ab0), cw(a1), cw(ab1), cw(ag), cw(agb),
                  cw(owp), cw(obp)],
        out_specs=pl.BlockSpec((_ATT_TB, 128), lambda i: (i, 0)),
        out_shape=jax.ShapeDtypeStruct((mt, 128), _f32),
    )(q, ev128, upf, kvg, wm, wk, wd, peb0, pw1, peb1,
      a0, ab0, a1, ab1, ag, agb, owp, obp)


_HALVES = 2


def kernel(events, params):
    p = params
    e = events[0]
    c0 = _f32(2.0 / 3.0)
    c1 = _f32(1.0 / 3.0)
    ev4 = jnp.concatenate([e, e * c0 + e * c1], axis=0)
    ev128 = jnp.zeros((M, 128), _f32).at[:, :4].set(ev4)
    evt = jnp.zeros((8, M), _f32).at[:3, :].set(ev4[:, :3].T)

    row = lambda v: v.reshape(1, -1)
    wkv = jnp.concatenate([p['wk'], p['wv']], axis=0)
    pe0 = p['pe_W0']
    wm = jnp.zeros((F, 128), _f32).at[:, :4].set(pe0[:, 0:4] + pe0[:, 8:12])
    wk = jnp.zeros((F, 128), _f32).at[:, :4].set(pe0[:, 4:8] - pe0[:, 8:12])
    wd = jnp.zeros((F, 128), _f32).at[:, :4].set(pe0[:, 12:16])
    inv_s = _f32(1.0 / np.sqrt(float(F)))
    a1 = p['att_W1'] * inv_s
    ab1 = p['att_b1'] * inv_s
    owp = jnp.zeros((128, F), _f32).at[:3, :].set(p['out_W'])
    obp = jnp.zeros((1, 128), _f32).at[:, :3].set(p['out_b'][None, :])

    upf, q, xkv = _prep(
        e, ev128, p['emb_W0'], row(p['emb_b0']), p['emb_W1'], row(p['emb_b1']),
        p['emb_W2'], row(p['emb_b2']), p['ker_W'], row(p['ker_b']),
        p['wq'], wkv)

    mh = M // _HALVES
    slices = [slice(hh * mh, (hh + 1) * mh) for hh in range(_HALVES)]
    idxs = [_knn(ev128, evt, hh, mh) for hh in range(_HALVES)]
    kvgs = [_sc_gather(xkv, ix.reshape(-1)) for ix in idxs]
    outs = [_att(q[s], ev128[s], upf[s], kvg, wm, wk, wd,
                 row(p['pe_b0']), p['pe_W1'], row(p['pe_b1']),
                 p['att_W0'], row(p['att_b0']), a1, row(ab1),
                 p['agg_W'], row(p['agg_b']), owp, obp)
            for s, kvg in zip(slices, kvgs)]
    out = jnp.concatenate(outs, axis=0)
    return ev128[None, :, :3], out[None, :, :3]

# --- scband reference (transcript-rebuilt; emitter-appended) ---
"""Pipeline reference for scband-trans-conv-sr-80513456931535 (READ-ONLY COPY).

The authoritative reference and input builder live on the scoring server;
editing this copy changes nothing except your own understanding.
"""

import jax, jax.numpy as jnp
import numpy as np

UP_SCALE = 2
K_NEAREST = 16


def _lin(x, W, b=None):
    y = x @ W.T
    if b is not None:
        y = y + b
    return y


def _knn_idx(p1, p2, K):
    d = jnp.sum((p1[:, :, None, :] - p2[:, None, :, :]) ** 2, axis=-1)
    _, idx = jax.lax.top_k(-d, K)
    return idx


def _knn_gather(x, idx):
    return jax.vmap(lambda xb, ib: xb[ib])(x, idx)


def _forward(events, p):
    feats = jax.nn.relu(_lin(events, p['emb_W0'], p['emb_b0']))
    feats = jax.nn.relu(_lin(feats, p['emb_W1'], p['emb_b1']))
    feats = _lin(feats, p['emb_W2'], p['emb_b2'])
    B, N, Fd = feats.shape
    idx = _knn_idx(events[:, :, :3], events[:, :, :3], UP_SCALE - 1)
    knn_events = _knn_gather(events, idx)
    up_events = events[:, :, None, :] * (2.0 / 3.0) + knn_events * (1.0 / 3.0)
    up_events = up_events.reshape(B, -1, 4)
    up_events = jnp.concatenate([events, up_events], axis=1)
    up_events = jax.lax.stop_gradient(up_events)
    knn_feats = _knn_gather(feats, idx)
    up_feats = feats[:, :, None, :] * (2.0 / 3.0) + knn_feats * (1.0 / 3.0)
    up_feats = up_feats.reshape(B, -1, Fd)
    up_feats = jnp.concatenate([feats, up_feats], axis=1)
    xyz = up_events[:, :, :3]
    idx2 = _knn_idx(xyz, xyz, K_NEAREST)
    pos = jnp.repeat(up_events[:, :, None, :], K_NEAREST, axis=2)
    pos_k = _knn_gather(up_events, idx2)
    diff = pos - pos_k
    pos_feat = jnp.concatenate([pos, pos_k, diff, jnp.sqrt(diff ** 2 + 1e-12)], axis=-1)
    pos_enc = _lin(jax.nn.relu(_lin(pos_feat, p['pe_W0'], p['pe_b0'])), p['pe_W1'], p['pe_b1'])
    x = _lin(up_feats, p['ker_W'], p['ker_b'])
    q = _lin(x, p['wq'])
    k = _knn_gather(_lin(x, p['wk']), idx2)
    v = _knn_gather(_lin(x, p['wv']), idx2)
    att = _lin(jax.nn.relu(_lin(q[:, :, None, :] - k + pos_enc, p['att_W0'], p['att_b0'])), p['att_W1'], p['att_b1'])
    att = jax.nn.softmax(att / np.sqrt(k.shape[-1]), axis=-2)
    res = jnp.einsum('bmnf,bmnf->bmf', att, v + pos_enc)
    res = _lin(res, p['agg_W'], p['agg_b']) + up_feats
    bias = _lin(res, p['out_W'], p['out_b'])
    return up_events[:, :, :3], bias


def setup_inputs(seed: int = 0):
    key = jax.random.key(seed)
    ks = jax.random.split(key, 30)
    def w(i, shape):
        return jax.random.normal(ks[i], shape, dtype=jnp.float32) * 0.02
    params = {
        'emb_W0': w(0, (512, 4)), 'emb_b0': w(1, (512,)),
        'emb_W1': w(2, (512, 512)), 'emb_b1': w(3, (512,)),
        'emb_W2': w(4, (512, 512)), 'emb_b2': w(5, (512,)),
        'ker_W': w(6, (512, 512)), 'ker_b': w(7, (512,)),
        'agg_W': w(8, (512, 512)), 'agg_b': w(9, (512,)),
        'wq': w(10, (512, 512)), 'wk': w(11, (512, 512)), 'wv': w(12, (512, 512)),
        'pe_W0': w(13, (512, 16)), 'pe_b0': w(14, (512,)),
        'pe_W1': w(15, (512, 512)), 'pe_b1': w(16, (512,)),
        'att_W0': w(17, (512, 512)), 'att_b0': w(18, (512,)),
        'att_W1': w(19, (512, 512)), 'att_b1': w(20, (512,)),
        'out_W': w(21, (3, 512)), 'out_b': w(22, (3,)),
    }
    events = jax.random.normal(ks[23], (1, 1024, 4), dtype=jnp.float32)
    return {'events': events, 'params': params}


def reference(events, params):
    return _forward(events, params)

if __name__ == "__main__":
    import jax
    _d = setup_inputs()
    print(jax.jit(kernel)(*tuple(_d.values())))

</pallas_src>

<mosaic_0001>
#map = affine_map<(d0, d1) -> (0, 0)>
#map1 = affine_map<(d0, d1) -> (0)>
module attributes {stable_mosaic.version = 14 : i64} {
  func.func @gat(%arg0: i32, %arg1: i32, %arg2: memref<2048x640xf32, #tpu.memory_space<hbm>>, %arg3: memref<16384xi32, #tpu.memory_space<hbm>>, %arg4: memref<16384x640xf32, #tpu.memory_space<hbm>>, %arg5: memref<512xi32, #tpu.memory_space<vmem>>, %arg6: memref<64x640xf32, #tpu.memory_space<vmem>>, %arg7: memref<64x640xf32, #tpu.memory_space<vmem>>, %arg8: memref<!tpu.dma_semaphore, #tpu.memory_space<semaphore_mem>>, %arg9: memref<!tpu.dma_semaphore, #tpu.memory_space<semaphore_mem>>, %arg10: memref<!tpu.dma_semaphore, #tpu.memory_space<semaphore_mem>>) attributes {dimension_semantics = [#tpu.dimension_semantics<core_parallel>, #tpu.dimension_semantics<subcore_parallel>], iteration_bounds = array<i64: 2, 16>, scalar_prefetch = 0 : i64, scratch_operands = 6 : i64, tpu.core_type = #tpu.core_type<sc_vector_subcore>, window_params = [{transform_indices = #map}, {transform_indices = #map1}, {transform_indices = #map}]} {
    %mul3A = arith.constant 2 : i32
    %mul3A_0 = arith.muli %arg1, %mul3A : i32
    %add3A = arith.addi %mul3A_0, %arg0 : i32
    %mul3A_1 = arith.constant 512 : i32
    %mul3A_2 = arith.muli %add3A, %mul3A_1 : i32
    "tpu.region"() ({
      %run_scoped3A = tpu.sem_alloc : memref<!tpu.dma_semaphore, #tpu.memory_space<semaphore_mem>>
      %dma_start3A_161 = tpu.memref_slice %arg3[%mul3A_2] : memref<16384xi32, #tpu.memory_space<hbm>> -> memref<512xi32, #tpu.memory_space<hbm>>
      %dma_start3A_162 = tpu.memref_slice %arg3[%mul3A_2] : memref<16384xi32, #tpu.memory_space<hbm>> -> memref<512xi32, #tpu.memory_space<hbm>>
      tpu.enqueue_dma source(%dma_start3A_162 : memref<512xi32, #tpu.memory_space<hbm>>) target(%arg5 : memref<512xi32, #tpu.memory_space<vmem>>) target_semaphore(%run_scoped3A : memref<!tpu.dma_semaphore, #tpu.memory_space<semaphore_mem>>)
      %dma_wait3A_163 = tpu.memref_slice %arg3[%mul3A_2] : memref<16384xi32, #tpu.memory_space<hbm>> -> memref<512xi32, #tpu.memory_space<hbm>>
      %dma_wait3A_164 = tpu.memref_slice %arg3[%mul3A_2] : memref<16384xi32, #tpu.memory_space<hbm>> -> memref<512xi32, #tpu.memory_space<hbm>>
      tpu.wait_dma2 semaphore(%run_scoped3A : memref<!tpu.dma_semaphore, #tpu.memory_space<semaphore_mem>>) src(%dma_wait3A_164 : memref<512xi32, #tpu.memory_space<hbm>>) dst(%arg5 : memref<512xi32, #tpu.memory_space<vmem>>)
      tpu.yield
    }) : () -> ()
    %dma_start3A = arith.constant 0 : i32
    %dma_start3A_3 = tpu.memref_slice %arg5[%dma_start3A] : memref<512xi32, #tpu.memory_space<vmem>> -> memref<64xi32, #tpu.memory_space<vmem>>
    %dma_start3A_4 = arith.constant 0 : i32
    %dma_start3A_5 = arith.constant 0 : i32
    %dma_start3A_6 = tpu.memref_slice %arg2[%dma_start3A_4, %dma_start3A_5] : memref<2048x640xf32, #tpu.memory_space<hbm>> -> memref<2048x640xf32, #tpu.memory_space<hbm>>
    tpu.enqueue_indirect_dma source(%dma_start3A_6 : memref<2048x640xf32, #tpu.memory_space<hbm>>) target(%arg6 : memref<64x640xf32, #tpu.memory_space<vmem>>) offsets(%dma_start3A_3 : memref<64xi32, #tpu.memory_space<vmem>>) semaphore(%arg8 : memref<!tpu.dma_semaphore, #tpu.memory_space<semaphore_mem>>)
    %dma_wait3A = arith.constant 0 : i32
    %dma_wait3A_7 = tpu.memref_slice %arg5[%dma_wait3A] : memref<512xi32, #tpu.memory_space<vmem>> -> memref<64xi32, #tpu.memory_space<vmem>>
    %dma_wait3A_8 = arith.constant 0 : i32
    %dma_wait3A_9 = arith.constant 0 : i32
    %dma_wait3A_10 = tpu.memref_slice %arg2[%dma_wait3A_8, %dma_wait3A_9] : memref<2048x640xf32, #tpu.memory_space<hbm>> -> memref<2048x640xf32, #tpu.memory_space<hbm>>
    tpu.wait_indirect_dma semaphore(%arg8 : memref<!tpu.dma_semaphore, #tpu.memory_space<semaphore_mem>>) src(%dma_wait3A_10 : memref<2048x640xf32, #tpu.memory_space<hbm>>) dst(%arg6 : memref<64x640xf32, #tpu.memory_space<vmem>>)
    %add3A_11 = arith.constant 0 : i32
    %add3A_12 = arith.addi %mul3A_2, %add3A_11 : i32
    %dma_start3A_13 = arith.constant 0 : i32
    %dma_start3A_14 = tpu.memref_slice %arg4[%add3A_12, %dma_start3A_13] : memref<16384x640xf32, #tpu.memory_space<hbm>> -> memref<64x640xf32, #tpu.memory_space<hbm>>
    %dma_start3A_15 = arith.constant 0 : i32
    %dma_start3A_16 = tpu.memref_slice %arg4[%add3A_12, %dma_start3A_15] : memref<16384x640xf32, #tpu.memory_space<hbm>> -> memref<64x640xf32, #tpu.memory_space<hbm>>
    tpu.enqueue_dma source(%arg6 : memref<64x640xf32, #tpu.memory_space<vmem>>) target(%dma_start3A_16 : memref<64x640xf32, #tpu.memory_space<hbm>>) target_semaphore(%arg9 : memref<!tpu.dma_semaphore, #tpu.memory_space<semaphore_mem>>)
    %dma_start3A_17 = arith.constant 64 : i32
    %dma_start3A_18 = tpu.memref_slice %arg5[%dma_start3A_17] : memref<512xi32, #tpu.memory_space<vmem>> -> memref<64xi32, #tpu.memory_space<vmem>>
    %dma_start3A_19 = arith.constant 0 : i32
    %dma_start3A_20 = arith.constant 0 : i32
    %dma_start3A_21 = tpu.memref_slice %arg2[%dma_start3A_19, %dma_start3A_20] : memref<2048x640xf32, #tpu.memory_space<hbm>> -> memref<2048x640xf32, #tpu.memory_space<hbm>>
    tpu.enqueue_indirect_dma source(%dma_start3A_21 : memref<2048x640xf32, #tpu.memory_space<hbm>>) target(%arg7 : memref<64x640xf32, #tpu.memory_space<vmem>>) offsets(%dma_start3A_18 : memref<64xi32, #tpu.memory_space<vmem>>) semaphore(%arg8 : memref<!tpu.dma_semaphore, #tpu.memory_space<semaphore_mem>>)
    %dma_wait3A_22 = arith.constant 64 : i32
    %dma_wait3A_23 = tpu.memref_slice %arg5[%dma_wait3A_22] : memref<512xi32, #tpu.memory_space<vmem>> -> memref<64xi32, #tpu.memory_space<vmem>>
    %dma_wait3A_24 = arith.constant 0 : i32
    %dma_wait3A_25 = arith.constant 0 : i32
    %dma_wait3A_26 = tpu.memref_slice %arg2[%dma_wait3A_24, %dma_wait3A_25] : memref<2048x640xf32, #tpu.memory_space<hbm>> -> memref<2048x640xf32, #tpu.memory_space<hbm>>
    tpu.wait_indirect_dma semaphore(%arg8 : memref<!tpu.dma_semaphore, #tpu.memory_space<semaphore_mem>>) src(%dma_wait3A_26 : memref<2048x640xf32, #tpu.memory_space<hbm>>) dst(%arg7 : memref<64x640xf32, #tpu.memory_space<vmem>>)
    %add3A_27 = arith.constant 64 : i32
    %add3A_28 = arith.addi %mul3A_2, %add3A_27 : i32
    %dma_start3A_29 = arith.constant 0 : i32
    %dma_start3A_30 = tpu.memref_slice %arg4[%add3A_28, %dma_start3A_29] : memref<16384x640xf32, #tpu.memory_space<hbm>> -> memref<64x640xf32, #tpu.memory_space<hbm>>
    %dma_start3A_31 = arith.constant 0 : i32
    %dma_start3A_32 = tpu.memref_slice %arg4[%add3A_28, %dma_start3A_31] : memref<16384x640xf32, #tpu.memory_space<hbm>> -> memref<64x640xf32, #tpu.memory_space<hbm>>
    tpu.enqueue_dma source(%arg7 : memref<64x640xf32, #tpu.memory_space<vmem>>) target(%dma_start3A_32 : memref<64x640xf32, #tpu.memory_space<hbm>>) target_semaphore(%arg10 : memref<!tpu.dma_semaphore, #tpu.memory_space<semaphore_mem>>)
    %dma_wait3A_33 = arith.constant 0 : i32
    %dma_wait3A_34 = tpu.memref_slice %arg4[%add3A_12, %dma_wait3A_33] : memref<16384x640xf32, #tpu.memory_space<hbm>> -> memref<64x640xf32, #tpu.memory_space<hbm>>
    %dma_wait3A_35 = arith.constant 0 : i32
    %dma_wait3A_36 = tpu.memref_slice %arg4[%add3A_12, %dma_wait3A_35] : memref<16384x640xf32, #tpu.memory_space<hbm>> -> memref<64x640xf32, #tpu.memory_space<hbm>>
    tpu.wait_dma2 semaphore(%arg9 : memref<!tpu.dma_semaphore, #tpu.memory_space<semaphore_mem>>) src(%arg6 : memref<64x640xf32, #tpu.memory_space<vmem>>) dst(%dma_wait3A_36 : memref<64x640xf32, #tpu.memory_space<hbm>>)
    %dma_start3A_37 = arith.constant 128 : i32
    %dma_start3A_38 = tpu.memref_slice %arg5[%dma_start3A_37] : memref<512xi32, #tpu.memory_space<vmem>> -> memref<64xi32, #tpu.memory_space<vmem>>
    %dma_start3A_39 = arith.constant 0 : i32
    %dma_start3A_40 = arith.constant 0 : i32
    %dma_start3A_41 = tpu.memref_slice %arg2[%dma_start3A_39, %dma_start3A_40] : memref<2048x640xf32, #tpu.memory_space<hbm>> -> memref<2048x640xf32, #tpu.memory_space<hbm>>
    tpu.enqueue_indirect_dma source(%dma_start3A_41 : memref<2048x640xf32, #tpu.memory_space<hbm>>) target(%arg6 : memref<64x640xf32, #tpu.memory_space<vmem>>) offsets(%dma_start3A_38 : memref<64xi32, #tpu.memory_space<vmem>>) semaphore(%arg8 : memref<!tpu.dma_semaphore, #tpu.memory_space<semaphore_mem>>)
    %dma_wait3A_42 = arith.constant 128 : i32
    %dma_wait3A_43 = tpu.memref_slice %arg5[%dma_wait3A_42] : memref<512xi32, #tpu.memory_space<vmem>> -> memref<64xi32, #tpu.memory_space<vmem>>
    %dma_wait3A_44 = arith.constant 0 : i32
    %dma_wait3A_45 = arith.constant 0 : i32
    %dma_wait3A_46 = tpu.memref_slice %arg2[%dma_wait3A_44, %dma_wait3A_45] : memref<2048x640xf32, #tpu.memory_space<hbm>> -> memref<2048x640xf32, #tpu.memory_space<hbm>>
    tpu.wait_indirect_dma semaphore(%arg8 : memref<!tpu.dma_semaphore, #tpu.memory_space<semaphore_mem>>) src(%dma_wait3A_46 : memref<2048x640xf32, #tpu.memory_space<hbm>>) dst(%arg6 : memref<64x640xf32, #tpu.memory_space<vmem>>)
    %add3A_47 = arith.constant 128 : i32
    %add3A_48 = arith.addi %mul3A_2, %add3A_47 : i32
    %dma_start3A_49 = arith.constant 0 : i32
    %dma_start3A_50 = tpu.memref_slice %arg4[%add3A_48, %dma_start3A_49] : memref<16384x640xf32, #tpu.memory_space<hbm>> -> memref<64x640xf32, #tpu.memory_space<hbm>>
    %dma_start3A_51 = arith.constant 0 : i32
    %dma_start3A_52 = tpu.memref_slice %arg4[%add3A_48, %dma_start3A_51] : memref<16384x640xf32, #tpu.memory_space<hbm>> -> memref<64x640xf32, #tpu.memory_space<hbm>>
    tpu.enqueue_dma source(%arg6 : memref<64x640xf32, #tpu.memory_space<vmem>>) target(%dma_start3A_52 : memref<64x640xf32, #tpu.memory_space<hbm>>) target_semaphore(%arg9 : memref<!tpu.dma_semaphore, #tpu.memory_space<semaphore_mem>>)
    %dma_wait3A_53 = arith.constant 0 : i32
    %dma_wait3A_54 = tpu.memref_slice %arg4[%add3A_28, %dma_wait3A_53] : memref<16384x640xf32, #tpu.memory_space<hbm>> -> memref<64x640xf32, #tpu.memory_space<hbm>>
    %dma_wait3A_55 = arith.constant 0 : i32
    %dma_wait3A_56 = tpu.memref_slice %arg4[%add3A_28, %dma_wait3A_55] : memref<16384x640xf32, #tpu.memory_space<hbm>> -> memref<64x640xf32, #tpu.memory_space<hbm>>
    tpu.wait_dma2 semaphore(%arg10 : memref<!tpu.dma_semaphore, #tpu.memory_space<semaphore_mem>>) src(%arg7 : memref<64x640xf32, #tpu.memory_space<vmem>>) dst(%dma_wait3A_56 : memref<64x640xf32, #tpu.memory_space<hbm>>)
    %dma_start3A_57 = arith.constant 192 : i32
    %dma_start3A_58 = tpu.memref_slice %arg5[%dma_start3A_57] : memref<512xi32, #tpu.memory_space<vmem>> -> memref<64xi32, #tpu.memory_space<vmem>>
    %dma_start3A_59 = arith.constant 0 : i32
    %dma_start3A_60 = arith.constant 0 : i32
    %dma_start3A_61 = tpu.memref_slice %arg2[%dma_start3A_59, %dma_start3A_60] : memref<2048x640xf32, #tpu.memory_space<hbm>> -> memref<2048x640xf32, #tpu.memory_space<hbm>>
    tpu.enqueue_indirect_dma source(%dma_start3A_61 : memref<2048x640xf32, #tpu.memory_space<hbm>>) target(%arg7 : memref<64x640xf32, #tpu.memory_space<vmem>>) offsets(%dma_start3A_58 : memref<64xi32, #tpu.memory_space<vmem>>) semaphore(%arg8 : memref<!tpu.dma_semaphore, #tpu.memory_space<semaphore_mem>>)
    %dma_wait3A_62 = arith.constant 192 : i32
    %dma_wait3A_63 = tpu.memref_slice %arg5[%dma_wait3A_62] : memref<512xi32, #tpu.memory_space<vmem>> -> memref<64xi32, #tpu.memory_space<vmem>>
    %dma_wait3A_64 = arith.constant 0 : i32
    %dma_wait3A_65 = arith.constant 0 : i32
    %dma_wait3A_66 = tpu.memref_slice %arg2[%dma_wait3A_64, %dma_wait3A_65] : memref<2048x640xf32, #tpu.memory_space<hbm>> -> memref<2048x640xf32, #tpu.memory_space<hbm>>
    tpu.wait_indirect_dma semaphore(%arg8 : memref<!tpu.dma_semaphore, #tpu.memory_space<semaphore_mem>>) src(%dma_wait3A_66 : memref<2048x640xf32, #tpu.memory_space<hbm>>) dst(%arg7 : memref<64x640xf32, #tpu.memory_space<vmem>>)
    %add3A_67 = arith.constant 192 : i32
    %add3A_68 = arith.addi %mul3A_2, %add3A_67 : i32
    %dma_start3A_69 = arith.constant 0 : i32
    %dma_start3A_70 = tpu.memref_slice %arg4[%add3A_68, %dma_start3A_69] : memref<16384x640xf32, #tpu.memory_space<hbm>> -> memref<64x640xf32, #tpu.memory_space<hbm>>
    %dma_start3A_71 = arith.constant 0 : i32
    %dma_start3A_72 = tpu.memref_slice %arg4[%add3A_68, %dma_start3A_71] : memref<16384x640xf32, #tpu.memory_space<hbm>> -> memref<64x640xf32, #tpu.memory_space<hbm>>
    tpu.enqueue_dma source(%arg7 : memref<64x640xf32, #tpu.memory_space<vmem>>) target(%dma_start3A_72 : memref<64x640xf32, #tpu.memory_space<hbm>>) target_semaphore(%arg10 : memref<!tpu.dma_semaphore, #tpu.memory_space<semaphore_mem>>)
    %dma_wait3A_73 = arith.constant 0 : i32
    %dma_wait3A_74 = tpu.memref_slice %arg4[%add3A_48, %dma_wait3A_73] : memref<16384x640xf32, #tpu.memory_space<hbm>> -> memref<64x640xf32, #tpu.memory_space<hbm>>
    %dma_wait3A_75 = arith.constant 0 : i32
    %dma_wait3A_76 = tpu.memref_slice %arg4[%add3A_48, %dma_wait3A_75] : memref<16384x640xf32, #tpu.memory_space<hbm>> -> memref<64x640xf32, #tpu.memory_space<hbm>>
    tpu.wait_dma2 semaphore(%arg9 : memref<!tpu.dma_semaphore, #tpu.memory_space<semaphore_mem>>) src(%arg6 : memref<64x640xf32, #tpu.memory_space<vmem>>) dst(%dma_wait3A_76 : memref<64x640xf32, #tpu.memory_space<hbm>>)
    %dma_start3A_77 = arith.constant 256 : i32
    %dma_start3A_78 = tpu.memref_slice %arg5[%dma_start3A_77] : memref<512xi32, #tpu.memory_space<vmem>> -> memref<64xi32, #tpu.memory_space<vmem>>
    %dma_start3A_79 = arith.constant 0 : i32
    %dma_start3A_80 = arith.constant 0 : i32
    %dma_start3A_81 = tpu.memref_slice %arg2[%dma_start3A_79, %dma_start3A_80] : memref<2048x640xf32, #tpu.memory_space<hbm>> -> memref<2048x640xf32, #tpu.memory_space<hbm>>
    tpu.enqueue_indirect_dma source(%dma_start3A_81 : memref<2048x640xf32, #tpu.memory_space<hbm>>) target(%arg6 : memref<64x640xf32, #tpu.memory_space<vmem>>) offsets(%dma_start3A_78 : memref<64xi32, #tpu.memory_space<vmem>>) semaphore(%arg8 : memref<!tpu.dma_semaphore, #tpu.memory_space<semaphore_mem>>)
    %dma_wait3A_82 = arith.constant 256 : i32
    %dma_wait3A_83 = tpu.memref_slice %arg5[%dma_wait3A_82] : memref<512xi32, #tpu.memory_space<vmem>> -> memref<64xi32, #tpu.memory_space<vmem>>
    %dma_wait3A_84 = arith.constant 0 : i32
    %dma_wait3A_85 = arith.constant 0 : i32
    %dma_wait3A_86 = tpu.memref_slice %arg2[%dma_wait3A_84, %dma_wait3A_85] : memref<2048x640xf32, #tpu.memory_space<hbm>> -> memref<2048x640xf32, #tpu.memory_space<hbm>>
    tpu.wait_indirect_dma semaphore(%arg8 : memref<!tpu.dma_semaphore, #tpu.memory_space<semaphore_mem>>) src(%dma_wait3A_86 : memref<2048x640xf32, #tpu.memory_space<hbm>>) dst(%arg6 : memref<64x640xf32, #tpu.memory_space<vmem>>)
    %add3A_87 = arith.constant 256 : i32
    %add3A_88 = arith.addi %mul3A_2, %add3A_87 : i32
    %dma_start3A_89 = arith.constant 0 : i32
    %dma_start3A_90 = tpu.memref_slice %arg4[%add3A_88, %dma_start3A_89] : memref<16384x640xf32, #tpu.memory_space<hbm>> -> memref<64x640xf32, #tpu.memory_space<hbm>>
    %dma_start3A_91 = arith.constant 0 : i32
    %dma_start3A_92 = tpu.memref_slice %arg4[%add3A_88, %dma_start3A_91] : memref<16384x640xf32, #tpu.memory_space<hbm>> -> memref<64x640xf32, #tpu.memory_space<hbm>>
    tpu.enqueue_dma source(%arg6 : memref<64x640xf32, #tpu.memory_space<vmem>>) target(%dma_start3A_92 : memref<64x640xf32, #tpu.memory_space<hbm>>) target_semaphore(%arg9 : memref<!tpu.dma_semaphore, #tpu.memory_space<semaphore_mem>>)
    %dma_wait3A_93 = arith.constant 0 : i32
    %dma_wait3A_94 = tpu.memref_slice %arg4[%add3A_68, %dma_wait3A_93] : memref<16384x640xf32, #tpu.memory_space<hbm>> -> memref<64x640xf32, #tpu.memory_space<hbm>>
    %dma_wait3A_95 = arith.constant 0 : i32
    %dma_wait3A_96 = tpu.memref_slice %arg4[%add3A_68, %dma_wait3A_95] : memref<16384x640xf32, #tpu.memory_space<hbm>> -> memref<64x640xf32, #tpu.memory_space<hbm>>
    tpu.wait_dma2 semaphore(%arg10 : memref<!tpu.dma_semaphore, #tpu.memory_space<semaphore_mem>>) src(%arg7 : memref<64x640xf32, #tpu.memory_space<vmem>>) dst(%dma_wait3A_96 : memref<64x640xf32, #tpu.memory_space<hbm>>)
    %dma_start3A_97 = arith.constant 320 : i32
    %dma_start3A_98 = tpu.memref_slice %arg5[%dma_start3A_97] : memref<512xi32, #tpu.memory_space<vmem>> -> memref<64xi32, #tpu.memory_space<vmem>>
    %dma_start3A_99 = arith.constant 0 : i32
    %dma_start3A_100 = arith.constant 0 : i32
    %dma_start3A_101 = tpu.memref_slice %arg2[%dma_start3A_99, %dma_start3A_100] : memref<2048x640xf32, #tpu.memory_space<hbm>> -> memref<2048x640xf32, #tpu.memory_space<hbm>>
    tpu.enqueue_indirect_dma source(%dma_start3A_101 : memref<2048x640xf32, #tpu.memory_space<hbm>>) target(%arg7 : memref<64x640xf32, #tpu.memory_space<vmem>>) offsets(%dma_start3A_98 : memref<64xi32, #tpu.memory_space<vmem>>) semaphore(%arg8 : memref<!tpu.dma_semaphore, #tpu.memory_space<semaphore_mem>>)
    %dma_wait3A_102 = arith.constant 320 : i32
    %dma_wait3A_103 = tpu.memref_slice %arg5[%dma_wait3A_102] : memref<512xi32, #tpu.memory_space<vmem>> -> memref<64xi32, #tpu.memory_space<vmem>>
    %dma_wait3A_104 = arith.constant 0 : i32
    %dma_wait3A_105 = arith.constant 0 : i32
    %dma_wait3A_106 = tpu.memref_slice %arg2[%dma_wait3A_104, %dma_wait3A_105] : memref<2048x640xf32, #tpu.memory_space<hbm>> -> memref<2048x640xf32, #tpu.memory_space<hbm>>
    tpu.wait_indirect_dma semaphore(%arg8 : memref<!tpu.dma_semaphore, #tpu.memory_space<semaphore_mem>>) src(%dma_wait3A_106 : memref<2048x640xf32, #tpu.memory_space<hbm>>) dst(%arg7 : memref<64x640xf32, #tpu.memory_space<vmem>>)
    %add3A_107 = arith.constant 320 : i32
    %add3A_108 = arith.addi %mul3A_2, %add3A_107 : i32
    %dma_start3A_109 = arith.constant 0 : i32
    %dma_start3A_110 = tpu.memref_slice %arg4[%add3A_108, %dma_start3A_109] : memref<16384x640xf32, #tpu.memory_space<hbm>> -> memref<64x640xf32, #tpu.memory_space<hbm>>
    %dma_start3A_111 = arith.constant 0 : i32
    %dma_start3A_112 = tpu.memref_slice %arg4[%add3A_108, %dma_start3A_111] : memref<16384x640xf32, #tpu.memory_space<hbm>> -> memref<64x640xf32, #tpu.memory_space<hbm>>
    tpu.enqueue_dma source(%arg7 : memref<64x640xf32, #tpu.memory_space<vmem>>) target(%dma_start3A_112 : memref<64x640xf32, #tpu.memory_space<hbm>>) target_semaphore(%arg10 : memref<!tpu.dma_semaphore, #tpu.memory_space<semaphore_mem>>)
    %dma_wait3A_113 = arith.constant 0 : i32
    %dma_wait3A_114 = tpu.memref_slice %arg4[%add3A_88, %dma_wait3A_113] : memref<16384x640xf32, #tpu.memory_space<hbm>> -> memref<64x640xf32, #tpu.memory_space<hbm>>
    %dma_wait3A_115 = arith.constant 0 : i32
    %dma_wait3A_116 = tpu.memref_slice %arg4[%add3A_88, %dma_wait3A_115] : memref<16384x640xf32, #tpu.memory_space<hbm>> -> memref<64x640xf32, #tpu.memory_space<hbm>>
    tpu.wait_dma2 semaphore(%arg9 : memref<!tpu.dma_semaphore, #tpu.memory_space<semaphore_mem>>) src(%arg6 : memref<64x640xf32, #tpu.memory_space<vmem>>) dst(%dma_wait3A_116 : memref<64x640xf32, #tpu.memory_space<hbm>>)
    %dma_start3A_117 = arith.constant 384 : i32
    %dma_start3A_118 = tpu.memref_slice %arg5[%dma_start3A_117] : memref<512xi32, #tpu.memory_space<vmem>> -> memref<64xi32, #tpu.memory_space<vmem>>
    %dma_start3A_119 = arith.constant 0 : i32
    %dma_start3A_120 = arith.constant 0 : i32
    %dma_start3A_121 = tpu.memref_slice %arg2[%dma_start3A_119, %dma_start3A_120] : memref<2048x640xf32, #tpu.memory_space<hbm>> -> memref<2048x640xf32, #tpu.memory_space<hbm>>
    tpu.enqueue_indirect_dma source(%dma_start3A_121 : memref<2048x640xf32, #tpu.memory_space<hbm>>) target(%arg6 : memref<64x640xf32, #tpu.memory_space<vmem>>) offsets(%dma_start3A_118 : memref<64xi32, #tpu.memory_space<vmem>>) semaphore(%arg8 : memref<!tpu.dma_semaphore, #tpu.memory_space<semaphore_mem>>)
    %dma_wait3A_122 = arith.constant 384 : i32
    %dma_wait3A_123 = tpu.memref_slice %arg5[%dma_wait3A_122] : memref<512xi32, #tpu.memory_space<vmem>> -> memref<64xi32, #tpu.memory_space<vmem>>
    %dma_wait3A_124 = arith.constant 0 : i32
    %dma_wait3A_125 = arith.constant 0 : i32
    %dma_wait3A_126 = tpu.memref_slice %arg2[%dma_wait3A_124, %dma_wait3A_125] : memref<2048x640xf32, #tpu.memory_space<hbm>> -> memref<2048x640xf32, #tpu.memory_space<hbm>>
    tpu.wait_indirect_dma semaphore(%arg8 : memref<!tpu.dma_semaphore, #tpu.memory_space<semaphore_mem>>) src(%dma_wait3A_126 : memref<2048x640xf32, #tpu.memory_space<hbm>>) dst(%arg6 : memref<64x640xf32, #tpu.memory_space<vmem>>)
    %add3A_127 = arith.constant 384 : i32
    %add3A_128 = arith.addi %mul3A_2, %add3A_127 : i32
    %dma_start3A_129 = arith.constant 0 : i32
    %dma_start3A_130 = tpu.memref_slice %arg4[%add3A_128, %dma_start3A_129] : memref<16384x640xf32, #tpu.memory_space<hbm>> -> memref<64x640xf32, #tpu.memory_space<hbm>>
    %dma_start3A_131 = arith.constant 0 : i32
    %dma_start3A_132 = tpu.memref_slice %arg4[%add3A_128, %dma_start3A_131] : memref<16384x640xf32, #tpu.memory_space<hbm>> -> memref<64x640xf32, #tpu.memory_space<hbm>>
    tpu.enqueue_dma source(%arg6 : memref<64x640xf32, #tpu.memory_space<vmem>>) target(%dma_start3A_132 : memref<64x640xf32, #tpu.memory_space<hbm>>) target_semaphore(%arg9 : memref<!tpu.dma_semaphore, #tpu.memory_space<semaphore_mem>>)
    %dma_wait3A_133 = arith.constant 0 : i32
    %dma_wait3A_134 = tpu.memref_slice %arg4[%add3A_108, %dma_wait3A_133] : memref<16384x640xf32, #tpu.memory_space<hbm>> -> memref<64x640xf32, #tpu.memory_space<hbm>>
    %dma_wait3A_135 = arith.constant 0 : i32
    %dma_wait3A_136 = tpu.memref_slice %arg4[%add3A_108, %dma_wait3A_135] : memref<16384x640xf32, #tpu.memory_space<hbm>> -> memref<64x640xf32, #tpu.memory_space<hbm>>
    tpu.wait_dma2 semaphore(%arg10 : memref<!tpu.dma_semaphore, #tpu.memory_space<semaphore_mem>>) src(%arg7 : memref<64x640xf32, #tpu.memory_space<vmem>>) dst(%dma_wait3A_136 : memref<64x640xf32, #tpu.memory_space<hbm>>)
    %dma_start3A_137 = arith.constant 448 : i32
    %dma_start3A_138 = tpu.memref_slice %arg5[%dma_start3A_137] : memref<512xi32, #tpu.memory_space<vmem>> -> memref<64xi32, #tpu.memory_space<vmem>>
    %dma_start3A_139 = arith.constant 0 : i32
    %dma_start3A_140 = arith.constant 0 : i32
    %dma_start3A_141 = tpu.memref_slice %arg2[%dma_start3A_139, %dma_start3A_140] : memref<2048x640xf32, #tpu.memory_space<hbm>> -> memref<2048x640xf32, #tpu.memory_space<hbm>>
    tpu.enqueue_indirect_dma source(%dma_start3A_141 : memref<2048x640xf32, #tpu.memory_space<hbm>>) target(%arg7 : memref<64x640xf32, #tpu.memory_space<vmem>>) offsets(%dma_start3A_138 : memref<64xi32, #tpu.memory_space<vmem>>) semaphore(%arg8 : memref<!tpu.dma_semaphore, #tpu.memory_space<semaphore_mem>>)
    %dma_wait3A_142 = arith.constant 448 : i32
    %dma_wait3A_143 = tpu.memref_slice %arg5[%dma_wait3A_142] : memref<512xi32, #tpu.memory_space<vmem>> -> memref<64xi32, #tpu.memory_space<vmem>>
    %dma_wait3A_144 = arith.constant 0 : i32
    %dma_wait3A_145 = arith.constant 0 : i32
    %dma_wait3A_146 = tpu.memref_slice %arg2[%dma_wait3A_144, %dma_wait3A_145] : memref<2048x640xf32, #tpu.memory_space<hbm>> -> memref<2048x640xf32, #tpu.memory_space<hbm>>
    tpu.wait_indirect_dma semaphore(%arg8 : memref<!tpu.dma_semaphore, #tpu.memory_space<semaphore_mem>>) src(%dma_wait3A_146 : memref<2048x640xf32, #tpu.memory_space<hbm>>) dst(%arg7 : memref<64x640xf32, #tpu.memory_space<vmem>>)
    %add3A_147 = arith.constant 448 : i32
    %add3A_148 = arith.addi %mul3A_2, %add3A_147 : i32
    %dma_start3A_149 = arith.constant 0 : i32
    %dma_start3A_150 = tpu.memref_slice %arg4[%add3A_148, %dma_start3A_149] : memref<16384x640xf32, #tpu.memory_space<hbm>> -> memref<64x640xf32, #tpu.memory_space<hbm>>
    %dma_start3A_151 = arith.constant 0 : i32
    %dma_start3A_152 = tpu.memref_slice %arg4[%add3A_148, %dma_start3A_151] : memref<16384x640xf32, #tpu.memory_space<hbm>> -> memref<64x640xf32, #tpu.memory_space<hbm>>
    tpu.enqueue_dma source(%arg7 : memref<64x640xf32, #tpu.memory_space<vmem>>) target(%dma_start3A_152 : memref<64x640xf32, #tpu.memory_space<hbm>>) target_semaphore(%arg10 : memref<!tpu.dma_semaphore, #tpu.memory_space<semaphore_mem>>)
    %dma_wait3A_153 = arith.constant 0 : i32
    %dma_wait3A_154 = tpu.memref_slice %arg4[%add3A_128, %dma_wait3A_153] : memref<16384x640xf32, #tpu.memory_space<hbm>> -> memref<64x640xf32, #tpu.memory_space<hbm>>
    %dma_wait3A_155 = arith.constant 0 : i32
    %dma_wait3A_156 = tpu.memref_slice %arg4[%add3A_128, %dma_wait3A_155] : memref<16384x640xf32, #tpu.memory_space<hbm>> -> memref<64x640xf32, #tpu.memory_space<hbm>>
    tpu.wait_dma2 semaphore(%arg9 : memref<!tpu.dma_semaphore, #tpu.memory_space<semaphore_mem>>) src(%arg6 : memref<64x640xf32, #tpu.memory_space<vmem>>) dst(%dma_wait3A_156 : memref<64x640xf32, #tpu.memory_space<hbm>>)
    %dma_wait3A_157 = arith.constant 0 : i32
    %dma_wait3A_158 = tpu.memref_slice %arg4[%add3A_148, %dma_wait3A_157] : memref<16384x640xf32, #tpu.memory_space<hbm>> -> memref<64x640xf32, #tpu.memory_space<hbm>>
    %dma_wait3A_159 = arith.constant 0 : i32
    %dma_wait3A_160 = tpu.memref_slice %arg4[%add3A_148, %dma_wait3A_159] : memref<16384x640xf32, #tpu.memory_space<hbm>> -> memref<64x640xf32, #tpu.memory_space<hbm>>
    tpu.wait_dma2 semaphore(%arg10 : memref<!tpu.dma_semaphore, #tpu.memory_space<semaphore_mem>>) src(%arg7 : memref<64x640xf32, #tpu.memory_space<vmem>>) dst(%dma_wait3A_160 : memref<64x640xf32, #tpu.memory_space<hbm>>)
    return
  }
}

#map = affine_map<(d0, d1) -> (0, 0)>
#map1 = affine_map<(d0, d1) -> (0)>
module attributes {stable_mosaic.version = 14 : i64} {
  func.func @gat(%arg0: i32, %arg1: i32, %arg2: memref<2048x640xf32, #tpu.memory_space<hbm>>, %arg3: memref<16384xi32, #tpu.memory_space<hbm>>, %arg4: memref<16384x640xf32, #tpu.memory_space<hbm>>, %arg5: memref<512xi32, #tpu.memory_space<vmem>>, %arg6: memref<64x640xf32, #tpu.memory_space<vmem>>, %arg7: memref<64x640xf32, #tpu.memory_space<vmem>>, %arg8: memref<!tpu.dma_semaphore, #tpu.memory_space<semaphore_mem>>, %arg9: memref<!tpu.dma_semaphore, #tpu.memory_space<semaphore_mem>>, %arg10: memref<!tpu.dma_semaphore, #tpu.memory_space<semaphore_mem>>) attributes {dimension_semantics = [#tpu.dimension_semantics<core_parallel>, #tpu.dimension_semantics<subcore_parallel>], iteration_bounds = array<i64: 2, 16>, scalar_prefetch = 0 : i64, scratch_operands = 6 : i64, tpu.core_type = #tpu.core_type<sc_vector_subcore>, window_params = [{transform_indices = #map}, {transform_indices = #map1}, {transform_indices = #map}]} {
    %mul3A = arith.constant 2 : i32
    %mul3A_0 = arith.muli %arg1, %mul3A : i32
    %add3A = arith.addi %mul3A_0, %arg0 : i32
    %mul3A_1 = arith.constant 512 : i32
    %mul3A_2 = arith.muli %add3A, %mul3A_1 : i32
    "tpu.region"() ({
      %run_scoped3A = tpu.sem_alloc : memref<!tpu.dma_semaphore, #tpu.memory_space<semaphore_mem>>
      %dma_start3A_161 = tpu.memref_slice %arg3[%mul3A_2] : memref<16384xi32, #tpu.memory_space<hbm>> -> memref<512xi32, #tpu.memory_space<hbm>>
      %dma_start3A_162 = tpu.memref_slice %arg3[%mul3A_2] : memref<16384xi32, #tpu.memory_space<hbm>> -> memref<512xi32, #tpu.memory_space<hbm>>
      tpu.enqueue_dma source(%dma_start3A_162 : memref<512xi32, #tpu.memory_space<hbm>>) target(%arg5 : memref<512xi32, #tpu.memory_space<vmem>>) target_semaphore(%run_scoped3A : memref<!tpu.dma_semaphore, #tpu.memory_space<semaphore_mem>>)
      %dma_wait3A_163 = tpu.memref_slice %arg3[%mul3A_2] : memref<16384xi32, #tpu.memory_space<hbm>> -> memref<512xi32, #tpu.memory_space<hbm>>
      %dma_wait3A_164 = tpu.memref_slice %arg3[%mul3A_2] : memref<16384xi32, #tpu.memory_space<hbm>> -> memref<512xi32, #tpu.memory_space<hbm>>
      tpu.wait_dma2 semaphore(%run_scoped3A : memref<!tpu.dma_semaphore, #tpu.memory_space<semaphore_mem>>) src(%dma_wait3A_164 : memref<512xi32, #tpu.memory_space<hbm>>) dst(%arg5 : memref<512xi32, #tpu.memory_space<vmem>>)
      tpu.yield
    }) : () -> ()
    %dma_start3A = arith.constant 0 : i32
    %dma_start3A_3 = tpu.memref_slice %arg5[%dma_start3A] : memref<512xi32, #tpu.memory_space<vmem>> -> memref<64xi32, #tpu.memory_space<vmem>>
    %dma_start3A_4 = arith.constant 0 : i32
    %dma_start3A_5 = arith.constant 0 : i32
    %dma_start3A_6 = tpu.memref_slice %arg2[%dma_start3A_4, %dma_start3A_5] : memref<2048x640xf32, #tpu.memory_space<hbm>> -> memref<2048x640xf32, #tpu.memory_space<hbm>>
    tpu.enqueue_indirect_dma source(%dma_start3A_6 : memref<2048x640xf32, #tpu.memory_space<hbm>>) target(%arg6 : memref<64x640xf32, #tpu.memory_space<vmem>>) offsets(%dma_start3A_3 : memref<64xi32, #tpu.memory_space<vmem>>) semaphore(%arg8 : memref<!tpu.dma_semaphore, #tpu.memory_space<semaphore_mem>>)
    %dma_wait3A = arith.constant 0 : i32
    %dma_wait3A_7 = tpu.memref_slice %arg5[%dma_wait3A] : memref<512xi32, #tpu.memory_space<vmem>> -> memref<64xi32, #tpu.memory_space<vmem>>
    %dma_wait3A_8 = arith.constant 0 : i32
    %dma_wait3A_9 = arith.constant 0 : i32
    %dma_wait3A_10 = tpu.memref_slice %arg2[%dma_wait3A_8, %dma_wait3A_9] : memref<2048x640xf32, #tpu.memory_space<hbm>> -> memref<2048x640xf32, #tpu.memory_space<hbm>>
    tpu.wait_indirect_dma semaphore(%arg8 : memref<!tpu.dma_semaphore, #tpu.memory_space<semaphore_mem>>) src(%dma_wait3A_10 : memref<2048x640xf32, #tpu.memory_space<hbm>>) dst(%arg6 : memref<64x640xf32, #tpu.memory_space<vmem>>)
    %add3A_11 = arith.constant 0 : i32
    %add3A_12 = arith.addi %mul3A_2, %add3A_11 : i32
    %dma_start3A_13 = arith.constant 0 : i32
    %dma_start3A_14 = tpu.memref_slice %arg4[%add3A_12, %dma_start3A_13] : memref<16384x640xf32, #tpu.memory_space<hbm>> -> memref<64x640xf32, #tpu.memory_space<hbm>>
    %dma_start3A_15 = arith.constant 0 : i32
    %dma_start3A_16 = tpu.memref_slice %arg4[%add3A_12, %dma_start3A_15] : memref<16384x640xf32, #tpu.memory_space<hbm>> -> memref<64x640xf32, #tpu.memory_space<hbm>>
    tpu.enqueue_dma source(%arg6 : memref<64x640xf32, #tpu.memory_space<vmem>>) target(%dma_start3A_16 : memref<64x640xf32, #tpu.memory_space<hbm>>) target_semaphore(%arg9 : memref<!tpu.dma_semaphore, #tpu.memory_space<semaphore_mem>>)
    %dma_start3A_17 = arith.constant 64 : i32
    %dma_start3A_18 = tpu.memref_slice %arg5[%dma_start3A_17] : memref<512xi32, #tpu.memory_space<vmem>> -> memref<64xi32, #tpu.memory_space<vmem>>
    %dma_start3A_19 = arith.constant 0 : i32
    %dma_start3A_20 = arith.constant 0 : i32
    %dma_start3A_21 = tpu.memref_slice %arg2[%dma_start3A_19, %dma_start3A_20] : memref<2048x640xf32, #tpu.memory_space<hbm>> -> memref<2048x640xf32, #tpu.memory_space<hbm>>
    tpu.enqueue_indirect_dma source(%dma_start3A_21 : memref<2048x640xf32, #tpu.memory_space<hbm>>) target(%arg7 : memref<64x640xf32, #tpu.memory_space<vmem>>) offsets(%dma_start3A_18 : memref<64xi32, #tpu.memory_space<vmem>>) semaphore(%arg8 : memref<!tpu.dma_semaphore, #tpu.memory_space<semaphore_mem>>)
    %dma_wait3A_22 = arith.constant 64 : i32
    %dma_wait3A_23 = tpu.memref_slice %arg5[%dma_wait3A_22] : memref<512xi32, #tpu.memory_space<vmem>> -> memref<64xi32, #tpu.memory_space<vmem>>
    %dma_wait3A_24 = arith.constant 0 : i32
    %dma_wait3A_25 = arith.constant 0 : i32
    %dma_wait3A_26 = tpu.memref_slice %arg2[%dma_wait3A_24, %dma_wait3A_25] : memref<2048x640xf32, #tpu.memory_space<hbm>> -> memref<2048x640xf32, #tpu.memory_space<hbm>>
    tpu.wait_indirect_dma semaphore(%arg8 : memref<!tpu.dma_semaphore, #tpu.memory_space<semaphore_mem>>) src(%dma_wait3A_26 : memref<2048x640xf32, #tpu.memory_space<hbm>>) dst(%arg7 : memref<64x640xf32, #tpu.memory_space<vmem>>)
    %add3A_27 = arith.constant 64 : i32
    %add3A_28 = arith.addi %mul3A_2, %add3A_27 : i32
    %dma_start3A_29 = arith.constant 0 : i32
    %dma_start3A_30 = tpu.memref_slice %arg4[%add3A_28, %dma_start3A_29] : memref<16384x640xf32, #tpu.memory_space<hbm>> -> memref<64x640xf32, #tpu.memory_space<hbm>>
    %dma_start3A_31 = arith.constant 0 : i32
    %dma_start3A_32 = tpu.memref_slice %arg4[%add3A_28, %dma_start3A_31] : memref<16384x640xf32, #tpu.memory_space<hbm>> -> memref<64x640xf32, #tpu.memory_space<hbm>>
    tpu.enqueue_dma source(%arg7 : memref<64x640xf32, #tpu.memory_space<vmem>>) target(%dma_start3A_32 : memref<64x640xf32, #tpu.memory_space<hbm>>) target_semaphore(%arg10 : memref<!tpu.dma_semaphore, #tpu.memory_space<semaphore_mem>>)
    %dma_wait3A_33 = arith.constant 0 : i32
    %dma_wait3A_34 = tpu.memref_slice %arg4[%add3A_12, %dma_wait3A_33] : memref<16384x640xf32, #tpu.memory_space<hbm>> -> memref<64x640xf32, #tpu.memory_space<hbm>>
    %dma_wait3A_35 = arith.constant 0 : i32
    %dma_wait3A_36 = tpu.memref_slice %arg4[%add3A_12, %dma_wait3A_35] : memref<16384x640xf32, #tpu.memory_space<hbm>> -> memref<64x640xf32, #tpu.memory_space<hbm>>
    tpu.wait_dma2 semaphore(%arg9 : memref<!tpu.dma_semaphore, #tpu.memory_space<semaphore_mem>>) src(%arg6 : memref<64x640xf32, #tpu.memory_space<vmem>>) dst(%dma_wait3A_36 : memref<64x640xf32, #tpu.memory_space<hbm>>)
    %dma_start3A_37 = arith.constant 128 : i32
    %dma_start3A_38 = tpu.memref_slice %arg5[%dma_start3A_37] : memref<512xi32, #tpu.memory_space<vmem>> -> memref<64xi32, #tpu.memory_space<vmem>>
    %dma_start3A_39 = arith.constant 0 : i32
    %dma_start3A_40 = arith.constant 0 : i32
    %dma_start3A_41 = tpu.memref_slice %arg2[%dma_start3A_39, %dma_start3A_40] : memref<2048x640xf32, #tpu.memory_space<hbm>> -> memref<2048x640xf32, #tpu.memory_space<hbm>>
    tpu.enqueue_indirect_dma source(%dma_start3A_41 : memref<2048x640xf32, #tpu.memory_space<hbm>>) target(%arg6 : memref<64x640xf32, #tpu.memory_space<vmem>>) offsets(%dma_start3A_38 : memref<64xi32, #tpu.memory_space<vmem>>) semaphore(%arg8 : memref<!tpu.dma_semaphore, #tpu.memory_space<semaphore_mem>>)
    %dma_wait3A_42 = arith.constant 128 : i32
    %dma_wait3A_43 = tpu.memref_slice %arg5[%dma_wait3A_42] : memref<512xi32, #tpu.memory_space<vmem>> -> memref<64xi32, #tpu.memory_space<vmem>>
    %dma_wait3A_44 = arith.constant 0 : i32
    %dma_wait3A_45 = arith.constant 0 : i32
    %dma_wait3A_46 = tpu.memref_slice %arg2[%dma_wait3A_44, %dma_wait3A_45] : memref<2048x640xf32, #tpu.memory_space<hbm>> -> memref<2048x640xf32, #tpu.memory_space<hbm>>
    tpu.wait_indirect_dma semaphore(%arg8 : memref<!tpu.dma_semaphore, #tpu.memory_space<semaphore_mem>>) src(%dma_wait3A_46 : memref<2048x640xf32, #tpu.memory_space<hbm>>) dst(%arg6 : memref<64x640xf32, #tpu.memory_space<vmem>>)
    %add3A_47 = arith.constant 128 : i32
    %add3A_48 = arith.addi %mul3A_2, %add3A_47 : i32
    %dma_start3A_49 = arith.constant 0 : i32
    %dma_start3A_50 = tpu.memref_slice %arg4[%add3A_48, %dma_start3A_49] : memref<16384x640xf32, #tpu.memory_space<hbm>> -> memref<64x640xf32, #tpu.memory_space<hbm>>
    %dma_start3A_51 = arith.constant 0 : i32
    %dma_start3A_52 = tpu.memref_slice %arg4[%add3A_48, %dma_start3A_51] : memref<16384x640xf32, #tpu.memory_space<hbm>> -> memref<64x640xf32, #tpu.memory_space<hbm>>
    tpu.enqueue_dma source(%arg6 : memref<64x640xf32, #tpu.memory_space<vmem>>) target(%dma_start3A_52 : memref<64x640xf32, #tpu.memory_space<hbm>>) target_semaphore(%arg9 : memref<!tpu.dma_semaphore, #tpu.memory_space<semaphore_mem>>)
    %dma_wait3A_53 = arith.constant 0 : i32
    %dma_wait3A_54 = tpu.memref_slice %arg4[%add3A_28, %dma_wait3A_53] : memref<16384x640xf32, #tpu.memory_space<hbm>> -> memref<64x640xf32, #tpu.memory_space<hbm>>
    %dma_wait3A_55 = arith.constant 0 : i32
    %dma_wait3A_56 = tpu.memref_slice %arg4[%add3A_28, %dma_wait3A_55] : memref<16384x640xf32, #tpu.memory_space<hbm>> -> memref<64x640xf32, #tpu.memory_space<hbm>>
    tpu.wait_dma2 semaphore(%arg10 : memref<!tpu.dma_semaphore, #tpu.memory_space<semaphore_mem>>) src(%arg7 : memref<64x640xf32, #tpu.memory_space<vmem>>) dst(%dma_wait3A_56 : memref<64x640xf32, #tpu.memory_space<hbm>>)
    %dma_start3A_57 = arith.constant 192 : i32
    %dma_start3A_58 = tpu.memref_slice %arg5[%dma_start3A_57] : memref<512xi32, #tpu.memory_space<vmem>> -> memref<64xi32, #tpu.memory_space<vmem>>
    %dma_start3A_59 = arith.constant 0 : i32
    %dma_start3A_60 = arith.constant 0 : i32
    %dma_start3A_61 = tpu.memref_slice %arg2[%dma_start3A_59, %dma_start3A_60] : memref<2048x640xf32, #tpu.memory_space<hbm>> -> memref<2048x640xf32, #tpu.memory_space<hbm>>
    tpu.enqueue_indirect_dma source(%dma_start3A_61 : memref<2048x640xf32, #tpu.memory_space<hbm>>) target(%arg7 : memref<64x640xf32, #tpu.memory_space<vmem>>) offsets(%dma_start3A_58 : memref<64xi32, #tpu.memory_space<vmem>>) semaphore(%arg8 : memref<!tpu.dma_semaphore, #tpu.memory_space<semaphore_mem>>)
    %dma_wait3A_62 = arith.constant 192 : i32
    %dma_wait3A_63 = tpu.memref_slice %arg5[%dma_wait3A_62] : memref<512xi32, #tpu.memory_space<vmem>> -> memref<64xi32, #tpu.memory_space<vmem>>
    %dma_wait3A_64 = arith.constant 0 : i32
    %dma_wait3A_65 = arith.constant 0 : i32
    %dma_wait3A_66 = tpu.memref_slice %arg2[%dma_wait3A_64, %dma_wait3A_65] : memref<2048x640xf32, #tpu.memory_space<hbm>> -> memref<2048x640xf32, #tpu.memory_space<hbm>>
    tpu.wait_indirect_dma semaphore(%arg8 : memref<!tpu.dma_semaphore, #tpu.memory_space<semaphore_mem>>) src(%dma_wait3A_66 : memref<2048x640xf32, #tpu.memory_space<hbm>>) dst(%arg7 : memref<64x640xf32, #tpu.memory_space<vmem>>)
    %add3A_67 = arith.constant 192 : i32
    %add3A_68 = arith.addi %mul3A_2, %add3A_67 : i32
    %dma_start3A_69 = arith.constant 0 : i32
    %dma_start3A_70 = tpu.memref_slice %arg4[%add3A_68, %dma_start3A_69] : memref<16384x640xf32, #tpu.memory_space<hbm>> -> memref<64x640xf32, #tpu.memory_space<hbm>>
    %dma_start3A_71 = arith.constant 0 : i32
    %dma_start3A_72 = tpu.memref_slice %arg4[%add3A_68, %dma_start3A_71] : memref<16384x640xf32, #tpu.memory_space<hbm>> -> memref<64x640xf32, #tpu.memory_space<hbm>>
    tpu.enqueue_dma source(%arg7 : memref<64x640xf32, #tpu.memory_space<vmem>>) target(%dma_start3A_72 : memref<64x640xf32, #tpu.memory_space<hbm>>) target_semaphore(%arg10 : memref<!tpu.dma_semaphore, #tpu.memory_space<semaphore_mem>>)
    %dma_wait3A_73 = arith.constant 0 : i32
    %dma_wait3A_74 = tpu.memref_slice %arg4[%add3A_48, %dma_wait3A_73] : memref<16384x640xf32, #tpu.memory_space<hbm>> -> memref<64x640xf32, #tpu.memory_space<hbm>>
    %dma_wait3A_75 = arith.constant 0 : i32
    %dma_wait3A_76 = tpu.memref_slice %arg4[%add3A_48, %dma_wait3A_75] : memref<16384x640xf32, #tpu.memory_space<hbm>> -> memref<64x640xf32, #tpu.memory_space<hbm>>
    tpu.wait_dma2 semaphore(%arg9 : memref<!tpu.dma_semaphore, #tpu.memory_space<semaphore_mem>>) src(%arg6 : memref<64x640xf32, #tpu.memory_space<vmem>>) dst(%dma_wait3A_76 : memref<64x640xf32, #tpu.memory_space<hbm>>)
    %dma_start3A_77 = arith.constant 256 : i32
    %dma_start3A_78 = tpu.memref_slice %arg5[%dma_start3A_77] : memref<512xi32, #tpu.memory_space<vmem>> -> memref<64xi32, #tpu.memory_space<vmem>>
    %dma_start3A_79 = arith.constant 0 : i32
    %dma_start3A_80 = arith.constant 0 : i32
    %dma_start3A_81 = tpu.memref_slice %arg2[%dma_start3A_79, %dma_start3A_80] : memref<2048x640xf32, #tpu.memory_space<hbm>> -> memref<2048x640xf32, #tpu.memory_space<hbm>>
    tpu.enqueue_indirect_dma source(%dma_start3A_81 : memref<2048x640xf32, #tpu.memory_space<hbm>>) target(%arg6 : memref<64x640xf32, #tpu.memory_space<vmem>>) offsets(%dma_start3A_78 : memref<64xi32, #tpu.memory_space<vmem>>) semaphore(%arg8 : memref<!tpu.dma_semaphore, #tpu.memory_space<semaphore_mem>>)
    %dma_wait3A_82 = arith.constant 256 : i32
    %dma_wait3A_83 = tpu.memref_slice %arg5[%dma_wait3A_82] : memref<512xi32, #tpu.memory_space<vmem>> -> memref<64xi32, #tpu.memory_space<vmem>>
    %dma_wait3A_84 = arith.constant 0 : i32
    %dma_wait3A_85 = arith.constant 0 : i32
    %dma_wait3A_86 = tpu.memref_slice %arg2[%dma_wait3A_84, %dma_wait3A_85] : memref<2048x640xf32, #tpu.memory_space<hbm>> -> memref<2048x640xf32, #tpu.memory_space<hbm>>
    tpu.wait_indirect_dma semaphore(%arg8 : memref<!tpu.dma_semaphore, #tpu.memory_space<semaphore_mem>>) src(%dma_wait3A_86 : memref<2048x640xf32, #tpu.memory_space<hbm>>) dst(%arg6 : memref<64x640xf32, #tpu.memory_space<vmem>>)
    %add3A_87 = arith.constant 256 : i32
    %add3A_88 = arith.addi %mul3A_2, %add3A_87 : i32
    %dma_start3A_89 = arith.constant 0 : i32
    %dma_start3A_90 = tpu.memref_slice %arg4[%add3A_88, %dma_start3A_89] : memref<16384x640xf32, #tpu.memory_space<hbm>> -> memref<64x640xf32, #tpu.memory_space<hbm>>
    %dma_start3A_91 = arith.constant 0 : i32
    %dma_start3A_92 = tpu.memref_slice %arg4[%add3A_88, %dma_start3A_91] : memref<16384x640xf32, #tpu.memory_space<hbm>> -> memref<64x640xf32, #tpu.memory_space<hbm>>
    tpu.enqueue_dma source(%arg6 : memref<64x640xf32, #tpu.memory_space<vmem>>) target(%dma_start3A_92 : memref<64x640xf32, #tpu.memory_space<hbm>>) target_semaphore(%arg9 : memref<!tpu.dma_semaphore, #tpu.memory_space<semaphore_mem>>)
    %dma_wait3A_93 = arith.constant 0 : i32
    %dma_wait3A_94 = tpu.memref_slice %arg4[%add3A_68, %dma_wait3A_93] : memref<16384x640xf32, #tpu.memory_space<hbm>> -> memref<64x640xf32, #tpu.memory_space<hbm>>
    %dma_wait3A_95 = arith.constant 0 : i32
    %dma_wait3A_96 = tpu.memref_slice %arg4[%add3A_68, %dma_wait3A_95] : memref<16384x640xf32, #tpu.memory_space<hbm>> -> memref<64x640xf32, #tpu.memory_space<hbm>>
    tpu.wait_dma2 semaphore(%arg10 : memref<!tpu.dma_semaphore, #tpu.memory_space<semaphore_mem>>) src(%arg7 : memref<64x640xf32, #tpu.memory_space<vmem>>) dst(%dma_wait3A_96 : memref<64x640xf32, #tpu.memory_space<hbm>>)
    %dma_start3A_97 = arith.constant 320 : i32
    %dma_start3A_98 = tpu.memref_slice %arg5[%dma_start3A_97] : memref<512xi32, #tpu.memory_space<vmem>> -> memref<64xi32, #tpu.memory_space<vmem>>
    %dma_start3A_99 = arith.constant 0 : i32
    %dma_start3A_100 = arith.constant 0 : i32
    %dma_start3A_101 = tpu.memref_slice %arg2[%dma_start3A_99, %dma_start3A_100] : memref<2048x640xf32, #tpu.memory_space<hbm>> -> memref<2048x640xf32, #tpu.memory_space<hbm>>
    tpu.enqueue_indirect_dma source(%dma_start3A_101 : memref<2048x640xf32, #tpu.memory_space<hbm>>) target(%arg7 : memref<64x640xf32, #tpu.memory_space<vmem>>) offsets(%dma_start3A_98 : memref<64xi32, #tpu.memory_space<vmem>>) semaphore(%arg8 : memref<!tpu.dma_semaphore, #tpu.memory_space<semaphore_mem>>)
    %dma_wait3A_102 = arith.constant 320 : i32
    %dma_wait3A_103 = tpu.memref_slice %arg5[%dma_wait3A_102] : memref<512xi32, #tpu.memory_space<vmem>> -> memref<64xi32, #tpu.memory_space<vmem>>
    %dma_wait3A_104 = arith.constant 0 : i32
    %dma_wait3A_105 = arith.constant 0 : i32
    %dma_wait3A_106 = tpu.memref_slice %arg2[%dma_wait3A_104, %dma_wait3A_105] : memref<2048x640xf32, #tpu.memory_space<hbm>> -> memref<2048x640xf32, #tpu.memory_space<hbm>>
    tpu.wait_indirect_dma semaphore(%arg8 : memref<!tpu.dma_semaphore, #tpu.memory_space<semaphore_mem>>) src(%dma_wait3A_106 : memref<2048x640xf32, #tpu.memory_space<hbm>>) dst(%arg7 : memref<64x640xf32, #tpu.memory_space<vmem>>)
    %add3A_107 = arith.constant 320 : i32
    %add3A_108 = arith.addi %mul3A_2, %add3A_107 : i32
    %dma_start3A_109 = arith.constant 0 : i32
    %dma_start3A_110 = tpu.memref_slice %arg4[%add3A_108, %dma_start3A_109] : memref<16384x640xf32, #tpu.memory_space<hbm>> -> memref<64x640xf32, #tpu.memory_space<hbm>>
    %dma_start3A_111 = arith.constant 0 : i32
    %dma_start3A_112 = tpu.memref_slice %arg4[%add3A_108, %dma_start3A_111] : memref<16384x640xf32, #tpu.memory_space<hbm>> -> memref<64x640xf32, #tpu.memory_space<hbm>>
    tpu.enqueue_dma source(%arg7 : memref<64x640xf32, #tpu.memory_space<vmem>>) target(%dma_start3A_112 : memref<64x640xf32, #tpu.memory_space<hbm>>) target_semaphore(%arg10 : memref<!tpu.dma_semaphore, #tpu.memory_space<semaphore_mem>>)
    %dma_wait3A_113 = arith.constant 0 : i32
    %dma_wait3A_114 = tpu.memref_slice %arg4[%add3A_88, %dma_wait3A_113] : memref<16384x640xf32, #tpu.memory_space<hbm>> -> memref<64x640xf32, #tpu.memory_space<hbm>>
    %dma_wait3A_115 = arith.constant 0 : i32
    %dma_wait3A_116 = tpu.memref_slice %arg4[%add3A_88, %dma_wait3A_115] : memref<16384x640xf32, #tpu.memory_space<hbm>> -> memref<64x640xf32, #tpu.memory_space<hbm>>
    tpu.wait_dma2 semaphore(%arg9 : memref<!tpu.dma_semaphore, #tpu.memory_space<semaphore_mem>>) src(%arg6 : memref<64x640xf32, #tpu.memory_space<vmem>>) dst(%dma_wait3A_116 : memref<64x640xf32, #tpu.memory_space<hbm>>)
    %dma_start3A_117 = arith.constant 384 : i32
    %dma_start3A_118 = tpu.memref_slice %arg5[%dma_start3A_117] : memref<512xi32, #tpu.memory_space<vmem>> -> memref<64xi32, #tpu.memory_space<vmem>>
    %dma_start3A_119 = arith.constant 0 : i32
    %dma_start3A_120 = arith.constant 0 : i32
    %dma_start3A_121 = tpu.memref_slice %arg2[%dma_start3A_119, %dma_start3A_120] : memref<2048x640xf32, #tpu.memory_space<hbm>> -> memref<2048x640xf32, #tpu.memory_space<hbm>>
    tpu.enqueue_indirect_dma source(%dma_start3A_121 : memref<2048x640xf32, #tpu.memory_space<hbm>>) target(%arg6 : memref<64x640xf32, #tpu.memory_space<vmem>>) offsets(%dma_start3A_118 : memref<64xi32, #tpu.memory_space<vmem>>) semaphore(%arg8 : memref<!tpu.dma_semaphore, #tpu.memory_space<semaphore_mem>>)
    %dma_wait3A_122 = arith.constant 384 : i32
    %dma_wait3A_123 = tpu.memref_slice %arg5[%dma_wait3A_122] : memref<512xi32, #tpu.memory_space<vmem>> -> memref<64xi32, #tpu.memory_space<vmem>>
    %dma_wait3A_124 = arith.constant 0 : i32
    %dma_wait3A_125 = arith.constant 0 : i32
    %dma_wait3A_126 = tpu.memref_slice %arg2[%dma_wait3A_124, %dma_wait3A_125] : memref<2048x640xf32, #tpu.memory_space<hbm>> -> memref<2048x640xf32, #tpu.memory_space<hbm>>
    tpu.wait_indirect_dma semaphore(%arg8 : memref<!tpu.dma_semaphore, #tpu.memory_space<semaphore_mem>>) src(%dma_wait3A_126 : memref<2048x640xf32, #tpu.memory_space<hbm>>) dst(%arg6 : memref<64x640xf32, #tpu.memory_space<vmem>>)
    %add3A_127 = arith.constant 384 : i32
    %add3A_128 = arith.addi %mul3A_2, %add3A_127 : i32
    %dma_start3A_129 = arith.constant 0 : i32
    %dma_start3A_130 = tpu.memref_slice %arg4[%add3A_128, %dma_start3A_129] : memref<16384x640xf32, #tpu.memory_space<hbm>> -> memref<64x640xf32, #tpu.memory_space<hbm>>
    %dma_start3A_131 = arith.constant 0 : i32
    %dma_start3A_132 = tpu.memref_slice %arg4[%add3A_128, %dma_start3A_131] : memref<16384x640xf32, #tpu.memory_space<hbm>> -> memref<64x640xf32, #tpu.memory_space<hbm>>
    tpu.enqueue_dma source(%arg6 : memref<64x640xf32, #tpu.memory_space<vmem>>) target(%dma_start3A_132 : memref<64x640xf32, #tpu.memory_space<hbm>>) target_semaphore(%arg9 : memref<!tpu.dma_semaphore, #tpu.memory_space<semaphore_mem>>)
    %dma_wait3A_133 = arith.constant 0 : i32
    %dma_wait3A_134 = tpu.memref_slice %arg4[%add3A_108, %dma_wait3A_133] : memref<16384x640xf32, #tpu.memory_space<hbm>> -> memref<64x640xf32, #tpu.memory_space<hbm>>
    %dma_wait3A_135 = arith.constant 0 : i32
    %dma_wait3A_136 = tpu.memref_slice %arg4[%add3A_108, %dma_wait3A_135] : memref<16384x640xf32, #tpu.memory_space<hbm>> -> memref<64x640xf32, #tpu.memory_space<hbm>>
    tpu.wait_dma2 semaphore(%arg10 : memref<!tpu.dma_semaphore, #tpu.memory_space<semaphore_mem>>) src(%arg7 : memref<64x640xf32, #tpu.memory_space<vmem>>) dst(%dma_wait3A_136 : memref<64x640xf32, #tpu.memory_space<hbm>>)
    %dma_start3A_137 = arith.constant 448 : i32
    %dma_start3A_138 = tpu.memref_slice %arg5[%dma_start3A_137] : memref<512xi32, #tpu.memory_space<vmem>> -> memref<64xi32, #tpu.memory_space<vmem>>
    %dma_start3A_139 = arith.constant 0 : i32
    %dma_start3A_140 = arith.constant 0 : i32
    %dma_start3A_141 = tpu.memref_slice %arg2[%dma_start3A_139, %dma_start3A_140] : memref<2048x640xf32, #tpu.memory_space<hbm>> -> memref<2048x640xf32, #tpu.memory_space<hbm>>
    tpu.enqueue_indirect_dma source(%dma_start3A_141 : memref<2048x640xf32, #tpu.memory_space<hbm>>) target(%arg7 : memref<64x640xf32, #tpu.memory_space<vmem>>) offsets(%dma_start3A_138 : memref<64xi32, #tpu.memory_space<vmem>>) semaphore(%arg8 : memref<!tpu.dma_semaphore, #tpu.memory_space<semaphore_mem>>)
    %dma_wait3A_142 = arith.constant 448 : i32
    %dma_wait3A_143 = tpu.memref_slice %arg5[%dma_wait3A_142] : memref<512xi32, #tpu.memory_space<vmem>> -> memref<64xi32, #tpu.memory_space<vmem>>
    %dma_wait3A_144 = arith.constant 0 : i32
    %dma_wait3A_145 = arith.constant 0 : i32
    %dma_wait3A_146 = tpu.memref_slice %arg2[%dma_wait3A_144, %dma_wait3A_145] : memref<2048x640xf32, #tpu.memory_space<hbm>> -> memref<2048x640xf32, #tpu.memory_space<hbm>>
    tpu.wait_indirect_dma semaphore(%arg8 : memref<!tpu.dma_semaphore, #tpu.memory_space<semaphore_mem>>) src(%dma_wait3A_146 : memref<2048x640xf32, #tpu.memory_space<hbm>>) dst(%arg7 : memref<64x640xf32, #tpu.memory_space<vmem>>)
    %add3A_147 = arith.constant 448 : i32
    %add3A_148 = arith.addi %mul3A_2, %add3A_147 : i32
    %dma_start3A_149 = arith.constant 0 : i32
    %dma_start3A_150 = tpu.memref_slice %arg4[%add3A_148, %dma_start3A_149] : memref<16384x640xf32, #tpu.memory_space<hbm>> -> memref<64x640xf32, #tpu.memory_space<hbm>>
    %dma_start3A_151 = arith.constant 0 : i32
    %dma_start3A_152 = tpu.memref_slice %arg4[%add3A_148, %dma_start3A_151] : memref<16384x640xf32, #tpu.memory_space<hbm>> -> memref<64x640xf32, #tpu.memory_space<hbm>>
    tpu.enqueue_dma source(%arg7 : memref<64x640xf32, #tpu.memory_space<vmem>>) target(%dma_start3A_152 : memref<64x640xf32, #tpu.memory_space<hbm>>) target_semaphore(%arg10 : memref<!tpu.dma_semaphore, #tpu.memory_space<semaphore_mem>>)
    %dma_wait3A_153 = arith.constant 0 : i32
    %dma_wait3A_154 = tpu.memref_slice %arg4[%add3A_128, %dma_wait3A_153] : memref<16384x640xf32, #tpu.memory_space<hbm>> -> memref<64x640xf32, #tpu.memory_space<hbm>>
    %dma_wait3A_155 = arith.constant 0 : i32
    %dma_wait3A_156 = tpu.memref_slice %arg4[%add3A_128, %dma_wait3A_155] : memref<16384x640xf32, #tpu.memory_space<hbm>> -> memref<64x640xf32, #tpu.memory_space<hbm>>
    tpu.wait_dma2 semaphore(%arg9 : memref<!tpu.dma_semaphore, #tpu.memory_space<semaphore_mem>>) src(%arg6 : memref<64x640xf32, #tpu.memory_space<vmem>>) dst(%dma_wait3A_156 : memref<64x640xf32, #tpu.memory_space<hbm>>)
    %dma_wait3A_157 = arith.constant 0 : i32
    %dma_wait3A_158 = tpu.memref_slice %arg4[%add3A_148, %dma_wait3A_157] : memref<16384x640xf32, #tpu.memory_space<hbm>> -> memref<64x640xf32, #tpu.memory_space<hbm>>
    %dma_wait3A_159 = arith.constant 0 : i32
    %dma_wait3A_160 = tpu.memref_slice %arg4[%add3A_148, %dma_wait3A_159] : memref<16384x640xf32, #tpu.memory_space<hbm>> -> memref<64x640xf32, #tpu.memory_space<hbm>>
    tpu.wait_dma2 semaphore(%arg10 : memref<!tpu.dma_semaphore, #tpu.memory_space<semaphore_mem>>) src(%arg7 : memref<64x640xf32, #tpu.memory_space<vmem>>) dst(%dma_wait3A_160 : memref<64x640xf32, #tpu.memory_space<hbm>>)
    return
  }
}

module attributes {stable_mosaic.version = 14 : i64} {
  func.func @_knn_body(%arg0: i32, %arg1: memref<256x128xf32, #tpu.memory_space<vmem>>, %arg2: memref<8x2048xf32, #tpu.memory_space<vmem>>, %arg3: memref<256x16xi32, #tpu.memory_space<vmem>>) attributes {dimension_semantics = [#tpu.dimension_semantics<arbitrary>], iteration_bounds = array<i64: 4>, scalar_prefetch = 0 : i64, scratch_operands = 0 : i64, tpu.core_type = #tpu.core_type<tc>, window_params = [{transform_indices = @transform_0, window_bounds = array<i64: 256, 128>}, {pipeline_mode = #tpu.pipeline_mode<synchronous>, transform_indices = @transform_1, window_bounds = array<i64: 8, 2048>}, {transform_indices = @transform_2, window_bounds = array<i64: 256, 16>}]} {
    %get3A = arith.constant 0 : index
    %get3A_0 = arith.constant 0 : index
    %get3A_1 = vector.load %arg1[%get3A, %get3A_0] : memref<256x128xf32, #tpu.memory_space<vmem>>, vector<256x128xf32>
    %get3A_2 = arith.constant 0 : index
    %get3A_3 = arith.constant 0 : index
    %get3A_4 = vector.load %arg2[%get3A_2, %get3A_3] : memref<8x2048xf32, #tpu.memory_space<vmem>>, vector<8x2048xf32>
    %broadcast_in_dim3A = arith.constant 0.000000e+00 : f32
    %broadcast_in_dim3A_5 = vector.broadcast %broadcast_in_dim3A : f32 to vector<256x2048xf32>
    %slice3A = vector.extract_strided_slice %get3A_1 {offsets = [0, 0], sizes = [256, 1], strides = [1, 1]} : vector<256x128xf32> to vector<256x1xf32>
    %slice3A_6 = vector.extract_strided_slice %get3A_4 {offsets = [0, 0], sizes = [1, 2048], strides = [1, 1]} : vector<8x2048xf32> to vector<1x2048xf32>
    %sub3A = vector.broadcast %slice3A : vector<256x1xf32> to vector<256x2048xf32>
    %sub3A_7 = vector.broadcast %slice3A_6 : vector<1x2048xf32> to vector<256x2048xf32>
    %sub3A_8 = arith.subf %sub3A, %sub3A_7 : vector<256x2048xf32>
    %mul3A = arith.mulf %sub3A_8, %sub3A_8 : vector<256x2048xf32>
    %add3A = arith.addf %broadcast_in_dim3A_5, %mul3A : vector<256x2048xf32>
    %slice3A_9 = vector.extract_strided_slice %get3A_1 {offsets = [0, 1], sizes = [256, 1], strides = [1, 1]} : vector<256x128xf32> to vector<256x1xf32>
    %slice3A_10 = vector.extract_strided_slice %get3A_4 {offsets = [1, 0], sizes = [1, 2048], strides = [1, 1]} : vector<8x2048xf32> to vector<1x2048xf32>
    %sub3A_11 = vector.broadcast %slice3A_9 : vector<256x1xf32> to vector<256x2048xf32>
    %sub3A_12 = vector.broadcast %slice3A_10 : vector<1x2048xf32> to vector<256x2048xf32>
    %sub3A_13 = arith.subf %sub3A_11, %sub3A_12 : vector<256x2048xf32>
    %mul3A_14 = arith.mulf %sub3A_13, %sub3A_13 : vector<256x2048xf32>
    %add3A_15 = arith.addf %add3A, %mul3A_14 : vector<256x2048xf32>
    %slice3A_16 = vector.extract_strided_slice %get3A_1 {offsets = [0, 2], sizes = [256, 1], strides = [1, 1]} : vector<256x128xf32> to vector<256x1xf32>
    %slice3A_17 = vector.extract_strided_slice %get3A_4 {offsets = [2, 0], sizes = [1, 2048], strides = [1, 1]} : vector<8x2048xf32> to vector<1x2048xf32>
    %sub3A_18 = vector.broadcast %slice3A_16 : vector<256x1xf32> to vector<256x2048xf32>
    %sub3A_19 = vector.broadcast %slice3A_17 : vector<1x2048xf32> to vector<256x2048xf32>
    %sub3A_20 = arith.subf %sub3A_18, %sub3A_19 : vector<256x2048xf32>
    %mul3A_21 = arith.mulf %sub3A_20, %sub3A_20 : vector<256x2048xf32>
    %add3A_22 = arith.addf %add3A_15, %mul3A_21 : vector<256x2048xf32>
    %iota3A = tpu.iota {dimensions = array<i32: 1>} : vector<256x2048xi32>
    %iota3A_23 = tpu.iota {dimensions = array<i32: 1>} : vector<256x16xi32>
    %broadcast_in_dim3A_24 = arith.constant 0 : i32
    %broadcast_in_dim3A_25 = vector.broadcast %broadcast_in_dim3A_24 : i32 to vector<256x16xi32>
    %argmin3A = tpu.reduce_index %add3A_22 {axis = 1 : i32, kind = #tpu.reduction_kind<arg_min>} : vector<256x2048xf32> -> vector<256xi32>
    %broadcast_in_dim3A_26 = vector.shape_cast %argmin3A : vector<256xi32> to vector<256x1xi32>
    %eq3A = arith.constant 0 : i32
    %eq3A_27 = vector.broadcast %eq3A : i32 to vector<256x16xi32>
    %eq3A_28 = arith.cmpi eq, %iota3A_23, %eq3A_27 : vector<256x16xi32>
    %broadcast_in_dim3A_29 = vector.shape_cast %broadcast_in_dim3A_26 : vector<256x1xi32> to vector<256x1xi32>
    %broadcast_in_dim3A_30 = vector.broadcast %broadcast_in_dim3A_29 : vector<256x1xi32> to vector<256x16xi32>
    %select_n3A = arith.select %eq3A_28, %broadcast_in_dim3A_30, %broadcast_in_dim3A_25 : vector<256x16xi1>, vector<256x16xi32>
    %eq3A_31 = vector.broadcast %broadcast_in_dim3A_26 : vector<256x1xi32> to vector<256x2048xi32>
    %eq3A_32 = arith.cmpi eq, %iota3A, %eq3A_31 : vector<256x2048xi32>
    %jit3A = arith.constant 0x7F800000 : f32
    %broadcast_in_dim3A_33 = vector.broadcast %jit3A : f32 to vector<256x2048xf32>
    %select_n3A_34 = arith.select %eq3A_32, %broadcast_in_dim3A_33, %add3A_22 : vector<256x2048xi1>, vector<256x2048xf32>
    %argmin3A_35 = tpu.reduce_index %select_n3A_34 {axis = 1 : i32, kind = #tpu.reduction_kind<arg_min>} : vector<256x2048xf32> -> vector<256xi32>
    %broadcast_in_dim3A_36 = vector.shape_cast %argmin3A_35 : vector<256xi32> to vector<256x1xi32>
    %eq3A_37 = arith.constant 1 : i32
    %eq3A_38 = vector.broadcast %eq3A_37 : i32 to vector<256x16xi32>
    %eq3A_39 = arith.cmpi eq, %iota3A_23, %eq3A_38 : vector<256x16xi32>
    %broadcast_in_dim3A_40 = vector.shape_cast %broadcast_in_dim3A_36 : vector<256x1xi32> to vector<256x1xi32>
    %broadcast_in_dim3A_41 = vector.broadcast %broadcast_in_dim3A_40 : vector<256x1xi32> to vector<256x16xi32>
    %select_n3A_42 = arith.select %eq3A_39, %broadcast_in_dim3A_41, %select_n3A : vector<256x16xi1>, vector<256x16xi32>
    %eq3A_43 = vector.broadcast %broadcast_in_dim3A_36 : vector<256x1xi32> to vector<256x2048xi32>
    %eq3A_44 = arith.cmpi eq, %iota3A, %eq3A_43 : vector<256x2048xi32>
    %jit3A_45 = arith.constant 0x7F800000 : f32
    %broadcast_in_dim3A_46 = vector.broadcast %jit3A_45 : f32 to vector<256x2048xf32>
    %select_n3A_47 = arith.select %eq3A_44, %broadcast_in_dim3A_46, %select_n3A_34 : vector<256x2048xi1>, vector<256x2048xf32>
    %argmin3A_48 = tpu.reduce_index %select_n3A_47 {axis = 1 : i32, kind = #tpu.reduction_kind<arg_min>} : vector<256x2048xf32> -> vector<256xi32>
    %broadcast_in_dim3A_49 = vector.shape_cast %argmin3A_48 : vector<256xi32> to vector<256x1xi32>
    %eq3A_50 = arith.constant 2 : i32
    %eq3A_51 = vector.broadcast %eq3A_50 : i32 to vector<256x16xi32>
    %eq3A_52 = arith.cmpi eq, %iota3A_23, %eq3A_51 : vector<256x16xi32>
    %broadcast_in_dim3A_53 = vector.shape_cast %broadcast_in_dim3A_49 : vector<256x1xi32> to vector<256x1xi32>
    %broadcast_in_dim3A_54 = vector.broadcast %broadcast_in_dim3A_53 : vector<256x1xi32> to vector<256x16xi32>
    %select_n3A_55 = arith.select %eq3A_52, %broadcast_in_dim3A_54, %select_n3A_42 : vector<256x16xi1>, vector<256x16xi32>
    %eq3A_56 = vector.broadcast %broadcast_in_dim3A_49 : vector<256x1xi32> to vector<256x2048xi32>
    %eq3A_57 = arith.cmpi eq, %iota3A, %eq3A_56 : vector<256x2048xi32>
    %jit3A_58 = arith.constant 0x7F800000 : f32
    %broadcast_in_dim3A_59 = vector.broadcast %jit3A_58 : f32 to vector<256x2048xf32>
    %select_n3A_60 = arith.select %eq3A_57, %broadcast_in_dim3A_59, %select_n3A_47 : vector<256x2048xi1>, vector<256x2048xf32>
    %argmin3A_61 = tpu.reduce_index %select_n3A_60 {axis = 1 : i32, kind = #tpu.reduction_kind<arg_min>} : vector<256x2048xf32> -> vector<256xi32>
    %broadcast_in_dim3A_62 = vector.shape_cast %argmin3A_61 : vector<256xi32> to vector<256x1xi32>
    %eq3A_63 = arith.constant 3 : i32
    %eq3A_64 = vector.broadcast %eq3A_63 : i32 to vector<256x16xi32>
    %eq3A_65 = arith.cmpi eq, %iota3A_23, %eq3A_64 : vector<256x16xi32>
    %broadcast_in_dim3A_66 = vector.shape_cast %broadcast_in_dim3A_62 : vector<256x1xi32> to vector<256x1xi32>
    %broadcast_in_dim3A_67 = vector.broadcast %broadcast_in_dim3A_66 : vector<256x1xi32> to vector<256x16xi32>
    %select_n3A_68 = arith.select %eq3A_65, %broadcast_in_dim3A_67, %select_n3A_55 : vector<256x16xi1>, vector<256x16xi32>
    %eq3A_69 = vector.broadcast %broadcast_in_dim3A_62 : vector<256x1xi32> to vector<256x2048xi32>
    %eq3A_70 = arith.cmpi eq, %iota3A, %eq3A_69 : vector<256x2048xi32>
    %jit3A_71 = arith.constant 0x7F800000 : f32
    %broadcast_in_dim3A_72 = vector.broadcast %jit3A_71 : f32 to vector<256x2048xf32>
    %select_n3A_73 = arith.select %eq3A_70, %broadcast_in_dim3A_72, %select_n3A_60 : vector<256x2048xi1>, vector<256x2048xf32>
    %argmin3A_74 = tpu.reduce_index %select_n3A_73 {axis = 1 : i32, kind = #tpu.reduction_kind<arg_min>} : vector<256x2048xf32> -> vector<256xi32>
    %broadcast_in_dim3A_75 = vector.shape_cast %argmin3A_74 : vector<256xi32> to vector<256x1xi32>
    %eq3A_76 = arith.constant 4 : i32
    %eq3A_77 = vector.broadcast %eq3A_76 : i32 to vector<256x16xi32>
    %eq3A_78 = arith.cmpi eq, %iota3A_23, %eq3A_77 : vector<256x16xi32>
    %broadcast_in_dim3A_79 = vector.shape_cast %broadcast_in_dim3A_75 : vector<256x1xi32> to vector<256x1xi32>
    %broadcast_in_dim3A_80 = vector.broadcast %broadcast_in_dim3A_79 : vector<256x1xi32> to vector<256x16xi32>
    %select_n3A_81 = arith.select %eq3A_78, %broadcast_in_dim3A_80, %select_n3A_68 : vector<256x16xi1>, vector<256x16xi32>
    %eq3A_82 = vector.broadcast %broadcast_in_dim3A_75 : vector<256x1xi32> to vector<256x2048xi32>
    %eq3A_83 = arith.cmpi eq, %iota3A, %eq3A_82 : vector<256x2048xi32>
    %jit3A_84 = arith.constant 0x7F800000 : f32
    %broadcast_in_dim3A_85 = vector.broadcast %jit3A_84 : f32 to vector<256x2048xf32>
    %select_n3A_86 = arith.select %eq3A_83, %broadcast_in_dim3A_85, %select_n3A_73 : vector<256x2048xi1>, vector<256x2048xf32>
    %argmin3A_87 = tpu.reduce_index %select_n3A_86 {axis = 1 : i32, kind = #tpu.reduction_kind<arg_min>} : vector<256x2048xf32> -> vector<256xi32>
    %broadcast_in_dim3A_88 = vector.shape_cast %argmin3A_87 : vector<256xi32> to vector<256x1xi32>
    %eq3A_89 = arith.constant 5 : i32
    %eq3A_90 = vector.broadcast %eq3A_89 : i32 to vector<256x16xi32>
    %eq3A_91 = arith.cmpi eq, %iota3A_23, %eq3A_90 : vector<256x16xi32>
    %broadcast_in_dim3A_92 = vector.shape_cast %broadcast_in_dim3A_88 : vector<256x1xi32> to vector<256x1xi32>
    %broadcast_in_dim3A_93 = vector.broadcast %broadcast_in_dim3A_92 : vector<256x1xi32> to vector<256x16xi32>
    %select_n3A_94 = arith.select %eq3A_91, %broadcast_in_dim3A_93, %select_n3A_81 : vector<256x16xi1>, vector<256x16xi32>
    %eq3A_95 = vector.broadcast %broadcast_in_dim3A_88 : vector<256x1xi32> to vector<256x2048xi32>
    %eq3A_96 = arith.cmpi eq, %iota3A, %eq3A_95 : vector<256x2048xi32>
    %jit3A_97 = arith.constant 0x7F800000 : f32
    %broadcast_in_dim3A_98 = vector.broadcast %jit3A_97 : f32 to vector<256x2048xf32>
    %select_n3A_99 = arith.select %eq3A_96, %broadcast_in_dim3A_98, %select_n3A_86 : vector<256x2048xi1>, vector<256x2048xf32>
    %argmin3A_100 = tpu.reduce_index %select_n3A_99 {axis = 1 : i32, kind = #tpu.reduction_kind<arg_min>} : vector<256x2048xf32> -> vector<256xi32>
    %broadcast_in_dim3A_101 = vector.shape_cast %argmin3A_100 : vector<256xi32> to vector<256x1xi32>
    %eq3A_102 = arith.constant 6 : i32
    %eq3A_103 = vector.broadcast %eq3A_102 : i32 to vector<256x16xi32>
    %eq3A_104 = arith.cmpi eq, %iota3A_23, %eq3A_103 : vector<256x16xi32>
    %broadcast_in_dim3A_105 = vector.shape_cast %broadcast_in_dim3A_101 : vector<256x1xi32> to vector<256x1xi32>
    %broadcast_in_dim3A_106 = vector.broadcast %broadcast_in_dim3A_105 : vector<256x1xi32> to vector<256x16xi32>
    %select_n3A_107 = arith.select %eq3A_104, %broadcast_in_dim3A_106, %select_n3A_94 : vector<256x16xi1>, vector<256x16xi32>
    %eq3A_108 = vector.broadcast %broadcast_in_dim3A_101 : vector<256x1xi32> to vector<256x2048xi32>
    %eq3A_109 = arith.cmpi eq, %iota3A, %eq3A_108 : vector<256x2048xi32>
    %jit3A_110 = arith.constant 0x7F800000 : f32
    %broadcast_in_dim3A_111 = vector.broadcast %jit3A_110 : f32 to vector<256x2048xf32>
    %select_n3A_112 = arith.select %eq3A_109, %broadcast_in_dim3A_111, %select_n3A_99 : vector<256x2048xi1>, vector<256x2048xf32>
    %argmin3A_113 = tpu.reduce_index %select_n3A_112 {axis = 1 : i32, kind = #tpu.reduction_kind<arg_min>} : vector<256x2048xf32> -> vector<256xi32>
    %broadcast_in_dim3A_114 = vector.shape_cast %argmin3A_113 : vector<256xi32> to vector<256x1xi32>
    %eq3A_115 = arith.constant 7 : i32
    %eq3A_116 = vector.broadcast %eq3A_115 : i32 to vector<256x16xi32>
    %eq3A_117 = arith.cmpi eq, %iota3A_23, %eq3A_116 : vector<256x16xi32>
    %broadcast_in_dim3A_118 = vector.shape_cast %broadcast_in_dim3A_114 : vector<256x1xi32> to vector<256x1xi32>
    %broadcast_in_dim3A_119 = vector.broadcast %broadcast_in_dim3A_118 : vector<256x1xi32> to vector<256x16xi32>
    %select_n3A_120 = arith.select %eq3A_117, %broadcast_in_dim3A_119, %select_n3A_107 : vector<256x16xi1>, vector<256x16xi32>
    %eq3A_121 = vector.broadcast %broadcast_in_dim3A_114 : vector<256x1xi32> to vector<256x2048xi32>
    %eq3A_122 = arith.cmpi eq, %iota3A, %eq3A_121 : vector<256x2048xi32>
    %jit3A_123 = arith.constant 0x7F800000 : f32
    %broadcast_in_dim3A_124 = vector.broadcast %jit3A_123 : f32 to vector<256x2048xf32>
    %select_n3A_125 = arith.select %eq3A_122, %broadcast_in_dim3A_124, %select_n3A_112 : vector<256x2048xi1>, vector<256x2048xf32>
    %argmin3A_126 = tpu.reduce_index %select_n3A_125 {axis = 1 : i32, kind = #tpu.reduction_kind<arg_min>} : vector<256x2048xf32> -> vector<256xi32>
    %broadcast_in_dim3A_127 = vector.shape_cast %argmin3A_126 : vector<256xi32> to vector<256x1xi32>
    %eq3A_128 = arith.constant 8 : i32
    %eq3A_129 = vector.broadcast %eq3A_128 : i32 to vector<256x16xi32>
    %eq3A_130 = arith.cmpi eq, %iota3A_23, %eq3A_129 : vector<256x16xi32>
    %broadcast_in_dim3A_131 = vector.shape_cast %broadcast_in_dim3A_127 : vector<256x1xi32> to vector<256x1xi32>
    %broadcast_in_dim3A_132 = vector.broadcast %broadcast_in_dim3A_131 : vector<256x1xi32> to vector<256x16xi32>
    %select_n3A_133 = arith.select %eq3A_130, %broadcast_in_dim3A_132, %select_n3A_120 : vector<256x16xi1>, vector<256x16xi32>
    %eq3A_134 = vector.broadcast %broadcast_in_dim3A_127 : vector<256x1xi32> to vector<256x2048xi32>
    %eq3A_135 = arith.cmpi eq, %iota3A, %eq3A_134 : vector<256x2048xi32>
    %jit3A_136 = arith.constant 0x7F800000 : f32
    %broadcast_in_dim3A_137 = vector.broadcast %jit3A_136 : f32 to vector<256x2048xf32>
    %select_n3A_138 = arith.select %eq3A_135, %broadcast_in_dim3A_137, %select_n3A_125 : vector<256x2048xi1>, vector<256x2048xf32>
    %argmin3A_139 = tpu.reduce_index %select_n3A_138 {axis = 1 : i32, kind = #tpu.reduction_kind<arg_min>} : vector<256x2048xf32> -> vector<256xi32>
    %broadcast_in_dim3A_140 = vector.shape_cast %argmin3A_139 : vector<256xi32> to vector<256x1xi32>
    %eq3A_141 = arith.constant 9 : i32
    %eq3A_142 = vector.broadcast %eq3A_141 : i32 to vector<256x16xi32>
    %eq3A_143 = arith.cmpi eq, %iota3A_23, %eq3A_142 : vector<256x16xi32>
    %broadcast_in_dim3A_144 = vector.shape_cast %broadcast_in_dim3A_140 : vector<256x1xi32> to vector<256x1xi32>
    %broadcast_in_dim3A_145 = vector.broadcast %broadcast_in_dim3A_144 : vector<256x1xi32> to vector<256x16xi32>
    %select_n3A_146 = arith.select %eq3A_143, %broadcast_in_dim3A_145, %select_n3A_133 : vector<256x16xi1>, vector<256x16xi32>
    %eq3A_147 = vector.broadcast %broadcast_in_dim3A_140 : vector<256x1xi32> to vector<256x2048xi32>
    %eq3A_148 = arith.cmpi eq, %iota3A, %eq3A_147 : vector<256x2048xi32>
    %jit3A_149 = arith.constant 0x7F800000 : f32
    %broadcast_in_dim3A_150 = vector.broadcast %jit3A_149 : f32 to vector<256x2048xf32>
    %select_n3A_151 = arith.select %eq3A_148, %broadcast_in_dim3A_150, %select_n3A_138 : vector<256x2048xi1>, vector<256x2048xf32>
    %argmin3A_152 = tpu.reduce_index %select_n3A_151 {axis = 1 : i32, kind = #tpu.reduction_kind<arg_min>} : vector<256x2048xf32> -> vector<256xi32>
    %broadcast_in_dim3A_153 = vector.shape_cast %argmin3A_152 : vector<256xi32> to vector<256x1xi32>
    %eq3A_154 = arith.constant 10 : i32
    %eq3A_155 = vector.broadcast %eq3A_154 : i32 to vector<256x16xi32>
    %eq3A_156 = arith.cmpi eq, %iota3A_23, %eq3A_155 : vector<256x16xi32>
    %broadcast_in_dim3A_157 = vector.shape_cast %broadcast_in_dim3A_153 : vector<256x1xi32> to vector<256x1xi32>
    %broadcast_in_dim3A_158 = vector.broadcast %broadcast_in_dim3A_157 : vector<256x1xi32> to vector<256x16xi32>
    %select_n3A_159 = arith.select %eq3A_156, %broadcast_in_dim3A_158, %select_n3A_146 : vector<256x16xi1>, vector<256x16xi32>
    %eq3A_160 = vector.broadcast %broadcast_in_dim3A_153 : vector<256x1xi32> to vector<256x2048xi32>
    %eq3A_161 = arith.cmpi eq, %iota3A, %eq3A_160 : vector<256x2048xi32>
    %jit3A_162 = arith.constant 0x7F800000 : f32
    %broadcast_in_dim3A_163 = vector.broadcast %jit3A_162 : f32 to vector<256x2048xf32>
    %select_n3A_164 = arith.select %eq3A_161, %broadcast_in_dim3A_163, %select_n3A_151 : vector<256x2048xi1>, vector<256x2048xf32>
    %argmin3A_165 = tpu.reduce_index %select_n3A_164 {axis = 1 : i32, kind = #tpu.reduction_kind<arg_min>} : vector<256x2048xf32> -> vector<256xi32>
    %broadcast_in_dim3A_166 = vector.shape_cast %argmin3A_165 : vector<256xi32> to vector<256x1xi32>
    %eq3A_167 = arith.constant 11 : i32
    %eq3A_168 = vector.broadcast %eq3A_167 : i32 to vector<256x16xi32>
    %eq3A_169 = arith.cmpi eq, %iota3A_23, %eq3A_168 : vector<256x16xi32>
    %broadcast_in_dim3A_170 = vector.shape_cast %broadcast_in_dim3A_166 : vector<256x1xi32> to vector<256x1xi32>
    %broadcast_in_dim3A_171 = vector.broadcast %broadcast_in_dim3A_170 : vector<256x1xi32> to vector<256x16xi32>
    %select_n3A_172 = arith.select %eq3A_169, %broadcast_in_dim3A_171, %select_n3A_159 : vector<256x16xi1>, vector<256x16xi32>
    %eq3A_173 = vector.broadcast %broadcast_in_dim3A_166 : vector<256x1xi32> to vector<256x2048xi32>
    %eq3A_174 = arith.cmpi eq, %iota3A, %eq3A_173 : vector<256x2048xi32>
    %jit3A_175 = arith.constant 0x7F800000 : f32
    %broadcast_in_dim3A_176 = vector.broadcast %jit3A_175 : f32 to vector<256x2048xf32>
    %select_n3A_177 = arith.select %eq3A_174, %broadcast_in_dim3A_176, %select_n3A_164 : vector<256x2048xi1>, vector<256x2048xf32>
    %argmin3A_178 = tpu.reduce_index %select_n3A_177 {axis = 1 : i32, kind = #tpu.reduction_kind<arg_min>} : vector<256x2048xf32> -> vector<256xi32>
    %broadcast_in_dim3A_179 = vector.shape_cast %argmin3A_178 : vector<256xi32> to vector<256x1xi32>
    %eq3A_180 = arith.constant 12 : i32
    %eq3A_181 = vector.broadcast %eq3A_180 : i32 to vector<256x16xi32>
    %eq3A_182 = arith.cmpi eq, %iota3A_23, %eq3A_181 : vector<256x16xi32>
    %broadcast_in_dim3A_183 = vector.shape_cast %broadcast_in_dim3A_179 : vector<256x1xi32> to vector<256x1xi32>
    %broadcast_in_dim3A_184 = vector.broadcast %broadcast_in_dim3A_183 : vector<256x1xi32> to vector<256x16xi32>
    %select_n3A_185 = arith.select %eq3A_182, %broadcast_in_dim3A_184, %select_n3A_172 : vector<256x16xi1>, vector<256x16xi32>
    %eq3A_186 = vector.broadcast %broadcast_in_dim3A_179 : vector<256x1xi32> to vector<256x2048xi32>
    %eq3A_187 = arith.cmpi eq, %iota3A, %eq3A_186 : vector<256x2048xi32>
    %jit3A_188 = arith.constant 0x7F800000 : f32
    %broadcast_in_dim3A_189 = vector.broadcast %jit3A_188 : f32 to vector<256x2048xf32>
    %select_n3A_190 = arith.select %eq3A_187, %broadcast_in_dim3A_189, %select_n3A_177 : vector<256x2048xi1>, vector<256x2048xf32>
    %argmin3A_191 = tpu.reduce_index %select_n3A_190 {axis = 1 : i32, kind = #tpu.reduction_kind<arg_min>} : vector<256x2048xf32> -> vector<256xi32>
    %broadcast_in_dim3A_192 = vector.shape_cast %argmin3A_191 : vector<256xi32> to vector<256x1xi32>
    %eq3A_193 = arith.constant 13 : i32
    %eq3A_194 = vector.broadcast %eq3A_193 : i32 to vector<256x16xi32>
    %eq3A_195 = arith.cmpi eq, %iota3A_23, %eq3A_194 : vector<256x16xi32>
    %broadcast_in_dim3A_196 = vector.shape_cast %broadcast_in_dim3A_192 : vector<256x1xi32> to vector<256x1xi32>
    %broadcast_in_dim3A_197 = vector.broadcast %broadcast_in_dim3A_196 : vector<256x1xi32> to vector<256x16xi32>
    %select_n3A_198 = arith.select %eq3A_195, %broadcast_in_dim3A_197, %select_n3A_185 : vector<256x16xi1>, vector<256x16xi32>
    %eq3A_199 = vector.broadcast %broadcast_in_dim3A_192 : vector<256x1xi32> to vector<256x2048xi32>
    %eq3A_200 = arith.cmpi eq, %iota3A, %eq3A_199 : vector<256x2048xi32>
    %jit3A_201 = arith.constant 0x7F800000 : f32
    %broadcast_in_dim3A_202 = vector.broadcast %jit3A_201 : f32 to vector<256x2048xf32>
    %select_n3A_203 = arith.select %eq3A_200, %broadcast_in_dim3A_202, %select_n3A_190 : vector<256x2048xi1>, vector<256x2048xf32>
    %argmin3A_204 = tpu.reduce_index %select_n3A_203 {axis = 1 : i32, kind = #tpu.reduction_kind<arg_min>} : vector<256x2048xf32> -> vector<256xi32>
    %broadcast_in_dim3A_205 = vector.shape_cast %argmin3A_204 : vector<256xi32> to vector<256x1xi32>
    %eq3A_206 = arith.constant 14 : i32
    %eq3A_207 = vector.broadcast %eq3A_206 : i32 to vector<256x16xi32>
    %eq3A_208 = arith.cmpi eq, %iota3A_23, %eq3A_207 : vector<256x16xi32>
    %broadcast_in_dim3A_209 = vector.shape_cast %broadcast_in_dim3A_205 : vector<256x1xi32> to vector<256x1xi32>
    %broadcast_in_dim3A_210 = vector.broadcast %broadcast_in_dim3A_209 : vector<256x1xi32> to vector<256x16xi32>
    %select_n3A_211 = arith.select %eq3A_208, %broadcast_in_dim3A_210, %select_n3A_198 : vector<256x16xi1>, vector<256x16xi32>
    %eq3A_212 = vector.broadcast %broadcast_in_dim3A_205 : vector<256x1xi32> to vector<256x2048xi32>
    %eq3A_213 = arith.cmpi eq, %iota3A, %eq3A_212 : vector<256x2048xi32>
    %jit3A_214 = arith.constant 0x7F800000 : f32
    %broadcast_in_dim3A_215 = vector.broadcast %jit3A_214 : f32 to vector<256x2048xf32>
    %select_n3A_216 = arith.select %eq3A_213, %broadcast_in_dim3A_215, %select_n3A_203 : vector<256x2048xi1>, vector<256x2048xf32>
    %argmin3A_217 = tpu.reduce_index %select_n3A_216 {axis = 1 : i32, kind = #tpu.reduction_kind<arg_min>} : vector<256x2048xf32> -> vector<256xi32>
    %broadcast_in_dim3A_218 = vector.shape_cast %argmin3A_217 : vector<256xi32> to vector<256x1xi32>
    %eq3A_219 = arith.constant 15 : i32
    %eq3A_220 = vector.broadcast %eq3A_219 : i32 to vector<256x16xi32>
    %eq3A_221 = arith.cmpi eq, %iota3A_23, %eq3A_220 : vector<256x16xi32>
    %broadcast_in_dim3A_222 = vector.shape_cast %broadcast_in_dim3A_218 : vector<256x1xi32> to vector<256x1xi32>
    %broadcast_in_dim3A_223 = vector.broadcast %broadcast_in_dim3A_222 : vector<256x1xi32> to vector<256x16xi32>
    %select_n3A_224 = arith.select %eq3A_221, %broadcast_in_dim3A_223, %select_n3A_211 : vector<256x16xi1>, vector<256x16xi32>
    %swap3A = arith.constant 0 : index
    %swap3A_225 = arith.constant 0 : index
    %swap3A_226 = vector.load %arg3[%swap3A, %swap3A_225] : memref<256x16xi32, #tpu.memory_space<vmem>>, vector<256x16xi32>
    tpu.vector_store %arg3[%swap3A, %swap3A_225], %select_n3A_224 {strides = array<i32>} : memref<256x16xi32, #tpu.memory_space<vmem>>, vector<256x16xi32>,
    return
  }
  func.func @transform_0(%arg0: i32) -> (i32, i32) {
    %add3A = arith.constant 4 : i32
    %add3A_0 = arith.addi %add3A, %arg0 : i32
    %c0_i32 = arith.constant 0 : i32
    %c0_i32_1 = arith.constant 0 : i32
    return %add3A_0, %c0_i32 : i32, i32
  }
  func.func @transform_1(%arg0: i32) -> (i32, i32) {
    %c0_i32 = arith.constant 0 : i32
    %c0_i32_0 = arith.constant 0 : i32
    %c0_i32_1 = arith.constant 0 : i32
    return %c0_i32, %c0_i32_0 : i32, i32
  }
  func.func @transform_2(%arg0: i32) -> (i32, i32) {
    %c0_i32 = arith.constant 0 : i32
    %c0_i32_0 = arith.constant 0 : i32
    return %arg0, %c0_i32 : i32, i32
  }
}

module attributes {stable_mosaic.version = 14 : i64} {
  func.func @_prep_body(%arg0: memref<1024x4xf32, #tpu.memory_space<vmem>>, %arg1: memref<2048x128xf32, #tpu.memory_space<vmem>>, %arg2: memref<512x4xf32, #tpu.memory_space<vmem>>, %arg3: memref<1x512xf32, #tpu.memory_space<vmem>>, %arg4: memref<512x512xf32, #tpu.memory_space<vmem>>, %arg5: memref<1x512xf32, #tpu.memory_space<vmem>>, %arg6: memref<512x512xf32, #tpu.memory_space<vmem>>, %arg7: memref<1x512xf32, #tpu.memory_space<vmem>>, %arg8: memref<512x512xf32, #tpu.memory_space<vmem>>, %arg9: memref<1x512xf32, #tpu.memory_space<vmem>>, %arg10: memref<512x512xf32, #tpu.memory_space<vmem>>, %arg11: memref<1024x512xf32, #tpu.memory_space<vmem>>, %arg12: memref<2048x512xf32, #tpu.memory_space<vmem>>, %arg13: memref<2048x512xf32, #tpu.memory_space<vmem>>, %arg14: memref<2048x640xf32, #tpu.memory_space<vmem>>) attributes {dimension_semantics = [], scalar_prefetch = 0 : i64, scratch_operands = 0 : i64, tpu.core_type = #tpu.core_type<tc>} {
    %get3A = arith.constant 0 : index
    %get3A_0 = arith.constant 0 : index
    %get3A_1 = vector.load %arg0[%get3A, %get3A_0] : memref<1024x4xf32, #tpu.memory_space<vmem>>, vector<1024x4xf32>
    %get3A_2 = arith.constant 0 : index
    %get3A_3 = arith.constant 0 : index
    %get3A_4 = vector.load %arg2[%get3A_2, %get3A_3] : memref<512x4xf32, #tpu.memory_space<vmem>>, vector<512x4xf32>
    %dot_general3A = arith.constant dense<0.000000e+00> : vector<1024x512xf32>
    %dot_general3A_5 = tpu.matmul %get3A_1, %get3A_4, %dot_general3A {dimension_numbers = #tpu.dot_dimension_numbers<[1], [1], [0], [0], [0, 0, 1, 0], [], []>, transpose_lhs_hint = false} : vector<1024x4xf32>, vector<512x4xf32>, vector<1024x512xf32> -> vector<1024x512xf32>
    %get3A_6 = arith.constant 0 : index
    %get3A_7 = arith.constant 0 : index
    %get3A_8 = vector.load %arg3[%get3A_6, %get3A_7] : memref<1x512xf32, #tpu.memory_space<vmem>>, vector<1x512xf32>
    %add3A = vector.broadcast %get3A_8 : vector<1x512xf32> to vector<1024x512xf32>
    %add3A_9 = arith.addf %dot_general3A_5, %add3A : vector<1024x512xf32>
    %max3A = arith.constant 0.000000e+00 : f32
    %max3A_10 = vector.broadcast %max3A : f32 to vector<1024x512xf32>
    %max3A_11 = arith.maximumf %add3A_9, %max3A_10 : vector<1024x512xf32>
    %get3A_12 = arith.constant 0 : index
    %get3A_13 = arith.constant 0 : index
    %get3A_14 = vector.load %arg4[%get3A_12, %get3A_13] : memref<512x512xf32, #tpu.memory_space<vmem>>, vector<512x512xf32>
    %dot_general3A_15 = arith.constant dense<0.000000e+00> : vector<1024x512xf32>
    %dot_general3A_16 = tpu.matmul %max3A_11, %get3A_14, %dot_general3A_15 {dimension_numbers = #tpu.dot_dimension_numbers<[1], [1], [0], [0], [0, 0, 1, 0], [], []>, transpose_lhs_hint = false} : vector<1024x512xf32>, vector<512x512xf32>, vector<1024x512xf32> -> vector<1024x512xf32>
    %get3A_17 = arith.constant 0 : index
    %get3A_18 = arith.constant 0 : index
    %get3A_19 = vector.load %arg5[%get3A_17, %get3A_18] : memref<1x512xf32, #tpu.memory_space<vmem>>, vector<1x512xf32>
    %add3A_20 = vector.broadcast %get3A_19 : vector<1x512xf32> to vector<1024x512xf32>
    %add3A_21 = arith.addf %dot_general3A_16, %add3A_20 : vector<1024x512xf32>
    %max3A_22 = arith.constant 0.000000e+00 : f32
    %max3A_23 = vector.broadcast %max3A_22 : f32 to vector<1024x512xf32>
    %max3A_24 = arith.maximumf %add3A_21, %max3A_23 : vector<1024x512xf32>
    %get3A_25 = arith.constant 0 : index
    %get3A_26 = arith.constant 0 : index
    %get3A_27 = vector.load %arg6[%get3A_25, %get3A_26] : memref<512x512xf32, #tpu.memory_space<vmem>>, vector<512x512xf32>
    %dot_general3A_28 = arith.constant dense<0.000000e+00> : vector<1024x512xf32>
    %dot_general3A_29 = tpu.matmul %max3A_24, %get3A_27, %dot_general3A_28 {dimension_numbers = #tpu.dot_dimension_numbers<[1], [1], [0], [0], [0, 0, 1, 0], [], []>, transpose_lhs_hint = false} : vector<1024x512xf32>, vector<512x512xf32>, vector<1024x512xf32> -> vector<1024x512xf32>
    %get3A_30 = arith.constant 0 : index
    %get3A_31 = arith.constant 0 : index
    %get3A_32 = vector.load %arg7[%get3A_30, %get3A_31] : memref<1x512xf32, #tpu.memory_space<vmem>>, vector<1x512xf32>
    %add3A_33 = vector.broadcast %get3A_32 : vector<1x512xf32> to vector<1024x512xf32>
    %add3A_34 = arith.addf %dot_general3A_29, %add3A_33 : vector<1024x512xf32>
    %mul3A = arith.constant 0.666666686 : f32
    %mul3A_35 = vector.broadcast %mul3A : f32 to vector<1024x512xf32>
    %mul3A_36 = arith.mulf %add3A_34, %mul3A_35 : vector<1024x512xf32>
    %mul3A_37 = arith.constant 0.333333343 : f32
    %mul3A_38 = vector.broadcast %mul3A_37 : f32 to vector<1024x512xf32>
    %mul3A_39 = arith.mulf %add3A_34, %mul3A_38 : vector<1024x512xf32>
    %add3A_40 = arith.addf %mul3A_36, %mul3A_39 : vector<1024x512xf32>
    %concatenate3A = tpu.concatenate %add3A_34, %add3A_40 in 0 : vector<1024x512xf32>, vector<1024x512xf32> -> vector<2048x512xf32>
    %swap3A = arith.constant 0 : index
    %swap3A_41 = arith.constant 0 : index
    %swap3A_42 = vector.load %arg12[%swap3A, %swap3A_41] : memref<2048x512xf32, #tpu.memory_space<vmem>>, vector<2048x512xf32>
    tpu.vector_store %arg12[%swap3A, %swap3A_41], %concatenate3A {strides = array<i32>} : memref<2048x512xf32, #tpu.memory_space<vmem>>, vector<2048x512xf32>,
    %get3A_43 = arith.constant 0 : index
    %get3A_44 = arith.constant 0 : index
    %get3A_45 = vector.load %arg8[%get3A_43, %get3A_44] : memref<512x512xf32, #tpu.memory_space<vmem>>, vector<512x512xf32>
    %dot_general3A_46 = arith.constant dense<0.000000e+00> : vector<2048x512xf32>
    %dot_general3A_47 = tpu.matmul %concatenate3A, %get3A_45, %dot_general3A_46 {dimension_numbers = #tpu.dot_dimension_numbers<[1], [1], [0], [0], [0, 0, 1, 0], [], []>, transpose_lhs_hint = false} : vector<2048x512xf32>, vector<512x512xf32>, vector<2048x512xf32> -> vector<2048x512xf32>
    %get3A_48 = arith.constant 0 : index
    %get3A_49 = arith.constant 0 : index
    %get3A_50 = vector.load %arg9[%get3A_48, %get3A_49] : memref<1x512xf32, #tpu.memory_space<vmem>>, vector<1x512xf32>
    %add3A_51 = vector.broadcast %get3A_50 : vector<1x512xf32> to vector<2048x512xf32>
    %add3A_52 = arith.addf %dot_general3A_47, %add3A_51 : vector<2048x512xf32>
    %get3A_53 = arith.constant 0 : index
    %get3A_54 = arith.constant 0 : index
    %get3A_55 = vector.load %arg10[%get3A_53, %get3A_54] : memref<512x512xf32, #tpu.memory_space<vmem>>, vector<512x512xf32>
    %dot_general3A_56 = arith.constant dense<0.000000e+00> : vector<2048x512xf32>
    %dot_general3A_57 = tpu.matmul %add3A_52, %get3A_55, %dot_general3A_56 {dimension_numbers = #tpu.dot_dimension_numbers<[1], [1], [0], [0], [0, 0, 1, 0], [], []>, transpose_lhs_hint = false} : vector<2048x512xf32>, vector<512x512xf32>, vector<2048x512xf32> -> vector<2048x512xf32>
    %swap3A_58 = arith.constant 0 : index
    %swap3A_59 = arith.constant 0 : index
    %swap3A_60 = vector.load %arg13[%swap3A_58, %swap3A_59] : memref<2048x512xf32, #tpu.memory_space<vmem>>, vector<2048x512xf32>
    tpu.vector_store %arg13[%swap3A_58, %swap3A_59], %dot_general3A_57 {strides = array<i32>} : memref<2048x512xf32, #tpu.memory_space<vmem>>, vector<2048x512xf32>,
    %get3A_61 = arith.constant 0 : index
    %get3A_62 = arith.constant 0 : index
    %get3A_63 = vector.load %arg11[%get3A_61, %get3A_62] : memref<1024x512xf32, #tpu.memory_space<vmem>>, vector<1024x512xf32>
    %dot_general3A_64 = arith.constant dense<0.000000e+00> : vector<2048x1024xf32>
    %dot_general3A_65 = tpu.matmul %add3A_52, %get3A_63, %dot_general3A_64 {dimension_numbers = #tpu.dot_dimension_numbers<[1], [1], [0], [0], [0, 0, 1, 0], [], []>, transpose_lhs_hint = false} : vector<2048x512xf32>, vector<1024x512xf32>, vector<2048x1024xf32> -> vector<2048x1024xf32>
    %slice3A = vector.extract_strided_slice %dot_general3A_65 {offsets = [0, 0], sizes = [2048, 512], strides = [1, 1]} : vector<2048x1024xf32> to vector<2048x512xf32>
    %bitcast_convert_type3A = tpu.bitcast %slice3A : vector<2048x512xf32> -> vector<2048x512xi32>
    %slice3A_66 = vector.extract_strided_slice %dot_general3A_65 {offsets = [0, 512], sizes = [2048, 512], strides = [1, 1]} : vector<2048x1024xf32> to vector<2048x512xf32>
    %bitcast_convert_type3A_67 = tpu.bitcast %slice3A_66 : vector<2048x512xf32> -> vector<2048x512xi32>
    %add3A_68 = arith.constant 32767 : i32
    %add3A_69 = vector.broadcast %add3A_68 : i32 to vector<2048x512xi32>
    %add3A_70 = arith.addi %bitcast_convert_type3A, %add3A_69 : vector<2048x512xi32>
    %shift_right_arithmetic3A = arith.constant 16 : i32
    %shift_right_arithmetic3A_71 = vector.broadcast %shift_right_arithmetic3A : i32 to vector<2048x512xi32>
    %shift_right_arithmetic3A_72 = arith.shrsi %bitcast_convert_type3A, %shift_right_arithmetic3A_71 : vector<2048x512xi32>
    %and3A = arith.constant 1 : i32
    %and3A_73 = vector.broadcast %and3A : i32 to vector<2048x512xi32>
    %and3A_74 = arith.andi %shift_right_arithmetic3A_72, %and3A_73 : vector<2048x512xi32>
    %add3A_75 = arith.addi %add3A_70, %and3A_74 : vector<2048x512xi32>
    %add3A_76 = arith.constant 32767 : i32
    %add3A_77 = vector.broadcast %add3A_76 : i32 to vector<2048x512xi32>
    %add3A_78 = arith.addi %bitcast_convert_type3A_67, %add3A_77 : vector<2048x512xi32>
    %shift_right_arithmetic3A_79 = arith.constant 16 : i32
    %shift_right_arithmetic3A_80 = vector.broadcast %shift_right_arithmetic3A_79 : i32 to vector<2048x512xi32>
    %shift_right_arithmetic3A_81 = arith.shrsi %bitcast_convert_type3A_67, %shift_right_arithmetic3A_80 : vector<2048x512xi32>
    %and3A_82 = arith.constant 1 : i32
    %and3A_83 = vector.broadcast %and3A_82 : i32 to vector<2048x512xi32>
    %and3A_84 = arith.andi %shift_right_arithmetic3A_81, %and3A_83 : vector<2048x512xi32>
    %add3A_85 = arith.addi %add3A_78, %and3A_84 : vector<2048x512xi32>
    %and3A_86 = arith.constant -65536 : i32
    %and3A_87 = vector.broadcast %and3A_86 : i32 to vector<2048x512xi32>
    %and3A_88 = arith.andi %add3A_75, %and3A_87 : vector<2048x512xi32>
    %shift_right_arithmetic3A_89 = arith.constant 16 : i32
    %shift_right_arithmetic3A_90 = vector.broadcast %shift_right_arithmetic3A_89 : i32 to vector<2048x512xi32>
    %shift_right_arithmetic3A_91 = arith.shrsi %add3A_85, %shift_right_arithmetic3A_90 : vector<2048x512xi32>
    %and3A_92 = arith.constant 65535 : i32
    %and3A_93 = vector.broadcast %and3A_92 : i32 to vector<2048x512xi32>
    %and3A_94 = arith.andi %shift_right_arithmetic3A_91, %and3A_93 : vector<2048x512xi32>
    %or3A = arith.ori %and3A_88, %and3A_94 : vector<2048x512xi32>
    %bitcast_convert_type3A_95 = tpu.bitcast %or3A : vector<2048x512xi32> -> vector<2048x512xf32>
    %swap3A_96 = arith.constant 0 : index
    %swap3A_97 = arith.constant 0 : index
    %swap3A_98 = vector.load %arg14[%swap3A_96, %swap3A_97] : memref<2048x640xf32, #tpu.memory_space<vmem>>, vector<2048x512xf32>
    tpu.vector_store %arg14[%swap3A_96, %swap3A_97], %bitcast_convert_type3A_95 {strides = array<i32>} : memref<2048x640xf32, #tpu.memory_space<vmem>>, vector<2048x512xf32>,
    %get3A_99 = arith.constant 0 : index
    %get3A_100 = arith.constant 0 : index
    %get3A_101 = vector.load %arg1[%get3A_99, %get3A_100] : memref<2048x128xf32, #tpu.memory_space<vmem>>, vector<2048x128xf32>
    %swap3A_102 = arith.constant 0 : index
    %swap3A_103 = arith.constant 512 : index
    %swap3A_104 = vector.load %arg14[%swap3A_102, %swap3A_103] : memref<2048x640xf32, #tpu.memory_space<vmem>>, vector<2048x128xf32>
    tpu.vector_store %arg14[%swap3A_102, %swap3A_103], %get3A_101 {strides = array<i32>} : memref<2048x640xf32, #tpu.memory_space<vmem>>, vector<2048x128xf32>,
    return
  }
}

module attributes {stable_mosaic.version = 14 : i64} {
  func.func @_knn_body(%arg0: i32, %arg1: memref<256x128xf32, #tpu.memory_space<vmem>>, %arg2: memref<8x2048xf32, #tpu.memory_space<vmem>>, %arg3: memref<256x16xi32, #tpu.memory_space<vmem>>) attributes {dimension_semantics = [#tpu.dimension_semantics<arbitrary>], iteration_bounds = array<i64: 4>, scalar_prefetch = 0 : i64, scratch_operands = 0 : i64, tpu.core_type = #tpu.core_type<tc>, window_params = [{transform_indices = @transform_0, window_bounds = array<i64: 256, 128>}, {pipeline_mode = #tpu.pipeline_mode<synchronous>, transform_indices = @transform_1, window_bounds = array<i64: 8, 2048>}, {transform_indices = @transform_2, window_bounds = array<i64: 256, 16>}]} {
    %get3A = arith.constant 0 : index
    %get3A_0 = arith.constant 0 : index
    %get3A_1 = vector.load %arg1[%get3A, %get3A_0] : memref<256x128xf32, #tpu.memory_space<vmem>>, vector<256x128xf32>
    %get3A_2 = arith.constant 0 : index
    %get3A_3 = arith.constant 0 : index
    %get3A_4 = vector.load %arg2[%get3A_2, %get3A_3] : memref<8x2048xf32, #tpu.memory_space<vmem>>, vector<8x2048xf32>
    %broadcast_in_dim3A = arith.constant 0.000000e+00 : f32
    %broadcast_in_dim3A_5 = vector.broadcast %broadcast_in_dim3A : f32 to vector<256x2048xf32>
    %slice3A = vector.extract_strided_slice %get3A_1 {offsets = [0, 0], sizes = [256, 1], strides = [1, 1]} : vector<256x128xf32> to vector<256x1xf32>
    %slice3A_6 = vector.extract_strided_slice %get3A_4 {offsets = [0, 0], sizes = [1, 2048], strides = [1, 1]} : vector<8x2048xf32> to vector<1x2048xf32>
    %sub3A = vector.broadcast %slice3A : vector<256x1xf32> to vector<256x2048xf32>
    %sub3A_7 = vector.broadcast %slice3A_6 : vector<1x2048xf32> to vector<256x2048xf32>
    %sub3A_8 = arith.subf %sub3A, %sub3A_7 : vector<256x2048xf32>
    %mul3A = arith.mulf %sub3A_8, %sub3A_8 : vector<256x2048xf32>
    %add3A = arith.addf %broadcast_in_dim3A_5, %mul3A : vector<256x2048xf32>
    %slice3A_9 = vector.extract_strided_slice %get3A_1 {offsets = [0, 1], sizes = [256, 1], strides = [1, 1]} : vector<256x128xf32> to vector<256x1xf32>
    %slice3A_10 = vector.extract_strided_slice %get3A_4 {offsets = [1, 0], sizes = [1, 2048], strides = [1, 1]} : vector<8x2048xf32> to vector<1x2048xf32>
    %sub3A_11 = vector.broadcast %slice3A_9 : vector<256x1xf32> to vector<256x2048xf32>
    %sub3A_12 = vector.broadcast %slice3A_10 : vector<1x2048xf32> to vector<256x2048xf32>
    %sub3A_13 = arith.subf %sub3A_11, %sub3A_12 : vector<256x2048xf32>
    %mul3A_14 = arith.mulf %sub3A_13, %sub3A_13 : vector<256x2048xf32>
    %add3A_15 = arith.addf %add3A, %mul3A_14 : vector<256x2048xf32>
    %slice3A_16 = vector.extract_strided_slice %get3A_1 {offsets = [0, 2], sizes = [256, 1], strides = [1, 1]} : vector<256x128xf32> to vector<256x1xf32>
    %slice3A_17 = vector.extract_strided_slice %get3A_4 {offsets = [2, 0], sizes = [1, 2048], strides = [1, 1]} : vector<8x2048xf32> to vector<1x2048xf32>
    %sub3A_18 = vector.broadcast %slice3A_16 : vector<256x1xf32> to vector<256x2048xf32>
    %sub3A_19 = vector.broadcast %slice3A_17 : vector<1x2048xf32> to vector<256x2048xf32>
    %sub3A_20 = arith.subf %sub3A_18, %sub3A_19 : vector<256x2048xf32>
    %mul3A_21 = arith.mulf %sub3A_20, %sub3A_20 : vector<256x2048xf32>
    %add3A_22 = arith.addf %add3A_15, %mul3A_21 : vector<256x2048xf32>
    %iota3A = tpu.iota {dimensions = array<i32: 1>} : vector<256x2048xi32>
    %iota3A_23 = tpu.iota {dimensions = array<i32: 1>} : vector<256x16xi32>
    %broadcast_in_dim3A_24 = arith.constant 0 : i32
    %broadcast_in_dim3A_25 = vector.broadcast %broadcast_in_dim3A_24 : i32 to vector<256x16xi32>
    %argmin3A = tpu.reduce_index %add3A_22 {axis = 1 : i32, kind = #tpu.reduction_kind<arg_min>} : vector<256x2048xf32> -> vector<256xi32>
    %broadcast_in_dim3A_26 = vector.shape_cast %argmin3A : vector<256xi32> to vector<256x1xi32>
    %eq3A = arith.constant 0 : i32
    %eq3A_27 = vector.broadcast %eq3A : i32 to vector<256x16xi32>
    %eq3A_28 = arith.cmpi eq, %iota3A_23, %eq3A_27 : vector<256x16xi32>
    %broadcast_in_dim3A_29 = vector.shape_cast %broadcast_in_dim3A_26 : vector<256x1xi32> to vector<256x1xi32>
    %broadcast_in_dim3A_30 = vector.broadcast %broadcast_in_dim3A_29 : vector<256x1xi32> to vector<256x16xi32>
    %select_n3A = arith.select %eq3A_28, %broadcast_in_dim3A_30, %broadcast_in_dim3A_25 : vector<256x16xi1>, vector<256x16xi32>
    %eq3A_31 = vector.broadcast %broadcast_in_dim3A_26 : vector<256x1xi32> to vector<256x2048xi32>
    %eq3A_32 = arith.cmpi eq, %iota3A, %eq3A_31 : vector<256x2048xi32>
    %jit3A = arith.constant 0x7F800000 : f32
    %broadcast_in_dim3A_33 = vector.broadcast %jit3A : f32 to vector<256x2048xf32>
    %select_n3A_34 = arith.select %eq3A_32, %broadcast_in_dim3A_33, %add3A_22 : vector<256x2048xi1>, vector<256x2048xf32>
    %argmin3A_35 = tpu.reduce_index %select_n3A_34 {axis = 1 : i32, kind = #tpu.reduction_kind<arg_min>} : vector<256x2048xf32> -> vector<256xi32>
    %broadcast_in_dim3A_36 = vector.shape_cast %argmin3A_35 : vector<256xi32> to vector<256x1xi32>
    %eq3A_37 = arith.constant 1 : i32
    %eq3A_38 = vector.broadcast %eq3A_37 : i32 to vector<256x16xi32>
    %eq3A_39 = arith.cmpi eq, %iota3A_23, %eq3A_38 : vector<256x16xi32>
    %broadcast_in_dim3A_40 = vector.shape_cast %broadcast_in_dim3A_36 : vector<256x1xi32> to vector<256x1xi32>
    %broadcast_in_dim3A_41 = vector.broadcast %broadcast_in_dim3A_40 : vector<256x1xi32> to vector<256x16xi32>
    %select_n3A_42 = arith.select %eq3A_39, %broadcast_in_dim3A_41, %select_n3A : vector<256x16xi1>, vector<256x16xi32>
    %eq3A_43 = vector.broadcast %broadcast_in_dim3A_36 : vector<256x1xi32> to vector<256x2048xi32>
    %eq3A_44 = arith.cmpi eq, %iota3A, %eq3A_43 : vector<256x2048xi32>
    %jit3A_45 = arith.constant 0x7F800000 : f32
    %broadcast_in_dim3A_46 = vector.broadcast %jit3A_45 : f32 to vector<256x2048xf32>
    %select_n3A_47 = arith.select %eq3A_44, %broadcast_in_dim3A_46, %select_n3A_34 : vector<256x2048xi1>, vector<256x2048xf32>
    %argmin3A_48 = tpu.reduce_index %select_n3A_47 {axis = 1 : i32, kind = #tpu.reduction_kind<arg_min>} : vector<256x2048xf32> -> vector<256xi32>
    %broadcast_in_dim3A_49 = vector.shape_cast %argmin3A_48 : vector<256xi32> to vector<256x1xi32>
    %eq3A_50 = arith.constant 2 : i32
    %eq3A_51 = vector.broadcast %eq3A_50 : i32 to vector<256x16xi32>
    %eq3A_52 = arith.cmpi eq, %iota3A_23, %eq3A_51 : vector<256x16xi32>
    %broadcast_in_dim3A_53 = vector.shape_cast %broadcast_in_dim3A_49 : vector<256x1xi32> to vector<256x1xi32>
    %broadcast_in_dim3A_54 = vector.broadcast %broadcast_in_dim3A_53 : vector<256x1xi32> to vector<256x16xi32>
    %select_n3A_55 = arith.select %eq3A_52, %broadcast_in_dim3A_54, %select_n3A_42 : vector<256x16xi1>, vector<256x16xi32>
    %eq3A_56 = vector.broadcast %broadcast_in_dim3A_49 : vector<256x1xi32> to vector<256x2048xi32>
    %eq3A_57 = arith.cmpi eq, %iota3A, %eq3A_56 : vector<256x2048xi32>
    %jit3A_58 = arith.constant 0x7F800000 : f32
    %broadcast_in_dim3A_59 = vector.broadcast %jit3A_58 : f32 to vector<256x2048xf32>
    %select_n3A_60 = arith.select %eq3A_57, %broadcast_in_dim3A_59, %select_n3A_47 : vector<256x2048xi1>, vector<256x2048xf32>
    %argmin3A_61 = tpu.reduce_index %select_n3A_60 {axis = 1 : i32, kind = #tpu.reduction_kind<arg_min>} : vector<256x2048xf32> -> vector<256xi32>
    %broadcast_in_dim3A_62 = vector.shape_cast %argmin3A_61 : vector<256xi32> to vector<256x1xi32>
    %eq3A_63 = arith.constant 3 : i32
    %eq3A_64 = vector.broadcast %eq3A_63 : i32 to vector<256x16xi32>
    %eq3A_65 = arith.cmpi eq, %iota3A_23, %eq3A_64 : vector<256x16xi32>
    %broadcast_in_dim3A_66 = vector.shape_cast %broadcast_in_dim3A_62 : vector<256x1xi32> to vector<256x1xi32>
    %broadcast_in_dim3A_67 = vector.broadcast %broadcast_in_dim3A_66 : vector<256x1xi32> to vector<256x16xi32>
    %select_n3A_68 = arith.select %eq3A_65, %broadcast_in_dim3A_67, %select_n3A_55 : vector<256x16xi1>, vector<256x16xi32>
    %eq3A_69 = vector.broadcast %broadcast_in_dim3A_62 : vector<256x1xi32> to vector<256x2048xi32>
    %eq3A_70 = arith.cmpi eq, %iota3A, %eq3A_69 : vector<256x2048xi32>
    %jit3A_71 = arith.constant 0x7F800000 : f32
    %broadcast_in_dim3A_72 = vector.broadcast %jit3A_71 : f32 to vector<256x2048xf32>
    %select_n3A_73 = arith.select %eq3A_70, %broadcast_in_dim3A_72, %select_n3A_60 : vector<256x2048xi1>, vector<256x2048xf32>
    %argmin3A_74 = tpu.reduce_index %select_n3A_73 {axis = 1 : i32, kind = #tpu.reduction_kind<arg_min>} : vector<256x2048xf32> -> vector<256xi32>
    %broadcast_in_dim3A_75 = vector.shape_cast %argmin3A_74 : vector<256xi32> to vector<256x1xi32>
    %eq3A_76 = arith.constant 4 : i32
    %eq3A_77 = vector.broadcast %eq3A_76 : i32 to vector<256x16xi32>
    %eq3A_78 = arith.cmpi eq, %iota3A_23, %eq3A_77 : vector<256x16xi32>
    %broadcast_in_dim3A_79 = vector.shape_cast %broadcast_in_dim3A_75 : vector<256x1xi32> to vector<256x1xi32>
    %broadcast_in_dim3A_80 = vector.broadcast %broadcast_in_dim3A_79 : vector<256x1xi32> to vector<256x16xi32>
    %select_n3A_81 = arith.select %eq3A_78, %broadcast_in_dim3A_80, %select_n3A_68 : vector<256x16xi1>, vector<256x16xi32>
    %eq3A_82 = vector.broadcast %broadcast_in_dim3A_75 : vector<256x1xi32> to vector<256x2048xi32>
    %eq3A_83 = arith.cmpi eq, %iota3A, %eq3A_82 : vector<256x2048xi32>
    %jit3A_84 = arith.constant 0x7F800000 : f32
    %broadcast_in_dim3A_85 = vector.broadcast %jit3A_84 : f32 to vector<256x2048xf32>
    %select_n3A_86 = arith.select %eq3A_83, %broadcast_in_dim3A_85, %select_n3A_73 : vector<256x2048xi1>, vector<256x2048xf32>
    %argmin3A_87 = tpu.reduce_index %select_n3A_86 {axis = 1 : i32, kind = #tpu.reduction_kind<arg_min>} : vector<256x2048xf32> -> vector<256xi32>
    %broadcast_in_dim3A_88 = vector.shape_cast %argmin3A_87 : vector<256xi32> to vector<256x1xi32>
    %eq3A_89 = arith.constant 5 : i32
    %eq3A_90 = vector.broadcast %eq3A_89 : i32 to vector<256x16xi32>
    %eq3A_91 = arith.cmpi eq, %iota3A_23, %eq3A_90 : vector<256x16xi32>
    %broadcast_in_dim3A_92 = vector.shape_cast %broadcast_in_dim3A_88 : vector<256x1xi32> to vector<256x1xi32>
    %broadcast_in_dim3A_93 = vector.broadcast %broadcast_in_dim3A_92 : vector<256x1xi32> to vector<256x16xi32>
    %select_n3A_94 = arith.select %eq3A_91, %broadcast_in_dim3A_93, %select_n3A_81 : vector<256x16xi1>, vector<256x16xi32>
    %eq3A_95 = vector.broadcast %broadcast_in_dim3A_88 : vector<256x1xi32> to vector<256x2048xi32>
    %eq3A_96 = arith.cmpi eq, %iota3A, %eq3A_95 : vector<256x2048xi32>
    %jit3A_97 = arith.constant 0x7F800000 : f32
    %broadcast_in_dim3A_98 = vector.broadcast %jit3A_97 : f32 to vector<256x2048xf32>
    %select_n3A_99 = arith.select %eq3A_96, %broadcast_in_dim3A_98, %select_n3A_86 : vector<256x2048xi1>, vector<256x2048xf32>
    %argmin3A_100 = tpu.reduce_index %select_n3A_99 {axis = 1 : i32, kind = #tpu.reduction_kind<arg_min>} : vector<256x2048xf32> -> vector<256xi32>
    %broadcast_in_dim3A_101 = vector.shape_cast %argmin3A_100 : vector<256xi32> to vector<256x1xi32>
    %eq3A_102 = arith.constant 6 : i32
    %eq3A_103 = vector.broadcast %eq3A_102 : i32 to vector<256x16xi32>
    %eq3A_104 = arith.cmpi eq, %iota3A_23, %eq3A_103 : vector<256x16xi32>
    %broadcast_in_dim3A_105 = vector.shape_cast %broadcast_in_dim3A_101 : vector<256x1xi32> to vector<256x1xi32>
    %broadcast_in_dim3A_106 = vector.broadcast %broadcast_in_dim3A_105 : vector<256x1xi32> to vector<256x16xi32>
    %select_n3A_107 = arith.select %eq3A_104, %broadcast_in_dim3A_106, %select_n3A_94 : vector<256x16xi1>, vector<256x16xi32>
    %eq3A_108 = vector.broadcast %broadcast_in_dim3A_101 : vector<256x1xi32> to vector<256x2048xi32>
    %eq3A_109 = arith.cmpi eq, %iota3A, %eq3A_108 : vector<256x2048xi32>
    %jit3A_110 = arith.constant 0x7F800000 : f32
    %broadcast_in_dim3A_111 = vector.broadcast %jit3A_110 : f32 to vector<256x2048xf32>
    %select_n3A_112 = arith.select %eq3A_109, %broadcast_in_dim3A_111, %select_n3A_99 : vector<256x2048xi1>, vector<256x2048xf32>
    %argmin3A_113 = tpu.reduce_index %select_n3A_112 {axis = 1 : i32, kind = #tpu.reduction_kind<arg_min>} : vector<256x2048xf32> -> vector<256xi32>
    %broadcast_in_dim3A_114 = vector.shape_cast %argmin3A_113 : vector<256xi32> to vector<256x1xi32>
    %eq3A_115 = arith.constant 7 : i32
    %eq3A_116 = vector.broadcast %eq3A_115 : i32 to vector<256x16xi32>
    %eq3A_117 = arith.cmpi eq, %iota3A_23, %eq3A_116 : vector<256x16xi32>
    %broadcast_in_dim3A_118 = vector.shape_cast %broadcast_in_dim3A_114 : vector<256x1xi32> to vector<256x1xi32>
    %broadcast_in_dim3A_119 = vector.broadcast %broadcast_in_dim3A_118 : vector<256x1xi32> to vector<256x16xi32>
    %select_n3A_120 = arith.select %eq3A_117, %broadcast_in_dim3A_119, %select_n3A_107 : vector<256x16xi1>, vector<256x16xi32>
    %eq3A_121 = vector.broadcast %broadcast_in_dim3A_114 : vector<256x1xi32> to vector<256x2048xi32>
    %eq3A_122 = arith.cmpi eq, %iota3A, %eq3A_121 : vector<256x2048xi32>
    %jit3A_123 = arith.constant 0x7F800000 : f32
    %broadcast_in_dim3A_124 = vector.broadcast %jit3A_123 : f32 to vector<256x2048xf32>
    %select_n3A_125 = arith.select %eq3A_122, %broadcast_in_dim3A_124, %select_n3A_112 : vector<256x2048xi1>, vector<256x2048xf32>
    %argmin3A_126 = tpu.reduce_index %select_n3A_125 {axis = 1 : i32, kind = #tpu.reduction_kind<arg_min>} : vector<256x2048xf32> -> vector<256xi32>
    %broadcast_in_dim3A_127 = vector.shape_cast %argmin3A_126 : vector<256xi32> to vector<256x1xi32>
    %eq3A_128 = arith.constant 8 : i32
    %eq3A_129 = vector.broadcast %eq3A_128 : i32 to vector<256x16xi32>
    %eq3A_130 = arith.cmpi eq, %iota3A_23, %eq3A_129 : vector<256x16xi32>
    %broadcast_in_dim3A_131 = vector.shape_cast %broadcast_in_dim3A_127 : vector<256x1xi32> to vector<256x1xi32>
    %broadcast_in_dim3A_132 = vector.broadcast %broadcast_in_dim3A_131 : vector<256x1xi32> to vector<256x16xi32>
    %select_n3A_133 = arith.select %eq3A_130, %broadcast_in_dim3A_132, %select_n3A_120 : vector<256x16xi1>, vector<256x16xi32>
    %eq3A_134 = vector.broadcast %broadcast_in_dim3A_127 : vector<256x1xi32> to vector<256x2048xi32>
    %eq3A_135 = arith.cmpi eq, %iota3A, %eq3A_134 : vector<256x2048xi32>
    %jit3A_136 = arith.constant 0x7F800000 : f32
    %broadcast_in_dim3A_137 = vector.broadcast %jit3A_136 : f32 to vector<256x2048xf32>
    %select_n3A_138 = arith.select %eq3A_135, %broadcast_in_dim3A_137, %select_n3A_125 : vector<256x2048xi1>, vector<256x2048xf32>
    %argmin3A_139 = tpu.reduce_index %select_n3A_138 {axis = 1 : i32, kind = #tpu.reduction_kind<arg_min>} : vector<256x2048xf32> -> vector<256xi32>
    %broadcast_in_dim3A_140 = vector.shape_cast %argmin3A_139 : vector<256xi32> to vector<256x1xi32>
    %eq3A_141 = arith.constant 9 : i32
    %eq3A_142 = vector.broadcast %eq3A_141 : i32 to vector<256x16xi32>
    %eq3A_143 = arith.cmpi eq, %iota3A_23, %eq3A_142 : vector<256x16xi32>
    %broadcast_in_dim3A_144 = vector.shape_cast %broadcast_in_dim3A_140 : vector<256x1xi32> to vector<256x1xi32>
    %broadcast_in_dim3A_145 = vector.broadcast %broadcast_in_dim3A_144 : vector<256x1xi32> to vector<256x16xi32>
    %select_n3A_146 = arith.select %eq3A_143, %broadcast_in_dim3A_145, %select_n3A_133 : vector<256x16xi1>, vector<256x16xi32>
    %eq3A_147 = vector.broadcast %broadcast_in_dim3A_140 : vector<256x1xi32> to vector<256x2048xi32>
    %eq3A_148 = arith.cmpi eq, %iota3A, %eq3A_147 : vector<256x2048xi32>
    %jit3A_149 = arith.constant 0x7F800000 : f32
    %broadcast_in_dim3A_150 = vector.broadcast %jit3A_149 : f32 to vector<256x2048xf32>
    %select_n3A_151 = arith.select %eq3A_148, %broadcast_in_dim3A_150, %select_n3A_138 : vector<256x2048xi1>, vector<256x2048xf32>
    %argmin3A_152 = tpu.reduce_index %select_n3A_151 {axis = 1 : i32, kind = #tpu.reduction_kind<arg_min>} : vector<256x2048xf32> -> vector<256xi32>
    %broadcast_in_dim3A_153 = vector.shape_cast %argmin3A_152 : vector<256xi32> to vector<256x1xi32>
    %eq3A_154 = arith.constant 10 : i32
    %eq3A_155 = vector.broadcast %eq3A_154 : i32 to vector<256x16xi32>
    %eq3A_156 = arith.cmpi eq, %iota3A_23, %eq3A_155 : vector<256x16xi32>
    %broadcast_in_dim3A_157 = vector.shape_cast %broadcast_in_dim3A_153 : vector<256x1xi32> to vector<256x1xi32>
    %broadcast_in_dim3A_158 = vector.broadcast %broadcast_in_dim3A_157 : vector<256x1xi32> to vector<256x16xi32>
    %select_n3A_159 = arith.select %eq3A_156, %broadcast_in_dim3A_158, %select_n3A_146 : vector<256x16xi1>, vector<256x16xi32>
    %eq3A_160 = vector.broadcast %broadcast_in_dim3A_153 : vector<256x1xi32> to vector<256x2048xi32>
    %eq3A_161 = arith.cmpi eq, %iota3A, %eq3A_160 : vector<256x2048xi32>
    %jit3A_162 = arith.constant 0x7F800000 : f32
    %broadcast_in_dim3A_163 = vector.broadcast %jit3A_162 : f32 to vector<256x2048xf32>
    %select_n3A_164 = arith.select %eq3A_161, %broadcast_in_dim3A_163, %select_n3A_151 : vector<256x2048xi1>, vector<256x2048xf32>
    %argmin3A_165 = tpu.reduce_index %select_n3A_164 {axis = 1 : i32, kind = #tpu.reduction_kind<arg_min>} : vector<256x2048xf32> -> vector<256xi32>
    %broadcast_in_dim3A_166 = vector.shape_cast %argmin3A_165 : vector<256xi32> to vector<256x1xi32>
    %eq3A_167 = arith.constant 11 : i32
    %eq3A_168 = vector.broadcast %eq3A_167 : i32 to vector<256x16xi32>
    %eq3A_169 = arith.cmpi eq, %iota3A_23, %eq3A_168 : vector<256x16xi32>
    %broadcast_in_dim3A_170 = vector.shape_cast %broadcast_in_dim3A_166 : vector<256x1xi32> to vector<256x1xi32>
    %broadcast_in_dim3A_171 = vector.broadcast %broadcast_in_dim3A_170 : vector<256x1xi32> to vector<256x16xi32>
    %select_n3A_172 = arith.select %eq3A_169, %broadcast_in_dim3A_171, %select_n3A_159 : vector<256x16xi1>, vector<256x16xi32>
    %eq3A_173 = vector.broadcast %broadcast_in_dim3A_166 : vector<256x1xi32> to vector<256x2048xi32>
    %eq3A_174 = arith.cmpi eq, %iota3A, %eq3A_173 : vector<256x2048xi32>
    %jit3A_175 = arith.constant 0x7F800000 : f32
    %broadcast_in_dim3A_176 = vector.broadcast %jit3A_175 : f32 to vector<256x2048xf32>
    %select_n3A_177 = arith.select %eq3A_174, %broadcast_in_dim3A_176, %select_n3A_164 : vector<256x2048xi1>, vector<256x2048xf32>
    %argmin3A_178 = tpu.reduce_index %select_n3A_177 {axis = 1 : i32, kind = #tpu.reduction_kind<arg_min>} : vector<256x2048xf32> -> vector<256xi32>
    %broadcast_in_dim3A_179 = vector.shape_cast %argmin3A_178 : vector<256xi32> to vector<256x1xi32>
    %eq3A_180 = arith.constant 12 : i32
    %eq3A_181 = vector.broadcast %eq3A_180 : i32 to vector<256x16xi32>
    %eq3A_182 = arith.cmpi eq, %iota3A_23, %eq3A_181 : vector<256x16xi32>
    %broadcast_in_dim3A_183 = vector.shape_cast %broadcast_in_dim3A_179 : vector<256x1xi32> to vector<256x1xi32>
    %broadcast_in_dim3A_184 = vector.broadcast %broadcast_in_dim3A_183 : vector<256x1xi32> to vector<256x16xi32>
    %select_n3A_185 = arith.select %eq3A_182, %broadcast_in_dim3A_184, %select_n3A_172 : vector<256x16xi1>, vector<256x16xi32>
    %eq3A_186 = vector.broadcast %broadcast_in_dim3A_179 : vector<256x1xi32> to vector<256x2048xi32>
    %eq3A_187 = arith.cmpi eq, %iota3A, %eq3A_186 : vector<256x2048xi32>
    %jit3A_188 = arith.constant 0x7F800000 : f32
    %broadcast_in_dim3A_189 = vector.broadcast %jit3A_188 : f32 to vector<256x2048xf32>
    %select_n3A_190 = arith.select %eq3A_187, %broadcast_in_dim3A_189, %select_n3A_177 : vector<256x2048xi1>, vector<256x2048xf32>
    %argmin3A_191 = tpu.reduce_index %select_n3A_190 {axis = 1 : i32, kind = #tpu.reduction_kind<arg_min>} : vector<256x2048xf32> -> vector<256xi32>
    %broadcast_in_dim3A_192 = vector.shape_cast %argmin3A_191 : vector<256xi32> to vector<256x1xi32>
    %eq3A_193 = arith.constant 13 : i32
    %eq3A_194 = vector.broadcast %eq3A_193 : i32 to vector<256x16xi32>
    %eq3A_195 = arith.cmpi eq, %iota3A_23, %eq3A_194 : vector<256x16xi32>
    %broadcast_in_dim3A_196 = vector.shape_cast %broadcast_in_dim3A_192 : vector<256x1xi32> to vector<256x1xi32>
    %broadcast_in_dim3A_197 = vector.broadcast %broadcast_in_dim3A_196 : vector<256x1xi32> to vector<256x16xi32>
    %select_n3A_198 = arith.select %eq3A_195, %broadcast_in_dim3A_197, %select_n3A_185 : vector<256x16xi1>, vector<256x16xi32>
    %eq3A_199 = vector.broadcast %broadcast_in_dim3A_192 : vector<256x1xi32> to vector<256x2048xi32>
    %eq3A_200 = arith.cmpi eq, %iota3A, %eq3A_199 : vector<256x2048xi32>
    %jit3A_201 = arith.constant 0x7F800000 : f32
    %broadcast_in_dim3A_202 = vector.broadcast %jit3A_201 : f32 to vector<256x2048xf32>
    %select_n3A_203 = arith.select %eq3A_200, %broadcast_in_dim3A_202, %select_n3A_190 : vector<256x2048xi1>, vector<256x2048xf32>
    %argmin3A_204 = tpu.reduce_index %select_n3A_203 {axis = 1 : i32, kind = #tpu.reduction_kind<arg_min>} : vector<256x2048xf32> -> vector<256xi32>
    %broadcast_in_dim3A_205 = vector.shape_cast %argmin3A_204 : vector<256xi32> to vector<256x1xi32>
    %eq3A_206 = arith.constant 14 : i32
    %eq3A_207 = vector.broadcast %eq3A_206 : i32 to vector<256x16xi32>
    %eq3A_208 = arith.cmpi eq, %iota3A_23, %eq3A_207 : vector<256x16xi32>
    %broadcast_in_dim3A_209 = vector.shape_cast %broadcast_in_dim3A_205 : vector<256x1xi32> to vector<256x1xi32>
    %broadcast_in_dim3A_210 = vector.broadcast %broadcast_in_dim3A_209 : vector<256x1xi32> to vector<256x16xi32>
    %select_n3A_211 = arith.select %eq3A_208, %broadcast_in_dim3A_210, %select_n3A_198 : vector<256x16xi1>, vector<256x16xi32>
    %eq3A_212 = vector.broadcast %broadcast_in_dim3A_205 : vector<256x1xi32> to vector<256x2048xi32>
    %eq3A_213 = arith.cmpi eq, %iota3A, %eq3A_212 : vector<256x2048xi32>
    %jit3A_214 = arith.constant 0x7F800000 : f32
    %broadcast_in_dim3A_215 = vector.broadcast %jit3A_214 : f32 to vector<256x2048xf32>
    %select_n3A_216 = arith.select %eq3A_213, %broadcast_in_dim3A_215, %select_n3A_203 : vector<256x2048xi1>, vector<256x2048xf32>
    %argmin3A_217 = tpu.reduce_index %select_n3A_216 {axis = 1 : i32, kind = #tpu.reduction_kind<arg_min>} : vector<256x2048xf32> -> vector<256xi32>
    %broadcast_in_dim3A_218 = vector.shape_cast %argmin3A_217 : vector<256xi32> to vector<256x1xi32>
    %eq3A_219 = arith.constant 15 : i32
    %eq3A_220 = vector.broadcast %eq3A_219 : i32 to vector<256x16xi32>
    %eq3A_221 = arith.cmpi eq, %iota3A_23, %eq3A_220 : vector<256x16xi32>
    %broadcast_in_dim3A_222 = vector.shape_cast %broadcast_in_dim3A_218 : vector<256x1xi32> to vector<256x1xi32>
    %broadcast_in_dim3A_223 = vector.broadcast %broadcast_in_dim3A_222 : vector<256x1xi32> to vector<256x16xi32>
    %select_n3A_224 = arith.select %eq3A_221, %broadcast_in_dim3A_223, %select_n3A_211 : vector<256x16xi1>, vector<256x16xi32>
    %swap3A = arith.constant 0 : index
    %swap3A_225 = arith.constant 0 : index
    %swap3A_226 = vector.load %arg3[%swap3A, %swap3A_225] : memref<256x16xi32, #tpu.memory_space<vmem>>, vector<256x16xi32>
    tpu.vector_store %arg3[%swap3A, %swap3A_225], %select_n3A_224 {strides = array<i32>} : memref<256x16xi32, #tpu.memory_space<vmem>>, vector<256x16xi32>,
    return
  }
  func.func @transform_0(%arg0: i32) -> (i32, i32) {
    %add3A = arith.constant 0 : i32
    %add3A_0 = arith.addi %add3A, %arg0 : i32
    %c0_i32 = arith.constant 0 : i32
    %c0_i32_1 = arith.constant 0 : i32
    return %add3A_0, %c0_i32 : i32, i32
  }
  func.func @transform_1(%arg0: i32) -> (i32, i32) {
    %c0_i32 = arith.constant 0 : i32
    %c0_i32_0 = arith.constant 0 : i32
    %c0_i32_1 = arith.constant 0 : i32
    return %c0_i32, %c0_i32_0 : i32, i32
  }
  func.func @transform_2(%arg0: i32) -> (i32, i32) {
    %c0_i32 = arith.constant 0 : i32
    %c0_i32_0 = arith.constant 0 : i32
    return %arg0, %c0_i32 : i32, i32
  }
}

module attributes {stable_mosaic.version = 14 : i64} {
  func.func @_att_body(%arg0: i32, %arg1: memref<128x512xf32, #tpu.memory_space<vmem>>, %arg2: memref<128x128xf32, #tpu.memory_space<vmem>>, %arg3: memref<128x512xf32, #tpu.memory_space<vmem>>, %arg4: memref<2048x640xf32, #tpu.memory_space<vmem>>, %arg5: memref<512x128xf32, #tpu.memory_space<vmem>>, %arg6: memref<512x128xf32, #tpu.memory_space<vmem>>, %arg7: memref<512x128xf32, #tpu.memory_space<vmem>>, %arg8: memref<1x512xf32, #tpu.memory_space<vmem>>, %arg9: memref<512x512xf32, #tpu.memory_space<vmem>>, %arg10: memref<1x512xf32, #tpu.memory_space<vmem>>, %arg11: memref<512x512xf32, #tpu.memory_space<vmem>>, %arg12: memref<1x512xf32, #tpu.memory_space<vmem>>, %arg13: memref<512x512xf32, #tpu.memory_space<vmem>>, %arg14: memref<1x512xf32, #tpu.memory_space<vmem>>, %arg15: memref<512x512xf32, #tpu.memory_space<vmem>>, %arg16: memref<1x512xf32, #tpu.memory_space<vmem>>, %arg17: memref<128x512xf32, #tpu.memory_space<vmem>>, %arg18: memref<1x128xf32, #tpu.memory_space<vmem>>, %arg19: memref<128x128xf32, #tpu.memory_space<vmem>>) attributes {dimension_semantics = [#tpu.dimension_semantics<arbitrary>], iteration_bounds = array<i64: 8>, scalar_prefetch = 0 : i64, scratch_operands = 0 : i64, tpu.core_type = #tpu.core_type<tc>, window_params = [{transform_indices = @transform_0, window_bounds = array<i64: 128, 512>}, {transform_indices = @transform_1, window_bounds = array<i64: 128, 128>}, {transform_indices = @transform_2, window_bounds = array<i64: 128, 512>}, {transform_indices = @transform_3, window_bounds = array<i64: 2048, 640>}, {pipeline_mode = #tpu.pipeline_mode<synchronous>, transform_indices = @transform_4, window_bounds = array<i64: 512, 128>}, {pipeline_mode = #tpu.pipeline_mode<synchronous>, transform_indices = @transform_5, window_bounds = array<i64: 512, 128>}, {pipeline_mode = #tpu.pipeline_mode<synchronous>, transform_indices = @transform_6, window_bounds = array<i64: 512, 128>}, {pipeline_mode = #tpu.pipeline_mode<synchronous>, transform_indices = @transform_7, window_bounds = array<i64: 1, 512>}, {pipeline_mode = #tpu.pipeline_mode<synchronous>, transform_indices = @transform_8, window_bounds = array<i64: 512, 512>}, {pipeline_mode = #tpu.pipeline_mode<synchronous>, transform_indices = @transform_9, window_bounds = array<i64: 1, 512>}, {pipeline_mode = #tpu.pipeline_mode<synchronous>, transform_indices = @transform_10, window_bounds = array<i64: 512, 512>}, {pipeline_mode = #tpu.pipeline_mode<synchronous>, transform_indices = @transform_11, window_bounds = array<i64: 1, 512>}, {pipeline_mode = #tpu.pipeline_mode<synchronous>, transform_indices = @transform_12, window_bounds = array<i64: 512, 512>}, {pipeline_mode = #tpu.pipeline_mode<synchronous>, transform_indices = @transform_13, window_bounds = array<i64: 1, 512>}, {pipeline_mode = #tpu.pipeline_mode<synchronous>, transform_indices = @transform_14, window_bounds = array<i64: 512, 512>}, {pipeline_mode = #tpu.pipeline_mode<synchronous>, transform_indices = @transform_15, window_bounds = array<i64: 1, 512>}, {pipeline_mode = #tpu.pipeline_mode<synchronous>, transform_indices = @transform_16, window_bounds = array<i64: 128, 512>}, {pipeline_mode = #tpu.pipeline_mode<synchronous>, transform_indices = @transform_17, window_bounds = array<i64: 1, 128>}, {transform_indices = @transform_18, window_bounds = array<i64: 128, 128>}]} {
    %get3A = arith.constant 0 : index
    %get3A_0 = arith.constant 0 : index
    %get3A_1 = vector.load %arg2[%get3A, %get3A_0] : memref<128x128xf32, #tpu.memory_space<vmem>>, vector<128x128xf32>
    %get3A_2 = arith.constant 0 : index
    %get3A_3 = arith.constant 512 : index
    %get3A_4 = vector.load %arg4[%get3A_2, %get3A_3] : memref<2048x640xf32, #tpu.memory_space<vmem>>, vector<2048x128xf32>
    %broadcast_in_dim3A = vector.shape_cast %get3A_1 : vector<128x128xf32> to vector<128x1x128xf32>
    %broadcast_in_dim3A_5 = vector.shape_cast %broadcast_in_dim3A : vector<128x1x128xf32> to vector<128x1x128xf32>
    %broadcast_in_dim3A_6 = vector.broadcast %broadcast_in_dim3A_5 : vector<128x1x128xf32> to vector<128x16x128xf32>
    %reshape3A = vector.shape_cast %broadcast_in_dim3A_6 : vector<128x16x128xf32> to vector<2048x128xf32>
    %sub3A = arith.subf %reshape3A, %get3A_4 : vector<2048x128xf32>
    %mul3A = arith.mulf %sub3A, %sub3A : vector<2048x128xf32>
    %add3A = arith.constant 9.99999996E-13 : f32
    %add3A_7 = vector.broadcast %add3A : f32 to vector<2048x128xf32>
    %add3A_8 = arith.addf %mul3A, %add3A_7 : vector<2048x128xf32>
    %sqrt3A = math.sqrt %add3A_8 : vector<2048x128xf32>
    %get3A_9 = arith.constant 0 : index
    %get3A_10 = arith.constant 0 : index
    %get3A_11 = vector.load %arg5[%get3A_9, %get3A_10] : memref<512x128xf32, #tpu.memory_space<vmem>>, vector<512x128xf32>
    %dot_general3A = arith.constant dense<0.000000e+00> : vector<128x512xf32>
    %dot_general3A_12 = tpu.matmul %get3A_1, %get3A_11, %dot_general3A {dimension_numbers = #tpu.dot_dimension_numbers<[1], [1], [0], [0], [0, 0, 1, 0], [], []>, transpose_lhs_hint = false} : vector<128x128xf32>, vector<512x128xf32>, vector<128x512xf32> -> vector<128x512xf32>
    %get3A_13 = arith.constant 0 : index
    %get3A_14 = arith.constant 0 : index
    %get3A_15 = vector.load %arg8[%get3A_13, %get3A_14] : memref<1x512xf32, #tpu.memory_space<vmem>>, vector<1x512xf32>
    %add3A_16 = vector.broadcast %get3A_15 : vector<1x512xf32> to vector<128x512xf32>
    %add3A_17 = arith.addf %dot_general3A_12, %add3A_16 : vector<128x512xf32>
    %broadcast_in_dim3A_18 = vector.shape_cast %add3A_17 : vector<128x512xf32> to vector<128x1x512xf32>
    %broadcast_in_dim3A_19 = vector.shape_cast %broadcast_in_dim3A_18 : vector<128x1x512xf32> to vector<128x1x512xf32>
    %broadcast_in_dim3A_20 = vector.broadcast %broadcast_in_dim3A_19 : vector<128x1x512xf32> to vector<128x16x512xf32>
    %reshape3A_21 = vector.shape_cast %broadcast_in_dim3A_20 : vector<128x16x512xf32> to vector<2048x512xf32>
    %get3A_22 = arith.constant 0 : index
    %get3A_23 = arith.constant 0 : index
    %get3A_24 = vector.load %arg6[%get3A_22, %get3A_23] : memref<512x128xf32, #tpu.memory_space<vmem>>, vector<512x128xf32>
    %dot_general3A_25 = arith.constant dense<0.000000e+00> : vector<2048x512xf32>
    %dot_general3A_26 = tpu.matmul %get3A_4, %get3A_24, %dot_general3A_25 {dimension_numbers = #tpu.dot_dimension_numbers<[1], [1], [0], [0], [0, 0, 1, 0], [], []>, transpose_lhs_hint = false} : vector<2048x128xf32>, vector<512x128xf32>, vector<2048x512xf32> -> vector<2048x512xf32>
    %add3A_27 = arith.addf %reshape3A_21, %dot_general3A_26 : vector<2048x512xf32>
    %get3A_28 = arith.constant 0 : index
    %get3A_29 = arith.constant 0 : index
    %get3A_30 = vector.load %arg7[%get3A_28, %get3A_29] : memref<512x128xf32, #tpu.memory_space<vmem>>, vector<512x128xf32>
    %dot_general3A_31 = arith.constant dense<0.000000e+00> : vector<2048x512xf32>
    %dot_general3A_32 = tpu.matmul %sqrt3A, %get3A_30, %dot_general3A_31 {dimension_numbers = #tpu.dot_dimension_numbers<[1], [1], [0], [0], [0, 0, 1, 0], [], []>, transpose_lhs_hint = false} : vector<2048x128xf32>, vector<512x128xf32>, vector<2048x512xf32> -> vector<2048x512xf32>
    %add3A_33 = arith.addf %add3A_27, %dot_general3A_32 : vector<2048x512xf32>
    %max3A = arith.constant 0.000000e+00 : f32
    %max3A_34 = vector.broadcast %max3A : f32 to vector<2048x512xf32>
    %max3A_35 = arith.maximumf %add3A_33, %max3A_34 : vector<2048x512xf32>
    %get3A_36 = arith.constant 0 : index
    %get3A_37 = arith.constant 0 : index
    %get3A_38 = vector.load %arg9[%get3A_36, %get3A_37] : memref<512x512xf32, #tpu.memory_space<vmem>>, vector<512x512xf32>
    %dot_general3A_39 = arith.constant dense<0.000000e+00> : vector<2048x512xf32>
    %dot_general3A_40 = tpu.matmul %max3A_35, %get3A_38, %dot_general3A_39 {dimension_numbers = #tpu.dot_dimension_numbers<[1], [1], [0], [0], [0, 0, 1, 0], [], []>, transpose_lhs_hint = false} : vector<2048x512xf32>, vector<512x512xf32>, vector<2048x512xf32> -> vector<2048x512xf32>
    %get3A_41 = arith.constant 0 : index
    %get3A_42 = arith.constant 0 : index
    %get3A_43 = vector.load %arg10[%get3A_41, %get3A_42] : memref<1x512xf32, #tpu.memory_space<vmem>>, vector<1x512xf32>
    %add3A_44 = vector.broadcast %get3A_43 : vector<1x512xf32> to vector<2048x512xf32>
    %add3A_45 = arith.addf %dot_general3A_40, %add3A_44 : vector<2048x512xf32>
    %get3A_46 = arith.constant 0 : index
    %get3A_47 = arith.constant 0 : index
    %get3A_48 = vector.load %arg4[%get3A_46, %get3A_47] : memref<2048x640xf32, #tpu.memory_space<vmem>>, vector<2048x512xf32>
    %bitcast_convert_type3A = tpu.bitcast %get3A_48 : vector<2048x512xf32> -> vector<2048x512xi32>
    %and3A = arith.constant -65536 : i32
    %and3A_49 = vector.broadcast %and3A : i32 to vector<2048x512xi32>
    %and3A_50 = arith.andi %bitcast_convert_type3A, %and3A_49 : vector<2048x512xi32>
    %bitcast_convert_type3A_51 = tpu.bitcast %and3A_50 : vector<2048x512xi32> -> vector<2048x512xf32>
    %shift_left3A = arith.constant 16 : i32
    %shift_left3A_52 = vector.broadcast %shift_left3A : i32 to vector<2048x512xi32>
    %shift_left3A_53 = arith.shli %bitcast_convert_type3A, %shift_left3A_52 : vector<2048x512xi32>
    %bitcast_convert_type3A_54 = tpu.bitcast %shift_left3A_53 : vector<2048x512xi32> -> vector<2048x512xf32>
    %get3A_55 = arith.constant 0 : index
    %get3A_56 = arith.constant 0 : index
    %get3A_57 = vector.load %arg1[%get3A_55, %get3A_56] : memref<128x512xf32, #tpu.memory_space<vmem>>, vector<128x512xf32>
    %broadcast_in_dim3A_58 = vector.shape_cast %get3A_57 : vector<128x512xf32> to vector<128x1x512xf32>
    %broadcast_in_dim3A_59 = vector.shape_cast %broadcast_in_dim3A_58 : vector<128x1x512xf32> to vector<128x1x512xf32>
    %broadcast_in_dim3A_60 = vector.broadcast %broadcast_in_dim3A_59 : vector<128x1x512xf32> to vector<128x16x512xf32>
    %reshape3A_61 = vector.shape_cast %broadcast_in_dim3A_60 : vector<128x16x512xf32> to vector<2048x512xf32>
    %sub3A_62 = arith.subf %reshape3A_61, %bitcast_convert_type3A_51 : vector<2048x512xf32>
    %add3A_63 = arith.addf %sub3A_62, %add3A_45 : vector<2048x512xf32>
    %get3A_64 = arith.constant 0 : index
    %get3A_65 = arith.constant 0 : index
    %get3A_66 = vector.load %arg11[%get3A_64, %get3A_65] : memref<512x512xf32, #tpu.memory_space<vmem>>, vector<512x512xf32>
    %dot_general3A_67 = arith.constant dense<0.000000e+00> : vector<2048x512xf32>
    %dot_general3A_68 = tpu.matmul %add3A_63, %get3A_66, %dot_general3A_67 {dimension_numbers = #tpu.dot_dimension_numbers<[1], [1], [0], [0], [0, 0, 1, 0], [], []>, transpose_lhs_hint = false} : vector<2048x512xf32>, vector<512x512xf32>, vector<2048x512xf32> -> vector<2048x512xf32>
    %get3A_69 = arith.constant 0 : index
    %get3A_70 = arith.constant 0 : index
    %get3A_71 = vector.load %arg12[%get3A_69, %get3A_70] : memref<1x512xf32, #tpu.memory_space<vmem>>, vector<1x512xf32>
    %add3A_72 = vector.broadcast %get3A_71 : vector<1x512xf32> to vector<2048x512xf32>
    %add3A_73 = arith.addf %dot_general3A_68, %add3A_72 : vector<2048x512xf32>
    %max3A_74 = arith.constant 0.000000e+00 : f32
    %max3A_75 = vector.broadcast %max3A_74 : f32 to vector<2048x512xf32>
    %max3A_76 = arith.maximumf %add3A_73, %max3A_75 : vector<2048x512xf32>
    %get3A_77 = arith.constant 0 : index
    %get3A_78 = arith.constant 0 : index
    %get3A_79 = vector.load %arg13[%get3A_77, %get3A_78] : memref<512x512xf32, #tpu.memory_space<vmem>>, vector<512x512xf32>
    %dot_general3A_80 = arith.constant dense<0.000000e+00> : vector<2048x512xf32>
    %dot_general3A_81 = tpu.matmul %max3A_76, %get3A_79, %dot_general3A_80 {dimension_numbers = #tpu.dot_dimension_numbers<[1], [1], [0], [0], [0, 0, 1, 0], [], []>, transpose_lhs_hint = false} : vector<2048x512xf32>, vector<512x512xf32>, vector<2048x512xf32> -> vector<2048x512xf32>
    %get3A_82 = arith.constant 0 : index
    %get3A_83 = arith.constant 0 : index
    %get3A_84 = vector.load %arg14[%get3A_82, %get3A_83] : memref<1x512xf32, #tpu.memory_space<vmem>>, vector<1x512xf32>
    %add3A_85 = vector.broadcast %get3A_84 : vector<1x512xf32> to vector<2048x512xf32>
    %add3A_86 = arith.addf %dot_general3A_81, %add3A_85 : vector<2048x512xf32>
    %reshape3A_87 = vector.shape_cast %add3A_86 : vector<2048x512xf32> to vector<128x16x512xf32>
    %exp3A = math.exp %reshape3A_87 : vector<128x16x512xf32>
    %add3A_88 = arith.addf %bitcast_convert_type3A_54, %add3A_45 : vector<2048x512xf32>
    %reshape3A_89 = vector.shape_cast %add3A_88 : vector<2048x512xf32> to vector<128x16x512xf32>
    %mul3A_90 = arith.mulf %exp3A, %reshape3A_89 : vector<128x16x512xf32>
    %reduce_sum3A = arith.constant dense<0.000000e+00> : vector<128x512xf32>
    %reduce_sum3A_91 = vector.multi_reduction <add>, %mul3A_90, %reduce_sum3A [1] : vector<128x16x512xf32> to vector<128x512xf32>
    %reduce_sum3A_92 = arith.constant dense<0.000000e+00> : vector<128x512xf32>
    %reduce_sum3A_93 = vector.multi_reduction <add>, %exp3A, %reduce_sum3A_92 [1] : vector<128x16x512xf32> to vector<128x512xf32>
    %div3A = arith.divf %reduce_sum3A_91, %reduce_sum3A_93 : vector<128x512xf32>
    %get3A_94 = arith.constant 0 : index
    %get3A_95 = arith.constant 0 : index
    %get3A_96 = vector.load %arg15[%get3A_94, %get3A_95] : memref<512x512xf32, #tpu.memory_space<vmem>>, vector<512x512xf32>
    %dot_general3A_97 = arith.constant dense<0.000000e+00> : vector<128x512xf32>
    %dot_general3A_98 = tpu.matmul %div3A, %get3A_96, %dot_general3A_97 {dimension_numbers = #tpu.dot_dimension_numbers<[1], [1], [0], [0], [0, 0, 1, 0], [], []>, transpose_lhs_hint = false} : vector<128x512xf32>, vector<512x512xf32>, vector<128x512xf32> -> vector<128x512xf32>
    %get3A_99 = arith.constant 0 : index
    %get3A_100 = arith.constant 0 : index
    %get3A_101 = vector.load %arg16[%get3A_99, %get3A_100] : memref<1x512xf32, #tpu.memory_space<vmem>>, vector<1x512xf32>
    %add3A_102 = vector.broadcast %get3A_101 : vector<1x512xf32> to vector<128x512xf32>
    %add3A_103 = arith.addf %dot_general3A_98, %add3A_102 : vector<128x512xf32>
    %get3A_104 = arith.constant 0 : index
    %get3A_105 = arith.constant 0 : index
    %get3A_106 = vector.load %arg3[%get3A_104, %get3A_105] : memref<128x512xf32, #tpu.memory_space<vmem>>, vector<128x512xf32>
    %add3A_107 = arith.addf %add3A_103, %get3A_106 : vector<128x512xf32>
    %get3A_108 = arith.constant 0 : index
    %get3A_109 = arith.constant 0 : index
    %get3A_110 = vector.load %arg17[%get3A_108, %get3A_109] : memref<128x512xf32, #tpu.memory_space<vmem>>, vector<128x512xf32>
    %dot_general3A_111 = arith.constant dense<0.000000e+00> : vector<128x128xf32>
    %dot_general3A_112 = tpu.matmul %add3A_107, %get3A_110, %dot_general3A_111 {dimension_numbers = #tpu.dot_dimension_numbers<[1], [1], [0], [0], [0, 0, 1, 0], [], []>, transpose_lhs_hint = false} : vector<128x512xf32>, vector<128x512xf32>, vector<128x128xf32> -> vector<128x128xf32>
    %get3A_113 = arith.constant 0 : index
    %get3A_114 = arith.constant 0 : index
    %get3A_115 = vector.load %arg18[%get3A_113, %get3A_114] : memref<1x128xf32, #tpu.memory_space<vmem>>, vector<1x128xf32>
    %add3A_116 = vector.broadcast %get3A_115 : vector<1x128xf32> to vector<128x128xf32>
    %add3A_117 = arith.addf %dot_general3A_112, %add3A_116 : vector<128x128xf32>
    %swap3A = arith.constant 0 : index
    %swap3A_118 = arith.constant 0 : index
    %swap3A_119 = vector.load %arg19[%swap3A, %swap3A_118] : memref<128x128xf32, #tpu.memory_space<vmem>>, vector<128x128xf32>
    tpu.vector_store %arg19[%swap3A, %swap3A_118], %add3A_117 {strides = array<i32>} : memref<128x128xf32, #tpu.memory_space<vmem>>, vector<128x128xf32>,
    return
  }
  func.func @transform_0(%arg0: i32) -> (i32, i32) {
    %c0_i32 = arith.constant 0 : i32
    %c0_i32_0 = arith.constant 0 : i32
    return %arg0, %c0_i32 : i32, i32
  }
  func.func @transform_1(%arg0: i32) -> (i32, i32) {
    %c0_i32 = arith.constant 0 : i32
    %c0_i32_0 = arith.constant 0 : i32
    return %arg0, %c0_i32 : i32, i32
  }
  func.func @transform_2(%arg0: i32) -> (i32, i32) {
    %c0_i32 = arith.constant 0 : i32
    %c0_i32_0 = arith.constant 0 : i32
    return %arg0, %c0_i32 : i32, i32
  }
  func.func @transform_3(%arg0: i32) -> (i32, i32) {
    %c0_i32 = arith.constant 0 : i32
    %c0_i32_0 = arith.constant 0 : i32
    return %arg0, %c0_i32 : i32, i32
  }
  func.func @transform_4(%arg0: i32) -> (i32, i32) {
    %c0_i32 = arith.constant 0 : i32
    %c0_i32_0 = arith.constant 0 : i32
    %c0_i32_1 = arith.constant 0 : i32
    return %c0_i32, %c0_i32_0 : i32, i32
  }
  func.func @transform_5(%arg0: i32) -> (i32, i32) {
    %c0_i32 = arith.constant 0 : i32
    %c0_i32_0 = arith.constant 0 : i32
    %c0_i32_1 = arith.constant 0 : i32
    return %c0_i32, %c0_i32_0 : i32, i32
  }
  func.func @transform_6(%arg0: i32) -> (i32, i32) {
    %c0_i32 = arith.constant 0 : i32
    %c0_i32_0 = arith.constant 0 : i32
    %c0_i32_1 = arith.constant 0 : i32
    return %c0_i32, %c0_i32_0 : i32, i32
  }
  func.func @transform_7(%arg0: i32) -> (i32, i32) {
    %c0_i32 = arith.constant 0 : i32
    %c0_i32_0 = arith.constant 0 : i32
    %c0_i32_1 = arith.constant 0 : i32
    return %c0_i32, %c0_i32_0 : i32, i32
  }
  func.func @transform_8(%arg0: i32) -> (i32, i32) {
    %c0_i32 = arith.constant 0 : i32
    %c0_i32_0 = arith.constant 0 : i32
    %c0_i32_1 = arith.constant 0 : i32
    return %c0_i32, %c0_i32_0 : i32, i32
  }
  func.func @transform_9(%arg0: i32) -> (i32, i32) {
    %c0_i32 = arith.constant 0 : i32
    %c0_i32_0 = arith.constant 0 : i32
    %c0_i32_1 = arith.constant 0 : i32
    return %c0_i32, %c0_i32_0 : i32, i32
  }
  func.func @transform_10(%arg0: i32) -> (i32, i32) {
    %c0_i32 = arith.constant 0 : i32
    %c0_i32_0 = arith.constant 0 : i32
    %c0_i32_1 = arith.constant 0 : i32
    return %c0_i32, %c0_i32_0 : i32, i32
  }
  func.func @transform_11(%arg0: i32) -> (i32, i32) {
    %c0_i32 = arith.constant 0 : i32
    %c0_i32_0 = arith.constant 0 : i32
    %c0_i32_1 = arith.constant 0 : i32
    return %c0_i32, %c0_i32_0 : i32, i32
  }
  func.func @transform_12(%arg0: i32) -> (i32, i32) {
    %c0_i32 = arith.constant 0 : i32
    %c0_i32_0 = arith.constant 0 : i32
    %c0_i32_1 = arith.constant 0 : i32
    return %c0_i32, %c0_i32_0 : i32, i32
  }
  func.func @transform_13(%arg0: i32) -> (i32, i32) {
    %c0_i32 = arith.constant 0 : i32
    %c0_i32_0 = arith.constant 0 : i32
    %c0_i32_1 = arith.constant 0 : i32
    return %c0_i32, %c0_i32_0 : i32, i32
  }
  func.func @transform_14(%arg0: i32) -> (i32, i32) {
    %c0_i32 = arith.constant 0 : i32
    %c0_i32_0 = arith.constant 0 : i32
    %c0_i32_1 = arith.constant 0 : i32
    return %c0_i32, %c0_i32_0 : i32, i32
  }
  func.func @transform_15(%arg0: i32) -> (i32, i32) {
    %c0_i32 = arith.constant 0 : i32
    %c0_i32_0 = arith.constant 0 : i32
    %c0_i32_1 = arith.constant 0 : i32
    return %c0_i32, %c0_i32_0 : i32, i32
  }
  func.func @transform_16(%arg0: i32) -> (i32, i32) {
    %c0_i32 = arith.constant 0 : i32
    %c0_i32_0 = arith.constant 0 : i32
    %c0_i32_1 = arith.constant 0 : i32
    return %c0_i32, %c0_i32_0 : i32, i32
  }
  func.func @transform_17(%arg0: i32) -> (i32, i32) {
    %c0_i32 = arith.constant 0 : i32
    %c0_i32_0 = arith.constant 0 : i32
    %c0_i32_1 = arith.constant 0 : i32
    return %c0_i32, %c0_i32_0 : i32, i32
  }
  func.func @transform_18(%arg0: i32) -> (i32, i32) {
    %c0_i32 = arith.constant 0 : i32
    %c0_i32_0 = arith.constant 0 : i32
    return %arg0, %c0_i32 : i32, i32
  }
}

</mosaic_0001>

<sc_bundles>
// kernel: kernel.12.cloned.1.call-start
scs
__scs_entry_jumppad:
0x0: {  	(pc) =	sbr.rel $0x88, $3  }
0x1: {  	(tag) =	ssettag $0x0;
	lr =	simm.s32 $0x1  }
0x2: {  	[smem:$0x3F89] =	sst lr;
	_ =	strace $0xD0000000  }
0x3: {  	_ = 	snop  }
0x4: {  	_ = 	snop  }
0x5: {  	_ = 	snop  }
0x6: {  	_ = 	snop  }
0x7: {  	_ = 	snop  }
__scs_overlays_trampoline_lowered:
0x8: {  	[smem:$0x3F98] =	sst s0  }
0x9: {  	[smem:$0x3F99] =	sst s1  }
0xa: {  	[smem:$0x3F9A] =	sst s2  }
0xb: {  	[smem:$0x3F9B] =	sst s3  }
0xc: {  	[smem:$0x3F9C] =	sst s4  }
0xd: {  	[smem:$0x3F9D] =	sst s5  }
0xe: {  	[smem:$0x3F9E] =	sst s6  }
0xf: {  	[smem:$0x3F9F] =	sst s7  }
0x10: {  	[smem:$0x3FA0] =	sst s8  }
0x11: {  	[smem:$0x3FA1] =	sst s9;
	s0 =	simm.s32 @!p0 $0x0  }
0x12: {  	s1 =	sld [smem:$0x3F87];
	s0 =	simm.s32 @p0 $0x1  }
0x13: {  	[smem:$0x3FA2] =	sst s0;
	s0 =	simm.s32 @!p1 $0x0  }
0x14: {  	s2 =	sld [smem:$0x3F86];
	s0 =	simm.s32 @p1 $0x1  }
0x15: {  	[smem:$0x3FA3] =	sst s0;
	s0 =	simm.s32 @!p2 $0x0  }
0x16: {  	s3 =	sld [smem:$0x3FDB];
	s0 =	simm.s32 @p2 $0x1  }
0x17: {  	s4 =	simm.s32 $0x1BF5;
	[smem:$0x3FA5] =	sst s0  }
0x18: {  	s0 =	sld [smem:$0x3F88];
	_ =	swait.ge [sflag:s4], $0x0  }
0x19: {  	s7 =	sld [smem:$0x3F89]  }
0x1a: {  	s8 =	sadd.s32 $0xFFFFE003, lr  }
0x1b: {  	s9 =	sadd.s32 $0xFFFFFEF7, lr;
	s5 =	simm.s32 $0xFFFFFFFF;
	p2 =	slt.u32 s8, $0xFFFFF086  }
0x1c: {  	p1 =	slt.u32 s9, $0xF7A;
	s5 =	simm.s32 @!p2 $0x0  }
0x1d: {  	s5 =	simm.s32 @p1 $0x1;
	p0 =	seq.s32 s7, s2  }
0x1e: {  	s7 =	smul.u32 @!p0 $0xF7A, s2;
	p2 =	seq.s32 @!p0 s5, $0x0  }
0x1f: {  	s9 =	smul.u32 $0xF7A, s1;
	s8 =	simm.s32 @!p0 $0x1BF5;
	p2 =	por !p2, p0  }
0x20: {  	[sflag:s8] =	ssyncset.s32 @!p0 $0xFFFFF086;
	s6 =	sadd.s32 @!p0 s3, s7;
	s7 =	simm.s32 @!p0 $0x108  }
0x21: {  	s3 =	sadd.s32 s3, s9;
	s6 =	sadd.s32 @!p0 $0x88, s6;
	s7 =	simm.s32 @p2 $0x1082  }
0x22: {  	[simem:s7], [sflag:s8] =	dma.local @!p0 [hbm:s6], $0xF7A  }
0x23: {  	s9 =	sor.u32 $0xD0000000, s2;
	s6 =	simm.s32 $0x108;
	_ =	swait.ge @!p0 [sflag:s8], $0x0  }
0x24: {  	s3 =	sadd.s32 $0x88, s3;
	s6 =	simm.s32 @!p1 $0x1082;
	[sflag:s4] =	ssyncset.s32 $0xFFFFF086  }
0x25: {  	[simem:s6], [sflag:s4] =	dma.local [hbm:s3], $0xF7A  }
0x26: {  	[smem:$0x3F89] =	sst s1;
	(tag) =	ssettag s2;
	_ =	strace s9  }
0x27: {  	s1 =	sld [smem:$0x3F99]  }
0x28: {  	s2 =	sld [smem:$0x3F9A]  }
0x29: {  	s4 =	sld [smem:$0x3F9C]  }
0x2a: {  	p0 =	seq.s32 s5, $0x0;
	s5 =	sld [smem:$0x3F9D]  }
0x2b: {  	s6 =	sld [smem:$0x3F9E]  }
0x2c: {  	s7 =	sld [smem:$0x3F9F]  }
0x2d: {  	s3 =	simm.s32 $0x108;
	s8 =	sld [smem:$0x3FA0]  }
0x2e: {  	s3 =	simm.s32 @!p0 $0x1082;
	s9 =	sld [smem:$0x3FA1]  }
0x2f: {  	lr =	sadd.s32 s0, s3;
	s0 =	sld [smem:$0x3F98]  }
0x30: {  	s3 =	sld [smem:$0x3F9B]  }
0x31: {  	[smem:$0x3FA4] =	sst s10  }
0x32: {  	s10 =	sld [smem:$0x3FA2];
	_ =	sdelay $0x3  }
0x33: {  	p0 =	seq.s32 s10, $0x1;
	s10 =	sld [smem:$0x3FA4];
	_ =	sdelay $0x3  }
0x34: {  	[smem:$0x3FA4] =	sst s10  }
0x35: {  	s10 =	sld [smem:$0x3FA3];
	_ =	sdelay $0x3  }
0x36: {  	p1 =	seq.s32 s10, $0x1;
	s10 =	sld [smem:$0x3FA4];
	_ =	sdelay $0x3  }
0x37: {  	[smem:$0x3FA4] =	sst s10  }
0x38: {  	s10 =	sld [smem:$0x3FA5]  }
0x39: {  	_ = 	snop;
	(pc) =	sbr.ind lr, $3  }
0x3a: {  	_ = 	snop  }
0x3b: {  	_ = 	snop  }
0x3c: {  	p2 =	seq.s32 s10, $0x1;
	s10 =	sld [smem:$0x3FA4]  }
0x3d: {  	_ =	shalt  }
0x3e: {  	_ =	shalt  }
0x3f: {  	_ =	shalt  }
0x40: {  	_ =	shalt  }
0x41: {  	_ =	shalt  }
0x42: {  	_ =	shalt  }
0x43: {  	_ =	shalt  }
0x44: {  	_ =	shalt  }
0x45: {  	_ =	shalt  }
0x46: {  	_ =	shalt  }
0x47: {  	_ =	shalt  }
0x48: {  	_ =	shalt  }
0x49: {  	_ =	shalt  }
0x4a: {  	_ =	shalt  }
0x4b: {  	_ =	shalt  }
0x4c: {  	_ =	shalt  }
0x4d: {  	_ =	shalt  }
0x4e: {  	_ =	shalt  }
0x4f: {  	_ =	shalt  }
0x50: {  	_ =	shalt  }
0x51: {  	_ =	shalt  }
0x52: {  	_ =	shalt  }
0x53: {  	_ =	shalt  }
0x54: {  	_ =	shalt  }
0x55: {  	_ =	shalt  }
0x56: {  	_ =	shalt  }
0x57: {  	_ =	shalt  }
0x58: {  	_ =	shalt  }
0x59: {  	_ =	shalt  }
0x5a: {  	_ =	shalt  }
0x5b: {  	_ =	shalt  }
0x5c: {  	_ =	shalt  }
0x5d: {  	_ =	shalt  }
0x5e: {  	_ =	shalt  }
0x5f: {  	_ =	shalt  }
0x60: {  	_ =	shalt  }
0x61: {  	_ =	shalt  }
0x62: {  	_ =	shalt  }
0x63: {  	_ =	shalt  }
0x64: {  	_ =	shalt  }
0x65: {  	_ =	shalt  }
0x66: {  	_ =	shalt  }
0x67: {  	_ =	shalt  }
0x68: {  	_ =	shalt  }
0x69: {  	_ =	shalt  }
0x6a: {  	_ =	shalt  }
0x6b: {  	_ =	shalt  }
0x6c: {  	_ =	shalt  }
0x6d: {  	_ =	shalt  }
0x6e: {  	_ =	shalt  }
0x6f: {  	_ =	shalt  }
0x70: {  	_ =	shalt  }
0x71: {  	_ =	shalt  }
0x72: {  	_ =	shalt  }
0x73: {  	_ =	shalt  }
0x74: {  	_ =	shalt  }
0x75: {  	_ =	shalt  }
0x76: {  	_ =	shalt  }
0x77: {  	_ =	shalt  }
0x78: {  	_ =	shalt  }
0x79: {  	_ =	shalt  }
0x7a: {  	_ =	shalt  }
0x7b: {  	_ =	shalt  }
0x7c: {  	_ =	shalt  }
0x7d: {  	_ =	shalt  }
0x7e: {  	_ =	shalt  }
0x7f: {  	_ =	shalt  }
0x80: {  	_ =	shalt  }
0x81: {  	_ =	shalt  }
0x82: {  	_ =	shalt  }
0x83: {  	_ =	shalt  }
0x84: {  	_ =	shalt  }
0x85: {  	_ =	shalt  }
0x86: {  	_ =	shalt  }
0x87: {  	_ =	shalt  }
.Lfunc_end0:
.L_simem_size_0:
called_computation.1_lowered:
.L_overlay_start_0:
0x88: {  	s2 =	sld [smem:$0x3FD9]  }
0x89: {  	s3 =	sld [smem:$0x3FFE];
	_ =	sdelay $0x1  }
0x8a: {  	s1 =	srdreg.scid  }
0x8b: {  	s0 =	sand.u32 $0x1, s1  }
0x8c: {  	s16 =	sshll.u32 s0, $0xA;
	s2 =	sadd.s32 s3, s2  }
0x8d: {  	s2 =	sadd.s32 s2, s16  }
0x8e: {  	[smem:$0x3FB0] =	sst s2  }
0x8f: {  	_ = 	snop  }
0x90: {  	(tm) =	ssettm $0x1  }
0x91: {  	s17 =	sld [smem:$0x3FFB];
	_ =	sdelay $0x3  }
0x92: {  	_ =	strace s17  }
0x93: {  	s2 =	sld [smem:$0x3FFC];
	_ =	sdelay $0x3  }
0x94: {  	_ =	strace s2  }
0x95: {  	s2 =	sld [smem:$0x3FFD];
	_ =	sdelay $0x3  }
0x96: {  	_ =	strace s2  }
0x97: {  	_ =	strace $0x8FFFFFFF  }
0x98: {  	s18 =	sld [smem:$0x3FDB];
	_ =	sdelay $0x1  }
0x99: {  	s19 =	simm.s32 $_scs_section_size  }
0x9a: {  	s4 =	simm.s32 $_size__tile_overlayer_lowered;
	s5 =	simm.s32 $_tile_overlayer_lowered  }
0x9b: {  	s22 =	simm.s32 $0x1BFF;
	s21 =	sshll.u32 s5, $0x1;
	s2 =	sadd.s32 s19, s18  }
0x9c: {  	s6 =	simm.s32 $0x0;
	s20 =	sshll.u32 s4, $0x1;
	s4 =	sadd.s32 s21, s2  }
0x9d: {  	[timem:s6], [sflag:s22] =	dma.local [hbm:s4], s20  }
0x9e: {  	_ =	swait.ge [sflag:s22], s20  }
0x9f: {  	s3 =	ssub.s32 $0x0, s20;
	[sflag:s22] =	ssyncset.done $0x0  }
0xa0: {  	[sflag:s22] =	ssyncadd.s32 s3;
	_ =	sdelay $0x1  }
0xa1: {  	s23 =	simm.s32 $0x1B8B  }
0xa2: {  	_ =	swait.ge [sflag:s23], $0x1  }
0xa3: {  	[sflag:s23] =	ssyncset.done $0x0  }
0xa4: {  	s25 =	simm.s32 $0x1B8E;
	s24 =	sld [smem:$0x3FFE];
	[sflag:s23] =	ssyncadd.s32 $0xFFFFFFFF  }
0xa5: {  	s26 =	simm.s32 $execute0_lowered;
	[smem:$0x3FD2] =	sst s25  }
0xa6: {  	s4 =	sshll.u32 s26, $0x1;
	_ =	strace $0x80000046;
	[dreg:$0x1] =	wrdreg $0xFFFFFFFF  }
0xa7: {  	s28 =	simm.s32 $_size_execute0_lowered;
	s2 =	sadd.s32 s2, s4;
	[dreg:$0x0] =	wrdreg $0x0  }
0xa8: {  	s4 =	sshll.u32 s28, $0x1;
	[dreg:$0x2] =	wrdreg s2  }
0xa9: {  	[dreg:$0x3] =	wrdreg s4  }
0xaa: {  	[dreg:$0x4] =	wrdreg $0xC0  }
0xab: {  	_ =	task [dreg:s6], $0x5FFFF  }
0xac: {  	[dreg:$0x1] =	wrdreg $0xFFFFFFFF  }
0xad: {  	[dreg:$0x0] =	wrdreg $0x60  }
0xae: {  	[dreg:$0x2] =	wrdreg s24  }
0xaf: {  	[dreg:$0x3] =	wrdreg $0xA  }
0xb0: {  	_ =	task.clear_ibuf [dreg:s6], $0x4FFFF;
	_ =	strace $0x90000046  }
0xb1: {  	s29 =	simm.s32 $0xA;
	_ =	strace $0x80000048  }
0xb2: {  	_ =	swait.ge [sflag:s29], $0x1  }
0xb3: {  	[sflag:s29] =	ssyncadd.s32 $0xFFFFFFFF  }
0xb4: {  	_ =	strace $0x90000048  }
0xb5: {  	_ =	sfence  }
0xb6: {  	s30 =	sld [smem:$0x0];
	_ =	sdelay $0x2  }
0xb7: {  	s31 =	sshll.u32 s1, $0xD;
	s1 =	sshrl.u32 s1, $0x2  }
0xb8: {  	s3 =	sand.u32 $0x4000, s31;
	s1 =	sadd.s32 s1, s30  }
0xb9: {  	s0 =	sor.u32 s3, s0;
	s1 =	sshll.u32 s1, $0x11  }
0xba: {  	s0 =	sor.u32 s1, s0  }
0xbb: {  	s0 =	sadd.s32 $0x8F2B, s0  }
0xbc: {  	[sflag:s0] =	ssyncadd.remote.s32 $0x1  }
0xbd: {  	_ =	sfence.sel $0xFFFF  }
0xbe: {  	[dreg:$0x0] =	wrdreg $0xFFFFFFFF;
	(pc) =	sbr.abs _section_cstart, $3  }
0xbf: {  	[dreg:$0x1] =	wrdreg $0xFFFFFFFF  }
0xc0: {  	_ =	task.clear_ibuf [dreg:s6], $0x2FFFF;
	_ =	strace $0x9FFFFFFF  }
0xc1: {  	(tm) =	ssettm $0x7FFFFFFF  }
tec
execute0_lowered:
.L_overlay_start_1:
0x0: {  	(tag) =	ssettag $0x1  }
0x1: {  	s0 =	srdreg.scid  }
0x2: {  	s1 =	stileid.u32;
	s3 =	rddreg [dreg:$0x0];
	s0 =	sand.u32 $0x1, s0  }
0x3: {  	s16 =	simm.s32 $0x200;
	s1 =	sshll.u32 s1, $0x7;
	s2 =	sshll.u32 s0, $0x6  }
0x4: {  	s8 =	simm.s32 $0xA200;
	s10 =	simm.s32 $0x2;
	s1 =	sor.u32 s2, s1  }
0x5: {  	s11 =	simm.s32 $0x3;
	s2 =	simm.s32 $0x0;
	s4 =	smul.u32 $0x280, s1  }
0x6: {  	[smem:$0x7FF] =	sst s2;
	s5 =	smul.u32 $0x1400, s1;
	s1 =	sadd.s32 s1, s3  }
0x7: {  	s6 =	sadd.s32 $0x2BE00, s3;
	_ =	strace $0x80000047;
	s1 =	sadd.s32 $0x3600, s1  }
0x8: {  	s7 =	sadd.s32 s6, s4;
	s21 =	sshrl.u32 s5, $0x3;
	[dreg:$0x2] =	wrdreg s1  }
0x9: {  	[dreg:$0xa] =	wrdreg s7;
	s22 =	sadd.s32 $0x1400, s7;
	s23 =	sadd.s32 s6, s21  }
0xa: {  	s0 =	ssub.s32 $0x2, s0;
	[dreg:$0x3] =	wrdreg s22;
	s24 =	sadd.s32 $0x2800, s23  }
0xb: {  	s26 =	sshrl.u32 s0, $0x1;
	s25 =	sadd.s32 $0x3C00, s23;
	[dreg:$0x4] =	wrdreg s24  }
0xc: {  	s0 =	ssub.s32 s0, s26;
	s28 =	sadd.s32 $0x5000, s23;
	[dreg:$0x5] =	wrdreg s25  }
0xd: {  	s4 =	sadd.s32 $0x3E00, s3;
	s29 =	sadd.s32 $0x6400, s23;
	[dreg:$0x6] =	wrdreg s28  }
0xe: {  	v2 =	vlaneseq.u32;
	s5 =	sadd.s32 $0x3F00, s3;
	s30 =	sadd.s32 $0x7800, s23;
	[dreg:$0x7] =	wrdreg s29  }
0xf: {  	vm0 =	vmmov $0xffff;
	vm1 =	vmmov $0xff;
	v1 =	vshrl.u32 v2, $0x3;
	s6 =	sadd.s32 $0x4000, s3;
	s31 =	sadd.s32 $0x8C00, s23;
	[dreg:$0x8] =	wrdreg s30  }
0x10: {  	v0 =	vand.u32 $0x7, v2;
	v2 =	vor.u32 $0x8, v2;
	v1 =	vmul.u32 $0x8, v1;
	s7 =	smax.u32 s0, $0x1;
	s3 =	simm.s32 $0x1;
	[dreg:$0x9] =	wrdreg s31  }
.LBB2_1:
0x11: {  	s12 =	rddreg [dreg:$0x2];
	s23 =	simm.s32 $0x4  }
0x12: {  	[tilespmem:s2], [sflag:$0x4] =	stream.linear.gather [hbm4b:s12+s2], $0x200, $0x38;
	[tilespmem:$0x14200] =	vst v63  }
0x13: {  	_ =	swait.ge [sflag:s23], $0x200  }
0x14: {  	[sflag:s23] =	ssyncset.done $0x0  }
0x15: {  	[sflag:s23] =	ssyncadd.s32 $0xFFFFFE00  }
0x16: {  	v3 =	vld [tilespmem:$0x0];
	_ =	sdelay $0x4  }
0x17: {  	v4 =	vshrl.u32 v3, $0x3  }
0x18: {  	v4 =	vmul.u32 $0x28, v4  }
0x19: {  	v3 =	vand.u32 $0x7, v3  }
0x1a: {  	v3 =	vor.u32 v3, v4  }
0x1b: {  	v4 =	vperm.xlane v3, v0;
	_ =	sdelay $0x1  }
0x1c: {  	v4 =	vadd.s32 v1, v4;
	_ =	sdelay $0x3  }
0x1d: {  	v3 =	vperm.xlane v3, v2  }
0x1e: {  	[tilespmem:s16], [sflag:$0x1] =	stream.indirect_vreg.gather [hbm4b:s4+s2], $0x80, v4, vm0, $0xb8;
	[tilespmem:$0x14200] =	vst v63  }
0x1f: {  	s0 =	simm.s32 $0xA00;
	v3 =	vadd.s32 v1, v3  }
0x20: {  	[tilespmem:s0], [sflag:$0x1] =	stream.indirect_vreg.gather [hbm4b:s5+s2], $0x80, v4, vm0, $0xb8;
	[tilespmem:$0x14200] =	vst v63  }
0x21: {  	s24 =	simm.s32 $0x1200  }
0x22: {  	[tilespmem:s24], [sflag:$0x1] =	stream.indirect_vreg.gather [hbm4b:s6+s2], $0x80, v4, vm1, $0xb8;
	[tilespmem:$0x14200] =	vst v63  }
0x23: {  	s25 =	simm.s32 $0x1600  }
0x24: {  	[tilespmem:s25], [sflag:$0x1] =	stream.indirect_vreg.gather [hbm4b:s4+s2], $0x80, v3, vm0, $0xb8;
	[tilespmem:$0x14200] =	vst v63  }
0x25: {  	s26 =	simm.s32 $0x1E00  }
0x26: {  	[tilespmem:s26], [sflag:$0x1] =	stream.indirect_vreg.gather [hbm4b:s5+s2], $0x80, v3, vm0, $0xb8;
	[tilespmem:$0x14200] =	vst v63  }
0x27: {  	s28 =	simm.s32 $0x2600  }
0x28: {  	[tilespmem:s28], [sflag:$0x1] =	stream.indirect_vreg.gather [hbm4b:s6+s2], $0x80, v3, vm1, $0xb8;
	[tilespmem:$0x14200] =	vst v63  }
0x29: {  	v3 =	vld [tilespmem:$0x10];
	_ =	sdelay $0x4  }
0x2a: {  	v33 =	vshrl.u32 v3, $0x3  }
0x2b: {  	v4 =	vmul.u32 $0x28, v33  }
0x2c: {  	v3 =	vand.u32 $0x7, v3  }
0x2d: {  	v3 =	vor.u32 v3, v4  }
0x2e: {  	v4 =	vperm.xlane v3, v0;
	_ =	sdelay $0x1  }
0x2f: {  	v4 =	vadd.s32 v1, v4;
	_ =	sdelay $0x3  }
0x30: {  	s29 =	simm.s32 $0x2A00;
	v3 =	vperm.xlane v3, v2  }
0x31: {  	[tilespmem:s29], [sflag:$0x1] =	stream.indirect_vreg.gather [hbm4b:s4+s2], $0x80, v4, vm0, $0xb8;
	[tilespmem:$0x14200] =	vst v63  }
0x32: {  	s30 =	simm.s32 $0x3200;
	v3 =	vadd.s32 v1, v3  }
0x33: {  	[tilespmem:s30], [sflag:$0x1] =	stream.indirect_vreg.gather [hbm4b:s5+s2], $0x80, v4, vm0, $0xb8;
	[tilespmem:$0x14200] =	vst v63  }
0x34: {  	s31 =	simm.s32 $0x3A00  }
0x35: {  	[tilespmem:s31], [sflag:$0x1] =	stream.indirect_vreg.gather [hbm4b:s6+s2], $0x80, v4, vm1, $0xb8;
	[tilespmem:$0x14200] =	vst v63  }
0x36: {  	s1 =	simm.s32 $0x3E00  }
0x37: {  	[tilespmem:s1], [sflag:$0x1] =	stream.indirect_vreg.gather [hbm4b:s4+s2], $0x80, v3, vm0, $0xb8;
	[tilespmem:$0x14200] =	vst v63  }
0x38: {  	s9 =	simm.s32 $0x4600  }
0x39: {  	[tilespmem:s9], [sflag:$0x1] =	stream.indirect_vreg.gather [hbm4b:s5+s2], $0x80, v3, vm0, $0xb8;
	[tilespmem:$0x14200] =	vst v63  }
0x3a: {  	s12 =	simm.s32 $0x4E00  }
0x3b: {  	[tilespmem:s12], [sflag:$0x1] =	stream.indirect_vreg.gather [hbm4b:s6+s2], $0x80, v3, vm1, $0xb8;
	[tilespmem:$0x14200] =	vst v63  }
0x3c: {  	v3 =	vld [tilespmem:$0x20];
	_ =	sdelay $0x4  }
0x3d: {  	v34 =	vshrl.u32 v3, $0x3  }
0x3e: {  	v4 =	vmul.u32 $0x28, v34  }
0x3f: {  	v3 =	vand.u32 $0x7, v3  }
0x40: {  	v3 =	vor.u32 v3, v4  }
0x41: {  	v4 =	vperm.xlane v3, v0;
	_ =	sdelay $0x1  }
0x42: {  	v4 =	vadd.s32 v1, v4;
	_ =	sdelay $0x3  }
0x43: {  	s15 =	simm.s32 $0x5200;
	v3 =	vperm.xlane v3, v2  }
0x44: {  	[tilespmem:s15], [sflag:$0x1] =	stream.indirect_vreg.gather [hbm4b:s4+s2], $0x80, v4, vm0, $0xb8;
	[tilespmem:$0x14200] =	vst v63  }
0x45: {  	s17 =	simm.s32 $0x5A00;
	v3 =	vadd.s32 v1, v3  }
0x46: {  	[tilespmem:s17], [sflag:$0x1] =	stream.indirect_vreg.gather [hbm4b:s5+s2], $0x80, v4, vm0, $0xb8;
	[tilespmem:$0x14200] =	vst v63  }
0x47: {  	s18 =	simm.s32 $0x6200  }
0x48: {  	[tilespmem:s18], [sflag:$0x1] =	stream.indirect_vreg.gather [hbm4b:s6+s2], $0x80, v4, vm1, $0xb8;
	[tilespmem:$0x14200] =	vst v63  }
0x49: {  	s19 =	simm.s32 $0x6600  }
0x4a: {  	[tilespmem:s19], [sflag:$0x1] =	stream.indirect_vreg.gather [hbm4b:s4+s2], $0x80, v3, vm0, $0xb8;
	[tilespmem:$0x14200] =	vst v63  }
0x4b: {  	s20 =	simm.s32 $0x6E00  }
0x4c: {  	[tilespmem:s20], [sflag:$0x1] =	stream.indirect_vreg.gather [hbm4b:s5+s2], $0x80, v3, vm0, $0xb8;
	[tilespmem:$0x14200] =	vst v63  }
0x4d: {  	s21 =	simm.s32 $0x7600  }
0x4e: {  	[tilespmem:s21], [sflag:$0x1] =	stream.indirect_vreg.gather [hbm4b:s6+s2], $0x80, v3, vm1, $0xb8;
	[tilespmem:$0x14200] =	vst v63  }
0x4f: {  	v3 =	vld [tilespmem:$0x30];
	_ =	sdelay $0x4  }
0x50: {  	v35 =	vshrl.u32 v3, $0x3  }
0x51: {  	v4 =	vmul.u32 $0x28, v35  }
0x52: {  	v3 =	vand.u32 $0x7, v3  }
0x53: {  	v3 =	vor.u32 v3, v4  }
0x54: {  	v4 =	vperm.xlane v3, v0;
	_ =	sdelay $0x1  }
0x55: {  	v4 =	vadd.s32 v1, v4;
	_ =	sdelay $0x3  }
0x56: {  	s22 =	simm.s32 $0x7A00;
	v3 =	vperm.xlane v3, v2  }
0x57: {  	[tilespmem:s22], [sflag:$0x1] =	stream.indirect_vreg.gather [hbm4b:s4+s2], $0x80, v4, vm0, $0xb8;
	[tilespmem:$0x14200] =	vst v63  }
0x58: {  	s23 =	simm.s32 $0x8200;
	v3 =	vadd.s32 v1, v3  }
0x59: {  	[tilespmem:s23], [sflag:$0x1] =	stream.indirect_vreg.gather [hbm4b:s5+s2], $0x80, v4, vm0, $0xb8;
	[tilespmem:$0x14200] =	vst v63  }
0x5a: {  	s24 =	simm.s32 $0x8A00  }
0x5b: {  	[tilespmem:s24], [sflag:$0x1] =	stream.indirect_vreg.gather [hbm4b:s6+s2], $0x80, v4, vm1, $0xb8;
	[tilespmem:$0x14200] =	vst v63  }
0x5c: {  	s28 =	simm.s32 $0x8E00  }
0x5d: {  	[tilespmem:s28], [sflag:$0x1] =	stream.indirect_vreg.gather [hbm4b:s4+s2], $0x80, v3, vm0, $0xb8;
	[tilespmem:$0x14200] =	vst v63  }
0x5e: {  	s29 =	simm.s32 $0x9600  }
0x5f: {  	[tilespmem:s29], [sflag:$0x1] =	stream.indirect_vreg.gather [hbm4b:s5+s2], $0x80, v3, vm0, $0xb8;
	[tilespmem:$0x14200] =	vst v63  }
0x60: {  	s1 =	simm.s32 $0x9E00  }
0x61: {  	[tilespmem:s1], [sflag:$0x1] =	stream.indirect_vreg.gather [hbm4b:s6+s2], $0x80, v3, vm1, $0xb8;
	[tilespmem:$0x14200] =	vst v63  }
0x62: {  	_ =	swait.ge [sflag:s3], $0xA000  }
0x63: {  	[sflag:s3] =	ssyncset.done $0x0  }
0x64: {  	s9 =	rddreg [dreg:$0xa];
	[sflag:s3] =	ssyncadd.s32 $0xFFFF6000  }
0x65: {  	[hbm4b:s9+s2] =	stream.linear.scatter [tilespmem:s16], [sflag:$0x2], $0xA000, $0x38;
	[tilespmem:$0x14200] =	vst v63  }
0x66: {  	v3 =	vld [tilespmem:$0x40];
	_ =	sdelay $0x4  }
0x67: {  	v36 =	vshrl.u32 v3, $0x3  }
0x68: {  	v4 =	vmul.u32 $0x28, v36  }
0x69: {  	v3 =	vand.u32 $0x7, v3  }
0x6a: {  	v3 =	vor.u32 v3, v4  }
0x6b: {  	v4 =	vperm.xlane v3, v0;
	_ =	sdelay $0x1  }
0x6c: {  	v4 =	vadd.s32 v1, v4;
	_ =	sdelay $0x3  }
0x6d: {  	v3 =	vperm.xlane v3, v2  }
0x6e: {  	[tilespmem:s8], [sflag:$0x1] =	stream.indirect_vreg.gather [hbm4b:s4+s2], $0x80, v4, vm0, $0xb8;
	[tilespmem:$0x14200] =	vst v63  }
0x6f: {  	s17 =	simm.s32 $0xAA00;
	v3 =	vadd.s32 v1, v3  }
0x70: {  	[tilespmem:s17], [sflag:$0x1] =	stream.indirect_vreg.gather [hbm4b:s5+s2], $0x80, v4, vm0, $0xb8;
	[tilespmem:$0x14200] =	vst v63  }
0x71: {  	s18 =	simm.s32 $0xB200  }
0x72: {  	[tilespmem:s18], [sflag:$0x1] =	stream.indirect_vreg.gather [hbm4b:s6+s2], $0x80, v4, vm1, $0xb8;
	[tilespmem:$0x14200] =	vst v63  }
0x73: {  	s19 =	simm.s32 $0xB600  }
0x74: {  	[tilespmem:s19], [sflag:$0x1] =	stream.indirect_vreg.gather [hbm4b:s4+s2], $0x80, v3, vm0, $0xb8;
	[tilespmem:$0x14200] =	vst v63  }
0x75: {  	s20 =	simm.s32 $0xBE00  }
0x76: {  	[tilespmem:s20], [sflag:$0x1] =	stream.indirect_vreg.gather [hbm4b:s5+s2], $0x80, v3, vm0, $0xb8;
	[tilespmem:$0x14200] =	vst v63  }
0x77: {  	s21 =	simm.s32 $0xC600  }
0x78: {  	[tilespmem:s21], [sflag:$0x1] =	stream.indirect_vreg.gather [hbm4b:s6+s2], $0x80, v3, vm1, $0xb8;
	[tilespmem:$0x14200] =	vst v63  }
0x79: {  	v3 =	vld [tilespmem:$0x50];
	_ =	sdelay $0x4  }
0x7a: {  	v37 =	vshrl.u32 v3, $0x3  }
0x7b: {  	v4 =	vmul.u32 $0x28, v37  }
0x7c: {  	v3 =	vand.u32 $0x7, v3  }
0x7d: {  	v3 =	vor.u32 v3, v4  }
0x7e: {  	v4 =	vperm.xlane v3, v0;
	_ =	sdelay $0x1  }
0x7f: {  	v4 =	vadd.s32 v1, v4;
	_ =	sdelay $0x3  }
0x80: {  	s22 =	simm.s32 $0xCA00;
	v3 =	vperm.xlane v3, v2  }
0x81: {  	[tilespmem:s22], [sflag:$0x1] =	stream.indirect_vreg.gather [hbm4b:s4+s2], $0x80, v4, vm0, $0xb8;
	[tilespmem:$0x14200] =	vst v63  }
0x82: {  	s23 =	simm.s32 $0xD200;
	v3 =	vadd.s32 v1, v3  }
0x83: {  	[tilespmem:s23], [sflag:$0x1] =	stream.indirect_vreg.gather [hbm4b:s5+s2], $0x80, v4, vm0, $0xb8;
	[tilespmem:$0x14200] =	vst v63  }
0x84: {  	s24 =	simm.s32 $0xDA00  }
0x85: {  	[tilespmem:s24], [sflag:$0x1] =	stream.indirect_vreg.gather [hbm4b:s6+s2], $0x80, v4, vm1, $0xb8;
	[tilespmem:$0x14200] =	vst v63  }
0x86: {  	s28 =	simm.s32 $0xDE00  }
0x87: {  	[tilespmem:s28], [sflag:$0x1] =	stream.indirect_vreg.gather [hbm4b:s4+s2], $0x80, v3, vm0, $0xb8;
	[tilespmem:$0x14200] =	vst v63  }
0x88: {  	s29 =	simm.s32 $0xE600  }
0x89: {  	[tilespmem:s29], [sflag:$0x1] =	stream.indirect_vreg.gather [hbm4b:s5+s2], $0x80, v3, vm0, $0xb8;
	[tilespmem:$0x14200] =	vst v63  }
0x8a: {  	s0 =	simm.s32 $0xEE00  }
0x8b: {  	[tilespmem:s0], [sflag:$0x1] =	stream.indirect_vreg.gather [hbm4b:s6+s2], $0x80, v3, vm1, $0xb8;
	[tilespmem:$0x14200] =	vst v63  }
0x8c: {  	v3 =	vld [tilespmem:$0x60];
	_ =	sdelay $0x4  }
0x8d: {  	v38 =	vshrl.u32 v3, $0x3  }
0x8e: {  	v4 =	vmul.u32 $0x28, v38  }
0x8f: {  	v3 =	vand.u32 $0x7, v3  }
0x90: {  	v3 =	vor.u32 v3, v4  }
0x91: {  	v4 =	vperm.xlane v3, v0;
	_ =	sdelay $0x1  }
0x92: {  	v4 =	vadd.s32 v1, v4;
	_ =	sdelay $0x3  }
0x93: {  	s1 =	simm.s32 $0xF200;
	v3 =	vperm.xlane v3, v2  }
0x94: {  	[tilespmem:s1], [sflag:$0x1] =	stream.indirect_vreg.gather [hbm4b:s4+s2], $0x80, v4, vm0, $0xb8;
	[tilespmem:$0x14200] =	vst v63  }
0x95: {  	s9 =	simm.s32 $0xFA00;
	v3 =	vadd.s32 v1, v3  }
0x96: {  	[tilespmem:s9], [sflag:$0x1] =	stream.indirect_vreg.gather [hbm4b:s5+s2], $0x80, v4, vm0, $0xb8;
	[tilespmem:$0x14200] =	vst v63  }
0x97: {  	s17 =	simm.s32 $0x10200  }
0x98: {  	[tilespmem:s17], [sflag:$0x1] =	stream.indirect_vreg.gather [hbm4b:s6+s2], $0x80, v4, vm1, $0xb8;
	[tilespmem:$0x14200] =	vst v63  }
0x99: {  	s20 =	simm.s32 $0x10600  }
0x9a: {  	[tilespmem:s20], [sflag:$0x1] =	stream.indirect_vreg.gather [hbm4b:s4+s2], $0x80, v3, vm0, $0xb8;
	[tilespmem:$0x14200] =	vst v63  }
0x9b: {  	s21 =	simm.s32 $0x10E00  }
0x9c: {  	[tilespmem:s21], [sflag:$0x1] =	stream.indirect_vreg.gather [hbm4b:s5+s2], $0x80, v3, vm0, $0xb8;
	[tilespmem:$0x14200] =	vst v63  }
0x9d: {  	s22 =	simm.s32 $0x11600  }
0x9e: {  	[tilespmem:s22], [sflag:$0x1] =	stream.indirect_vreg.gather [hbm4b:s6+s2], $0x80, v3, vm1, $0xb8;
	[tilespmem:$0x14200] =	vst v63  }
0x9f: {  	v3 =	vld [tilespmem:$0x70];
	_ =	sdelay $0x4  }
0xa0: {  	v39 =	vshrl.u32 v3, $0x3  }
0xa1: {  	v4 =	vmul.u32 $0x28, v39  }
0xa2: {  	v3 =	vand.u32 $0x7, v3  }
0xa3: {  	v3 =	vor.u32 v3, v4  }
0xa4: {  	v4 =	vperm.xlane v3, v0;
	_ =	sdelay $0x1  }
0xa5: {  	v4 =	vadd.s32 v1, v4;
	_ =	sdelay $0x3  }
0xa6: {  	s23 =	simm.s32 $0x11A00;
	v3 =	vperm.xlane v3, v2  }
0xa7: {  	[tilespmem:s23], [sflag:$0x1] =	stream.indirect_vreg.gather [hbm4b:s4+s2], $0x80, v4, vm0, $0xb8;
	[tilespmem:$0x14200] =	vst v63  }
0xa8: {  	s24 =	simm.s32 $0x12200;
	v3 =	vadd.s32 v1, v3  }
0xa9: {  	[tilespmem:s24], [sflag:$0x1] =	stream.indirect_vreg.gather [hbm4b:s5+s2], $0x80, v4, vm0, $0xb8;
	[tilespmem:$0x14200] =	vst v63  }
0xaa: {  	s28 =	simm.s32 $0x12A00  }
0xab: {  	[tilespmem:s28], [sflag:$0x1] =	stream.indirect_vreg.gather [hbm4b:s6+s2], $0x80, v4, vm1, $0xb8;
	[tilespmem:$0x14200] =	vst v63  }
0xac: {  	s29 =	simm.s32 $0x12E00  }
0xad: {  	[tilespmem:s29], [sflag:$0x1] =	stream.indirect_vreg.gather [hbm4b:s4+s2], $0x80, v3, vm0, $0xb8;
	[tilespmem:$0x14200] =	vst v63  }
0xae: {  	s0 =	simm.s32 $0x13600  }
0xaf: {  	[tilespmem:s0], [sflag:$0x1] =	stream.indirect_vreg.gather [hbm4b:s5+s2], $0x80, v3, vm0, $0xb8;
	[tilespmem:$0x14200] =	vst v63  }
0xb0: {  	s1 =	simm.s32 $0x13E00  }
0xb1: {  	[tilespmem:s1], [sflag:$0x1] =	stream.indirect_vreg.gather [hbm4b:s6+s2], $0x80, v3, vm1, $0xb8;
	[tilespmem:$0x14200] =	vst v63  }
0xb2: {  	_ =	swait.ge [sflag:s3], $0xA000  }
0xb3: {  	[sflag:s3] =	ssyncset.done $0x0  }
0xb4: {  	s9 =	rddreg [dreg:$0x3];
	[sflag:s3] =	ssyncadd.s32 $0xFFFF6000  }
0xb5: {  	[hbm4b:s9+s2] =	stream.linear.scatter [tilespmem:s8], [sflag:$0x3], $0xA000, $0x38;
	[tilespmem:$0x14200] =	vst v63  }
0xb6: {  	_ =	swait.ge [sflag:s10], $0xA000  }
0xb7: {  	[sflag:s10] =	ssyncset.done $0x0  }
0xb8: {  	[sflag:s10] =	ssyncadd.s32 $0xFFFF6000  }
0xb9: {  	v3 =	vld [tilespmem:$0x80];
	_ =	sdelay $0x4  }
0xba: {  	v40 =	vshrl.u32 v3, $0x3  }
0xbb: {  	v4 =	vmul.u32 $0x28, v40  }
0xbc: {  	v3 =	vand.u32 $0x7, v3  }
0xbd: {  	v3 =	vor.u32 v3, v4  }
0xbe: {  	v4 =	vperm.xlane v3, v0;
	_ =	sdelay $0x1  }
0xbf: {  	v4 =	vadd.s32 v1, v4;
	_ =	sdelay $0x3  }
0xc0: {  	v3 =	vperm.xlane v3, v2  }
0xc1: {  	[tilespmem:s16], [sflag:$0x1] =	stream.indirect_vreg.gather [hbm4b:s4+s2], $0x80, v4, vm0, $0xb8;
	[tilespmem:$0x14200] =	vst v63  }
0xc2: {  	s0 =	simm.s32 $0xA00;
	v3 =	vadd.s32 v1, v3  }
0xc3: {  	[tilespmem:s0], [sflag:$0x1] =	stream.indirect_vreg.gather [hbm4b:s5+s2], $0x80, v4, vm0, $0xb8;
	[tilespmem:$0x14200] =	vst v63  }
0xc4: {  	s1 =	simm.s32 $0x1200  }
0xc5: {  	[tilespmem:s1], [sflag:$0x1] =	stream.indirect_vreg.gather [hbm4b:s6+s2], $0x80, v4, vm1, $0xb8;
	[tilespmem:$0x14200] =	vst v63  }
0xc6: {  	s9 =	simm.s32 $0x1600  }
0xc7: {  	[tilespmem:s9], [sflag:$0x1] =	stream.indirect_vreg.gather [hbm4b:s4+s2], $0x80, v3, vm0, $0xb8;
	[tilespmem:$0x14200] =	vst v63  }
0xc8: {  	s20 =	simm.s32 $0x1E00  }
0xc9: {  	[tilespmem:s20], [sflag:$0x1] =	stream.indirect_vreg.gather [hbm4b:s5+s2], $0x80, v3, vm0, $0xb8;
	[tilespmem:$0x14200] =	vst v63  }
0xca: {  	s13 =	simm.s32 $0x2600  }
0xcb: {  	[tilespmem:s13], [sflag:$0x1] =	stream.indirect_vreg.gather [hbm4b:s6+s2], $0x80, v3, vm1, $0xb8;
	[tilespmem:$0x14200] =	vst v63  }
0xcc: {  	v3 =	vld [tilespmem:$0x90];
	_ =	sdelay $0x4  }
0xcd: {  	v41 =	vshrl.u32 v3, $0x3  }
0xce: {  	v4 =	vmul.u32 $0x28, v41  }
0xcf: {  	v3 =	vand.u32 $0x7, v3  }
0xd0: {  	v3 =	vor.u32 v3, v4  }
0xd1: {  	v4 =	vperm.xlane v3, v0;
	_ =	sdelay $0x1  }
0xd2: {  	v4 =	vadd.s32 v1, v4;
	_ =	sdelay $0x3  }
0xd3: {  	s14 =	simm.s32 $0x2A00;
	v3 =	vperm.xlane v3, v2  }
0xd4: {  	[tilespmem:s14], [sflag:$0x1] =	stream.indirect_vreg.gather [hbm4b:s4+s2], $0x80, v4, vm0, $0xb8;
	[tilespmem:$0x14200] =	vst v63  }
0xd5: {  	s21 =	simm.s32 $0x3200;
	v3 =	vadd.s32 v1, v3  }
0xd6: {  	[tilespmem:s21], [sflag:$0x1] =	stream.indirect_vreg.gather [hbm4b:s5+s2], $0x80, v4, vm0, $0xb8;
	[tilespmem:$0x14200] =	vst v63  }
0xd7: {  	s22 =	simm.s32 $0x3A00  }
0xd8: {  	[tilespmem:s22], [sflag:$0x1] =	stream.indirect_vreg.gather [hbm4b:s6+s2], $0x80, v4, vm1, $0xb8;
	[tilespmem:$0x14200] =	vst v63  }
0xd9: {  	s23 =	simm.s32 $0x3E00  }
0xda: {  	[tilespmem:s23], [sflag:$0x1] =	stream.indirect_vreg.gather [hbm4b:s4+s2], $0x80, v3, vm0, $0xb8;
	[tilespmem:$0x14200] =	vst v63  }
0xdb: {  	s24 =	simm.s32 $0x4600  }
0xdc: {  	[tilespmem:s24], [sflag:$0x1] =	stream.indirect_vreg.gather [hbm4b:s5+s2], $0x80, v3, vm0, $0xb8;
	[tilespmem:$0x14200] =	vst v63  }
0xdd: {  	s25 =	simm.s32 $0x4E00  }
0xde: {  	[tilespmem:s25], [sflag:$0x1] =	stream.indirect_vreg.gather [hbm4b:s6+s2], $0x80, v3, vm1, $0xb8;
	[tilespmem:$0x14200] =	vst v63  }
0xdf: {  	v3 =	vld [tilespmem:$0xA0];
	_ =	sdelay $0x4  }
0xe0: {  	v42 =	vshrl.u32 v3, $0x3  }
0xe1: {  	v4 =	vmul.u32 $0x28, v42  }
0xe2: {  	v3 =	vand.u32 $0x7, v3  }
0xe3: {  	v3 =	vor.u32 v3, v4  }
0xe4: {  	v4 =	vperm.xlane v3, v0;
	_ =	sdelay $0x1  }
0xe5: {  	v4 =	vadd.s32 v1, v4;
	_ =	sdelay $0x3  }
0xe6: {  	s26 =	simm.s32 $0x5200;
	v3 =	vperm.xlane v3, v2  }
0xe7: {  	[tilespmem:s26], [sflag:$0x1] =	stream.indirect_vreg.gather [hbm4b:s4+s2], $0x80, v4, vm0, $0xb8;
	[tilespmem:$0x14200] =	vst v63  }
0xe8: {  	s25 =	simm.s32 $0x5A00;
	v3 =	vadd.s32 v1, v3  }
0xe9: {  	[tilespmem:s25], [sflag:$0x1] =	stream.indirect_vreg.gather [hbm4b:s5+s2], $0x80, v4, vm0, $0xb8;
	[tilespmem:$0x14200] =	vst v63  }
0xea: {  	s26 =	simm.s32 $0x6200  }
0xeb: {  	[tilespmem:s26], [sflag:$0x1] =	stream.indirect_vreg.gather [hbm4b:s6+s2], $0x80, v4, vm1, $0xb8;
	[tilespmem:$0x14200] =	vst v63  }
0xec: {  	s28 =	simm.s32 $0x6600  }
0xed: {  	[tilespmem:s28], [sflag:$0x1] =	stream.indirect_vreg.gather [hbm4b:s4+s2], $0x80, v3, vm0, $0xb8;
	[tilespmem:$0x14200] =	vst v63  }
0xee: {  	s29 =	simm.s32 $0x6E00  }
0xef: {  	[tilespmem:s29], [sflag:$0x1] =	stream.indirect_vreg.gather [hbm4b:s5+s2], $0x80, v3, vm0, $0xb8;
	[tilespmem:$0x14200] =	vst v63  }
0xf0: {  	s30 =	simm.s32 $0x7600  }
0xf1: {  	[tilespmem:s30], [sflag:$0x1] =	stream.indirect_vreg.gather [hbm4b:s6+s2], $0x80, v3, vm1, $0xb8;
	[tilespmem:$0x14200] =	vst v63  }
0xf2: {  	v3 =	vld [tilespmem:$0xB0];
	_ =	sdelay $0x4  }
0xf3: {  	v43 =	vshrl.u32 v3, $0x3  }
0xf4: {  	v4 =	vmul.u32 $0x28, v43  }
0xf5: {  	v3 =	vand.u32 $0x7, v3  }
0xf6: {  	v3 =	vor.u32 v3, v4  }
0xf7: {  	v4 =	vperm.xlane v3, v0;
	_ =	sdelay $0x1  }
0xf8: {  	v4 =	vadd.s32 v1, v4;
	_ =	sdelay $0x3  }
0xf9: {  	s31 =	simm.s32 $0x7A00;
	v3 =	vperm.xlane v3, v2  }
0xfa: {  	[tilespmem:s31], [sflag:$0x1] =	stream.indirect_vreg.gather [hbm4b:s4+s2], $0x80, v4, vm0, $0xb8;
	[tilespmem:$0x14200] =	vst v63  }
0xfb: {  	s30 =	simm.s32 $0x8200;
	v3 =	vadd.s32 v1, v3  }
0xfc: {  	[tilespmem:s30], [sflag:$0x1] =	stream.indirect_vreg.gather [hbm4b:s5+s2], $0x80, v4, vm0, $0xb8;
	[tilespmem:$0x14200] =	vst v63  }
0xfd: {  	s31 =	simm.s32 $0x8A00  }
0xfe: {  	[tilespmem:s31], [sflag:$0x1] =	stream.indirect_vreg.gather [hbm4b:s6+s2], $0x80, v4, vm1, $0xb8;
	[tilespmem:$0x14200] =	vst v63  }
0xff: {  	s13 =	simm.s32 $0x8E00  }
0x100: {  	[tilespmem:s13], [sflag:$0x1] =	stream.indirect_vreg.gather [hbm4b:s4+s2], $0x80, v3, vm0, $0xb8;
	[tilespmem:$0x14200] =	vst v63  }
0x101: {  	s14 =	simm.s32 $0x9600  }
0x102: {  	[tilespmem:s14], [sflag:$0x1] =	stream.indirect_vreg.gather [hbm4b:s5+s2], $0x80, v3, vm0, $0xb8;
	[tilespmem:$0x14200] =	vst v63  }
0x103: {  	s15 =	simm.s32 $0x9E00  }
0x104: {  	[tilespmem:s15], [sflag:$0x1] =	stream.indirect_vreg.gather [hbm4b:s6+s2], $0x80, v3, vm1, $0xb8;
	[tilespmem:$0x14200] =	vst v63  }
0x105: {  	_ =	swait.ge [sflag:s3], $0xA000  }
0x106: {  	[sflag:s3] =	ssyncset.done $0x0  }
0x107: {  	s15 =	rddreg [dreg:$0x4];
	[sflag:s3] =	ssyncadd.s32 $0xFFFF6000  }
0x108: {  	[hbm4b:s15+s2] =	stream.linear.scatter [tilespmem:s16], [sflag:$0x2], $0xA000, $0x38;
	[tilespmem:$0x14200] =	vst v63  }
0x109: {  	_ =	swait.ge [sflag:s11], $0xA000  }
0x10a: {  	[sflag:s11] =	ssyncset.done $0x0  }
0x10b: {  	[sflag:s11] =	ssyncadd.s32 $0xFFFF6000  }
0x10c: {  	v3 =	vld [tilespmem:$0xC0];
	_ =	sdelay $0x4  }
0x10d: {  	v44 =	vshrl.u32 v3, $0x3  }
0x10e: {  	v4 =	vmul.u32 $0x28, v44  }
0x10f: {  	v3 =	vand.u32 $0x7, v3  }
0x110: {  	v3 =	vor.u32 v3, v4  }
0x111: {  	v4 =	vperm.xlane v3, v0;
	_ =	sdelay $0x1  }
0x112: {  	v4 =	vadd.s32 v1, v4;
	_ =	sdelay $0x3  }
0x113: {  	v3 =	vperm.xlane v3, v2  }
0x114: {  	[tilespmem:s8], [sflag:$0x1] =	stream.indirect_vreg.gather [hbm4b:s4+s2], $0x80, v4, vm0, $0xb8;
	[tilespmem:$0x14200] =	vst v63  }
0x115: {  	s15 =	simm.s32 $0xAA00;
	v3 =	vadd.s32 v1, v3  }
0x116: {  	[tilespmem:s15], [sflag:$0x1] =	stream.indirect_vreg.gather [hbm4b:s5+s2], $0x80, v4, vm0, $0xb8;
	[tilespmem:$0x14200] =	vst v63  }
0x117: {  	s12 =	simm.s32 $0xB200  }
0x118: {  	[tilespmem:s12], [sflag:$0x1] =	stream.indirect_vreg.gather [hbm4b:s6+s2], $0x80, v4, vm1, $0xb8;
	[tilespmem:$0x14200] =	vst v63  }
0x119: {  	s12 =	simm.s32 $0xB600  }
0x11a: {  	[tilespmem:s12], [sflag:$0x1] =	stream.indirect_vreg.gather [hbm4b:s4+s2], $0x80, v3, vm0, $0xb8;
	[tilespmem:$0x14200] =	vst v63  }
0x11b: {  	s12 =	simm.s32 $0xBE00  }
0x11c: {  	[tilespmem:s12], [sflag:$0x1] =	stream.indirect_vreg.gather [hbm4b:s5+s2], $0x80, v3, vm0, $0xb8;
	[tilespmem:$0x14200] =	vst v63  }
0x11d: {  	s18 =	simm.s32 $0xC600  }
0x11e: {  	[tilespmem:s18], [sflag:$0x1] =	stream.indirect_vreg.gather [hbm4b:s6+s2], $0x80, v3, vm1, $0xb8;
	[tilespmem:$0x14200] =	vst v63  }
0x11f: {  	v3 =	vld [tilespmem:$0xD0];
	_ =	sdelay $0x4  }
0x120: {  	v45 =	vshrl.u32 v3, $0x3  }
0x121: {  	v4 =	vmul.u32 $0x28, v45  }
0x122: {  	v3 =	vand.u32 $0x7, v3  }
0x123: {  	v3 =	vor.u32 v3, v4  }
0x124: {  	v4 =	vperm.xlane v3, v0;
	_ =	sdelay $0x1  }
0x125: {  	v4 =	vadd.s32 v1, v4;
	_ =	sdelay $0x3  }
0x126: {  	s19 =	simm.s32 $0xCA00;
	v3 =	vperm.xlane v3, v2  }
0x127: {  	[tilespmem:s19], [sflag:$0x1] =	stream.indirect_vreg.gather [hbm4b:s4+s2], $0x80, v4, vm0, $0xb8;
	[tilespmem:$0x14200] =	vst v63  }
0x128: {  	v3 =	vadd.s32 v1, v3;
	s19 =	simm.s32 $0xD200  }
0x129: {  	[tilespmem:s19], [sflag:$0x1] =	stream.indirect_vreg.gather [hbm4b:s5+s2], $0x80, v4, vm0, $0xb8;
	[tilespmem:$0x14200] =	vst v63  }
0x12a: {  	s18 =	simm.s32 $0xDA00  }
0x12b: {  	[tilespmem:s18], [sflag:$0x1] =	stream.indirect_vreg.gather [hbm4b:s6+s2], $0x80, v4, vm1, $0xb8;
	[tilespmem:$0x14200] =	vst v63  }
0x12c: {  	s19 =	simm.s32 $0xDE00  }
0x12d: {  	[tilespmem:s19], [sflag:$0x1] =	stream.indirect_vreg.gather [hbm4b:s4+s2], $0x80, v3, vm0, $0xb8;
	[tilespmem:$0x14200] =	vst v63  }
0x12e: {  	s18 =	simm.s32 $0xE600  }
0x12f: {  	[tilespmem:s18], [sflag:$0x1] =	stream.indirect_vreg.gather [hbm4b:s5+s2], $0x80, v3, vm0, $0xb8;
	[tilespmem:$0x14200] =	vst v63  }
0x130: {  	s19 =	simm.s32 $0xEE00  }
0x131: {  	[tilespmem:s19], [sflag:$0x1] =	stream.indirect_vreg.gather [hbm4b:s6+s2], $0x80, v3, vm1, $0xb8;
	[tilespmem:$0x14200] =	vst v63  }
0x132: {  	v3 =	vld [tilespmem:$0xE0];
	_ =	sdelay $0x4  }
0x133: {  	v46 =	vshrl.u32 v3, $0x3  }
0x134: {  	v4 =	vmul.u32 $0x28, v46  }
0x135: {  	v3 =	vand.u32 $0x7, v3  }
0x136: {  	v3 =	vor.u32 v3, v4  }
0x137: {  	v4 =	vperm.xlane v3, v0;
	_ =	sdelay $0x1  }
0x138: {  	v4 =	vadd.s32 v1, v4;
	_ =	sdelay $0x3  }
0x139: {  	s18 =	simm.s32 $0xF200;
	v3 =	vperm.xlane v3, v2  }
0x13a: {  	[tilespmem:s18], [sflag:$0x1] =	stream.indirect_vreg.gather [hbm4b:s4+s2], $0x80, v4, vm0, $0xb8;
	[tilespmem:$0x14200] =	vst v63  }
0x13b: {  	s19 =	simm.s32 $0xFA00;
	v3 =	vadd.s32 v1, v3  }
0x13c: {  	[tilespmem:s19], [sflag:$0x1] =	stream.indirect_vreg.gather [hbm4b:s5+s2], $0x80, v4, vm0, $0xb8;
	[tilespmem:$0x14200] =	vst v63  }
0x13d: {  	s18 =	simm.s32 $0x10200  }
0x13e: {  	[tilespmem:s18], [sflag:$0x1] =	stream.indirect_vreg.gather [hbm4b:s6+s2], $0x80, v4, vm1, $0xb8;
	[tilespmem:$0x14200] =	vst v63  }
0x13f: {  	s19 =	simm.s32 $0x10600  }
0x140: {  	[tilespmem:s19], [sflag:$0x1] =	stream.indirect_vreg.gather [hbm4b:s4+s2], $0x80, v3, vm0, $0xb8;
	[tilespmem:$0x14200] =	vst v63  }
0x141: {  	s18 =	simm.s32 $0x10E00  }
0x142: {  	[tilespmem:s18], [sflag:$0x1] =	stream.indirect_vreg.gather [hbm4b:s5+s2], $0x80, v3, vm0, $0xb8;
	[tilespmem:$0x14200] =	vst v63  }
0x143: {  	s19 =	simm.s32 $0x11600  }
0x144: {  	[tilespmem:s19], [sflag:$0x1] =	stream.indirect_vreg.gather [hbm4b:s6+s2], $0x80, v3, vm1, $0xb8;
	[tilespmem:$0x14200] =	vst v63  }
0x145: {  	v3 =	vld [tilespmem:$0xF0];
	_ =	sdelay $0x4  }
0x146: {  	v47 =	vshrl.u32 v3, $0x3  }
0x147: {  	v4 =	vmul.u32 $0x28, v47  }
0x148: {  	v3 =	vand.u32 $0x7, v3  }
0x149: {  	v3 =	vor.u32 v3, v4  }
0x14a: {  	v4 =	vperm.xlane v3, v0;
	_ =	sdelay $0x1  }
0x14b: {  	v4 =	vadd.s32 v1, v4;
	_ =	sdelay $0x3  }
0x14c: {  	s18 =	simm.s32 $0x11A00;
	v3 =	vperm.xlane v3, v2  }
0x14d: {  	[tilespmem:s18], [sflag:$0x1] =	stream.indirect_vreg.gather [hbm4b:s4+s2], $0x80, v4, vm0, $0xb8;
	[tilespmem:$0x14200] =	vst v63  }
0x14e: {  	s19 =	simm.s32 $0x12200;
	v3 =	vadd.s32 v1, v3  }
0x14f: {  	[tilespmem:s19], [sflag:$0x1] =	stream.indirect_vreg.gather [hbm4b:s5+s2], $0x80, v4, vm0, $0xb8;
	[tilespmem:$0x14200] =	vst v63  }
0x150: {  	s18 =	simm.s32 $0x12A00  }
0x151: {  	[tilespmem:s18], [sflag:$0x1] =	stream.indirect_vreg.gather [hbm4b:s6+s2], $0x80, v4, vm1, $0xb8;
	[tilespmem:$0x14200] =	vst v63  }
0x152: {  	s19 =	simm.s32 $0x12E00  }
0x153: {  	[tilespmem:s19], [sflag:$0x1] =	stream.indirect_vreg.gather [hbm4b:s4+s2], $0x80, v3, vm0, $0xb8;
	[tilespmem:$0x14200] =	vst v63  }
0x154: {  	s18 =	simm.s32 $0x13600  }
0x155: {  	[tilespmem:s18], [sflag:$0x1] =	stream.indirect_vreg.gather [hbm4b:s5+s2], $0x80, v3, vm0, $0xb8;
	[tilespmem:$0x14200] =	vst v63  }
0x156: {  	s17 =	simm.s32 $0x13E00  }
0x157: {  	[tilespmem:s17], [sflag:$0x1] =	stream.indirect_vreg.gather [hbm4b:s6+s2], $0x80, v3, vm1, $0xb8;
	[tilespmem:$0x14200] =	vst v63  }
0x158: {  	_ =	swait.ge [sflag:s3], $0xA000  }
0x159: {  	[sflag:s3] =	ssyncset.done $0x0  }
0x15a: {  	s19 =	rddreg [dreg:$0x5];
	[sflag:s3] =	ssyncadd.s32 $0xFFFF6000  }
0x15b: {  	[hbm4b:s19+s2] =	stream.linear.scatter [tilespmem:s8], [sflag:$0x3], $0xA000, $0x38;
	[tilespmem:$0x14200] =	vst v63  }
0x15c: {  	_ =	swait.ge [sflag:s10], $0xA000  }
0x15d: {  	[sflag:s10] =	ssyncset.done $0x0  }
0x15e: {  	[sflag:s10] =	ssyncadd.s32 $0xFFFF6000  }
0x15f: {  	v3 =	vld [tilespmem:$0x100];
	_ =	sdelay $0x4  }
0x160: {  	v48 =	vshrl.u32 v3, $0x3  }
0x161: {  	v4 =	vmul.u32 $0x28, v48  }
0x162: {  	v3 =	vand.u32 $0x7, v3  }
0x163: {  	v3 =	vor.u32 v3, v4  }
0x164: {  	v4 =	vperm.xlane v3, v0;
	_ =	sdelay $0x1  }
0x165: {  	v4 =	vadd.s32 v1, v4;
	_ =	sdelay $0x3  }
0x166: {  	v3 =	vperm.xlane v3, v2  }
0x167: {  	[tilespmem:s16], [sflag:$0x1] =	stream.indirect_vreg.gather [hbm4b:s4+s2], $0x80, v4, vm0, $0xb8;
	[tilespmem:$0x14200] =	vst v63  }
0x168: {  	v3 =	vadd.s32 v1, v3  }
0x169: {  	[tilespmem:s0], [sflag:$0x1] =	stream.indirect_vreg.gather [hbm4b:s5+s2], $0x80, v4, vm0, $0xb8;
	[tilespmem:$0x14200] =	vst v63  }
0x16a: {  	_ = 	snop  }
0x16b: {  	[tilespmem:s1], [sflag:$0x1] =	stream.indirect_vreg.gather [hbm4b:s6+s2], $0x80, v4, vm1, $0xb8;
	[tilespmem:$0x14200] =	vst v63  }
0x16c: {  	_ = 	snop  }
0x16d: {  	[tilespmem:s9], [sflag:$0x1] =	stream.indirect_vreg.gather [hbm4b:s4+s2], $0x80, v3, vm0, $0xb8;
	[tilespmem:$0x14200] =	vst v63  }
0x16e: {  	_ = 	snop  }
0x16f: {  	[tilespmem:s20], [sflag:$0x1] =	stream.indirect_vreg.gather [hbm4b:s5+s2], $0x80, v3, vm0, $0xb8;
	[tilespmem:$0x14200] =	vst v63  }
0x170: {  	s20 =	simm.s32 $0x2600  }
0x171: {  	[tilespmem:s20], [sflag:$0x1] =	stream.indirect_vreg.gather [hbm4b:s6+s2], $0x80, v3, vm1, $0xb8;
	[tilespmem:$0x14200] =	vst v63  }
0x172: {  	v3 =	vld [tilespmem:$0x110];
	_ =	sdelay $0x4  }
0x173: {  	v49 =	vshrl.u32 v3, $0x3  }
0x174: {  	v4 =	vmul.u32 $0x28, v49  }
0x175: {  	v3 =	vand.u32 $0x7, v3  }
0x176: {  	v3 =	vor.u32 v3, v4  }
0x177: {  	v4 =	vperm.xlane v3, v0;
	_ =	sdelay $0x1  }
0x178: {  	v4 =	vadd.s32 v1, v4;
	_ =	sdelay $0x3  }
0x179: {  	s18 =	simm.s32 $0x2A00;
	v3 =	vperm.xlane v3, v2  }
0x17a: {  	[tilespmem:s18], [sflag:$0x1] =	stream.indirect_vreg.gather [hbm4b:s4+s2], $0x80, v4, vm0, $0xb8;
	[tilespmem:$0x14200] =	vst v63  }
0x17b: {  	v3 =	vadd.s32 v1, v3  }
0x17c: {  	[tilespmem:s21], [sflag:$0x1] =	stream.indirect_vreg.gather [hbm4b:s5+s2], $0x80, v4, vm0, $0xb8;
	[tilespmem:$0x14200] =	vst v63  }
0x17d: {  	_ = 	snop  }
0x17e: {  	[tilespmem:s22], [sflag:$0x1] =	stream.indirect_vreg.gather [hbm4b:s6+s2], $0x80, v4, vm1, $0xb8;
	[tilespmem:$0x14200] =	vst v63  }
0x17f: {  	_ = 	snop  }
0x180: {  	[tilespmem:s23], [sflag:$0x1] =	stream.indirect_vreg.gather [hbm4b:s4+s2], $0x80, v3, vm0, $0xb8;
	[tilespmem:$0x14200] =	vst v63  }
0x181: {  	_ = 	snop  }
0x182: {  	[tilespmem:s24], [sflag:$0x1] =	stream.indirect_vreg.gather [hbm4b:s5+s2], $0x80, v3, vm0, $0xb8;
	[tilespmem:$0x14200] =	vst v63  }
0x183: {  	s19 =	simm.s32 $0x4E00  }
0x184: {  	[tilespmem:s19], [sflag:$0x1] =	stream.indirect_vreg.gather [hbm4b:s6+s2], $0x80, v3, vm1, $0xb8;
	[tilespmem:$0x14200] =	vst v63  }
0x185: {  	v3 =	vld [tilespmem:$0x120];
	_ =	sdelay $0x4  }
0x186: {  	v50 =	vshrl.u32 v3, $0x3  }
0x187: {  	v4 =	vmul.u32 $0x28, v50  }
0x188: {  	v3 =	vand.u32 $0x7, v3  }
0x189: {  	v3 =	vor.u32 v3, v4  }
0x18a: {  	v4 =	vperm.xlane v3, v0;
	_ =	sdelay $0x1  }
0x18b: {  	v4 =	vadd.s32 v1, v4;
	_ =	sdelay $0x3  }
0x18c: {  	s24 =	simm.s32 $0x5200;
	v3 =	vperm.xlane v3, v2  }
0x18d: {  	[tilespmem:s24], [sflag:$0x1] =	stream.indirect_vreg.gather [hbm4b:s4+s2], $0x80, v4, vm0, $0xb8;
	[tilespmem:$0x14200] =	vst v63  }
0x18e: {  	v3 =	vadd.s32 v1, v3  }
0x18f: {  	[tilespmem:s25], [sflag:$0x1] =	stream.indirect_vreg.gather [hbm4b:s5+s2], $0x80, v4, vm0, $0xb8;
	[tilespmem:$0x14200] =	vst v63  }
0x190: {  	_ = 	snop  }
0x191: {  	[tilespmem:s26], [sflag:$0x1] =	stream.indirect_vreg.gather [hbm4b:s6+s2], $0x80, v4, vm1, $0xb8;
	[tilespmem:$0x14200] =	vst v63  }
0x192: {  	_ = 	snop  }
0x193: {  	[tilespmem:s28], [sflag:$0x1] =	stream.indirect_vreg.gather [hbm4b:s4+s2], $0x80, v3, vm0, $0xb8;
	[tilespmem:$0x14200] =	vst v63  }
0x194: {  	_ = 	snop  }
0x195: {  	[tilespmem:s29], [sflag:$0x1] =	stream.indirect_vreg.gather [hbm4b:s5+s2], $0x80, v3, vm0, $0xb8;
	[tilespmem:$0x14200] =	vst v63  }
0x196: {  	s29 =	simm.s32 $0x7600  }
0x197: {  	[tilespmem:s29], [sflag:$0x1] =	stream.indirect_vreg.gather [hbm4b:s6+s2], $0x80, v3, vm1, $0xb8;
	[tilespmem:$0x14200] =	vst v63  }
0x198: {  	v3 =	vld [tilespmem:$0x130];
	_ =	sdelay $0x4  }
0x199: {  	v51 =	vshrl.u32 v3, $0x3  }
0x19a: {  	v4 =	vmul.u32 $0x28, v51  }
0x19b: {  	v3 =	vand.u32 $0x7, v3  }
0x19c: {  	v3 =	vor.u32 v3, v4  }
0x19d: {  	v4 =	vperm.xlane v3, v0;
	_ =	sdelay $0x1  }
0x19e: {  	v4 =	vadd.s32 v1, v4;
	_ =	sdelay $0x3  }
0x19f: {  	s18 =	simm.s32 $0x7A00;
	v3 =	vperm.xlane v3, v2  }
0x1a0: {  	[tilespmem:s18], [sflag:$0x1] =	stream.indirect_vreg.gather [hbm4b:s4+s2], $0x80, v4, vm0, $0xb8;
	[tilespmem:$0x14200] =	vst v63  }
0x1a1: {  	v3 =	vadd.s32 v1, v3  }
0x1a2: {  	[tilespmem:s30], [sflag:$0x1] =	stream.indirect_vreg.gather [hbm4b:s5+s2], $0x80, v4, vm0, $0xb8;
	[tilespmem:$0x14200] =	vst v63  }
0x1a3: {  	_ = 	snop  }
0x1a4: {  	[tilespmem:s31], [sflag:$0x1] =	stream.indirect_vreg.gather [hbm4b:s6+s2], $0x80, v4, vm1, $0xb8;
	[tilespmem:$0x14200] =	vst v63  }
0x1a5: {  	_ = 	snop  }
0x1a6: {  	[tilespmem:s13], [sflag:$0x1] =	stream.indirect_vreg.gather [hbm4b:s4+s2], $0x80, v3, vm0, $0xb8;
	[tilespmem:$0x14200] =	vst v63  }
0x1a7: {  	_ = 	snop  }
0x1a8: {  	[tilespmem:s14], [sflag:$0x1] =	stream.indirect_vreg.gather [hbm4b:s5+s2], $0x80, v3, vm0, $0xb8;
	[tilespmem:$0x14200] =	vst v63  }
0x1a9: {  	s19 =	simm.s32 $0x9E00  }
0x1aa: {  	[tilespmem:s19], [sflag:$0x1] =	stream.indirect_vreg.gather [hbm4b:s6+s2], $0x80, v3, vm1, $0xb8;
	[tilespmem:$0x14200] =	vst v63  }
0x1ab: {  	_ =	swait.ge [sflag:s3], $0xA000  }
0x1ac: {  	[sflag:s3] =	ssyncset.done $0x0  }
0x1ad: {  	s31 =	rddreg [dreg:$0x6];
	[sflag:s3] =	ssyncadd.s32 $0xFFFF6000  }
0x1ae: {  	[hbm4b:s31+s2] =	stream.linear.scatter [tilespmem:s16], [sflag:$0x2], $0xA000, $0x38;
	[tilespmem:$0x14200] =	vst v63  }
0x1af: {  	_ =	swait.ge [sflag:s11], $0xA000  }
0x1b0: {  	[sflag:s11] =	ssyncset.done $0x0  }
0x1b1: {  	[sflag:s11] =	ssyncadd.s32 $0xFFFF6000  }
0x1b2: {  	v3 =	vld [tilespmem:$0x140];
	_ =	sdelay $0x4  }
0x1b3: {  	v52 =	vshrl.u32 v3, $0x3  }
0x1b4: {  	v4 =	vmul.u32 $0x28, v52  }
0x1b5: {  	v3 =	vand.u32 $0x7, v3  }
0x1b6: {  	v3 =	vor.u32 v3, v4  }
0x1b7: {  	v4 =	vperm.xlane v3, v0;
	_ =	sdelay $0x1  }
0x1b8: {  	v4 =	vadd.s32 v1, v4;
	_ =	sdelay $0x3  }
0x1b9: {  	v3 =	vperm.xlane v3, v2  }
0x1ba: {  	[tilespmem:s8], [sflag:$0x1] =	stream.indirect_vreg.gather [hbm4b:s4+s2], $0x80, v4, vm0, $0xb8;
	[tilespmem:$0x14200] =	vst v63  }
0x1bb: {  	s15 =	simm.s32 $0xAA00;
	v3 =	vadd.s32 v1, v3  }
0x1bc: {  	[tilespmem:s15], [sflag:$0x1] =	stream.indirect_vreg.gather [hbm4b:s5+s2], $0x80, v4, vm0, $0xb8;
	[tilespmem:$0x14200] =	vst v63  }
0x1bd: {  	s15 =	simm.s32 $0xB200  }
0x1be: {  	[tilespmem:s15], [sflag:$0x1] =	stream.indirect_vreg.gather [hbm4b:s6+s2], $0x80, v4, vm1, $0xb8;
	[tilespmem:$0x14200] =	vst v63  }
0x1bf: {  	s18 =	simm.s32 $0xB600  }
0x1c0: {  	[tilespmem:s18], [sflag:$0x1] =	stream.indirect_vreg.gather [hbm4b:s4+s2], $0x80, v3, vm0, $0xb8;
	[tilespmem:$0x14200] =	vst v63  }
0x1c1: {  	s19 =	simm.s32 $0xBE00  }
0x1c2: {  	[tilespmem:s19], [sflag:$0x1] =	stream.indirect_vreg.gather [hbm4b:s5+s2], $0x80, v3, vm0, $0xb8;
	[tilespmem:$0x14200] =	vst v63  }
0x1c3: {  	s12 =	simm.s32 $0xC600  }
0x1c4: {  	[tilespmem:s12], [sflag:$0x1] =	stream.indirect_vreg.gather [hbm4b:s6+s2], $0x80, v3, vm1, $0xb8;
	[tilespmem:$0x14200] =	vst v63  }
0x1c5: {  	v3 =	vld [tilespmem:$0x150];
	_ =	sdelay $0x4  }
0x1c6: {  	v53 =	vshrl.u32 v3, $0x3  }
0x1c7: {  	v4 =	vmul.u32 $0x28, v53  }
0x1c8: {  	v3 =	vand.u32 $0x7, v3  }
0x1c9: {  	v3 =	vor.u32 v3, v4  }
0x1ca: {  	v4 =	vperm.xlane v3, v0;
	_ =	sdelay $0x1  }
0x1cb: {  	v4 =	vadd.s32 v1, v4;
	_ =	sdelay $0x3  }
0x1cc: {  	s12 =	simm.s32 $0xCA00;
	v3 =	vperm.xlane v3, v2  }
0x1cd: {  	[tilespmem:s12], [sflag:$0x1] =	stream.indirect_vreg.gather [hbm4b:s4+s2], $0x80, v4, vm0, $0xb8;
	[tilespmem:$0x14200] =	vst v63  }
0x1ce: {  	v3 =	vadd.s32 v1, v3;
	s12 =	simm.s32 $0xD200  }
0x1cf: {  	[tilespmem:s12], [sflag:$0x1] =	stream.indirect_vreg.gather [hbm4b:s5+s2], $0x80, v4, vm0, $0xb8;
	[tilespmem:$0x14200] =	vst v63  }
0x1d0: {  	s12 =	simm.s32 $0xDA00  }
0x1d1: {  	[tilespmem:s12], [sflag:$0x1] =	stream.indirect_vreg.gather [hbm4b:s6+s2], $0x80, v4, vm1, $0xb8;
	[tilespmem:$0x14200] =	vst v63  }
0x1d2: {  	s12 =	simm.s32 $0xDE00  }
0x1d3: {  	[tilespmem:s12], [sflag:$0x1] =	stream.indirect_vreg.gather [hbm4b:s4+s2], $0x80, v3, vm0, $0xb8;
	[tilespmem:$0x14200] =	vst v63  }
0x1d4: {  	s12 =	simm.s32 $0xE600  }
0x1d5: {  	[tilespmem:s12], [sflag:$0x1] =	stream.indirect_vreg.gather [hbm4b:s5+s2], $0x80, v3, vm0, $0xb8;
	[tilespmem:$0x14200] =	vst v63  }
0x1d6: {  	s12 =	simm.s32 $0xEE00  }
0x1d7: {  	[tilespmem:s12], [sflag:$0x1] =	stream.indirect_vreg.gather [hbm4b:s6+s2], $0x80, v3, vm1, $0xb8;
	[tilespmem:$0x14200] =	vst v63  }
0x1d8: {  	v3 =	vld [tilespmem:$0x160];
	_ =	sdelay $0x4  }
0x1d9: {  	v54 =	vshrl.u32 v3, $0x3  }
0x1da: {  	v4 =	vmul.u32 $0x28, v54  }
0x1db: {  	v3 =	vand.u32 $0x7, v3  }
0x1dc: {  	v3 =	vor.u32 v3, v4  }
0x1dd: {  	v4 =	vperm.xlane v3, v0;
	_ =	sdelay $0x1  }
0x1de: {  	v4 =	vadd.s32 v1, v4;
	_ =	sdelay $0x3  }
0x1df: {  	s12 =	simm.s32 $0xF200;
	v3 =	vperm.xlane v3, v2  }
0x1e0: {  	[tilespmem:s12], [sflag:$0x1] =	stream.indirect_vreg.gather [hbm4b:s4+s2], $0x80, v4, vm0, $0xb8;
	[tilespmem:$0x14200] =	vst v63  }
0x1e1: {  	v3 =	vadd.s32 v1, v3;
	s12 =	simm.s32 $0xFA00  }
0x1e2: {  	[tilespmem:s12], [sflag:$0x1] =	stream.indirect_vreg.gather [hbm4b:s5+s2], $0x80, v4, vm0, $0xb8;
	[tilespmem:$0x14200] =	vst v63  }
0x1e3: {  	s12 =	simm.s32 $0x10200  }
0x1e4: {  	[tilespmem:s12], [sflag:$0x1] =	stream.indirect_vreg.gather [hbm4b:s6+s2], $0x80, v4, vm1, $0xb8;
	[tilespmem:$0x14200] =	vst v63  }
0x1e5: {  	s12 =	simm.s32 $0x10600  }
0x1e6: {  	[tilespmem:s12], [sflag:$0x1] =	stream.indirect_vreg.gather [hbm4b:s4+s2], $0x80, v3, vm0, $0xb8;
	[tilespmem:$0x14200] =	vst v63  }
0x1e7: {  	s12 =	simm.s32 $0x10E00  }
0x1e8: {  	[tilespmem:s12], [sflag:$0x1] =	stream.indirect_vreg.gather [hbm4b:s5+s2], $0x80, v3, vm0, $0xb8;
	[tilespmem:$0x14200] =	vst v63  }
0x1e9: {  	s12 =	simm.s32 $0x11600  }
0x1ea: {  	[tilespmem:s12], [sflag:$0x1] =	stream.indirect_vreg.gather [hbm4b:s6+s2], $0x80, v3, vm1, $0xb8;
	[tilespmem:$0x14200] =	vst v63  }
0x1eb: {  	v3 =	vld [tilespmem:$0x170];
	_ =	sdelay $0x4  }
0x1ec: {  	v55 =	vshrl.u32 v3, $0x3  }
0x1ed: {  	v4 =	vmul.u32 $0x28, v55  }
0x1ee: {  	v3 =	vand.u32 $0x7, v3  }
0x1ef: {  	v3 =	vor.u32 v3, v4  }
0x1f0: {  	v4 =	vperm.xlane v3, v0;
	_ =	sdelay $0x1  }
0x1f1: {  	v4 =	vadd.s32 v1, v4;
	_ =	sdelay $0x3  }
0x1f2: {  	s12 =	simm.s32 $0x11A00;
	v3 =	vperm.xlane v3, v2  }
0x1f3: {  	[tilespmem:s12], [sflag:$0x1] =	stream.indirect_vreg.gather [hbm4b:s4+s2], $0x80, v4, vm0, $0xb8;
	[tilespmem:$0x14200] =	vst v63  }
0x1f4: {  	v3 =	vadd.s32 v1, v3;
	s12 =	simm.s32 $0x12200  }
0x1f5: {  	[tilespmem:s12], [sflag:$0x1] =	stream.indirect_vreg.gather [hbm4b:s5+s2], $0x80, v4, vm0, $0xb8;
	[tilespmem:$0x14200] =	vst v63  }
0x1f6: {  	s12 =	simm.s32 $0x12A00  }
0x1f7: {  	[tilespmem:s12], [sflag:$0x1] =	stream.indirect_vreg.gather [hbm4b:s6+s2], $0x80, v4, vm1, $0xb8;
	[tilespmem:$0x14200] =	vst v63  }
0x1f8: {  	s12 =	simm.s32 $0x12E00  }
0x1f9: {  	[tilespmem:s12], [sflag:$0x1] =	stream.indirect_vreg.gather [hbm4b:s4+s2], $0x80, v3, vm0, $0xb8;
	[tilespmem:$0x14200] =	vst v63  }
0x1fa: {  	s12 =	simm.s32 $0x13600  }
0x1fb: {  	[tilespmem:s12], [sflag:$0x1] =	stream.indirect_vreg.gather [hbm4b:s5+s2], $0x80, v3, vm0, $0xb8;
	[tilespmem:$0x14200] =	vst v63  }
0x1fc: {  	s12 =	simm.s32 $0x13E00  }
0x1fd: {  	[tilespmem:s12], [sflag:$0x1] =	stream.indirect_vreg.gather [hbm4b:s6+s2], $0x80, v3, vm1, $0xb8;
	[tilespmem:$0x14200] =	vst v63  }
0x1fe: {  	_ =	swait.ge [sflag:s3], $0xA000  }
0x1ff: {  	[sflag:s3] =	ssyncset.done $0x0  }
0x200: {  	s12 =	rddreg [dreg:$0x7];
	[sflag:s3] =	ssyncadd.s32 $0xFFFF6000  }
0x201: {  	[hbm4b:s12+s2] =	stream.linear.scatter [tilespmem:s8], [sflag:$0x3], $0xA000, $0x38;
	[tilespmem:$0x14200] =	vst v63  }
0x202: {  	_ =	swait.ge [sflag:s10], $0xA000  }
0x203: {  	[sflag:s10] =	ssyncset.done $0x0  }
0x204: {  	[sflag:s10] =	ssyncadd.s32 $0xFFFF6000  }
0x205: {  	v3 =	vld [tilespmem:$0x180];
	_ =	sdelay $0x4  }
0x206: {  	v56 =	vshrl.u32 v3, $0x3  }
0x207: {  	v4 =	vmul.u32 $0x28, v56  }
0x208: {  	v3 =	vand.u32 $0x7, v3  }
0x209: {  	v3 =	vor.u32 v3, v4  }
0x20a: {  	v4 =	vperm.xlane v3, v0;
	_ =	sdelay $0x1  }
0x20b: {  	v4 =	vadd.s32 v1, v4;
	_ =	sdelay $0x3  }
0x20c: {  	v3 =	vperm.xlane v3, v2  }
0x20d: {  	[tilespmem:s16], [sflag:$0x1] =	stream.indirect_vreg.gather [hbm4b:s4+s2], $0x80, v4, vm0, $0xb8;
	[tilespmem:$0x14200] =	vst v63  }
0x20e: {  	s0 =	simm.s32 $0xA00;
	v3 =	vadd.s32 v1, v3  }
0x20f: {  	[tilespmem:s0], [sflag:$0x1] =	stream.indirect_vreg.gather [hbm4b:s5+s2], $0x80, v4, vm0, $0xb8;
	[tilespmem:$0x14200] =	vst v63  }
0x210: {  	s1 =	simm.s32 $0x1200  }
0x211: {  	[tilespmem:s1], [sflag:$0x1] =	stream.indirect_vreg.gather [hbm4b:s6+s2], $0x80, v4, vm1, $0xb8;
	[tilespmem:$0x14200] =	vst v63  }
0x212: {  	s9 =	simm.s32 $0x1600  }
0x213: {  	[tilespmem:s9], [sflag:$0x1] =	stream.indirect_vreg.gather [hbm4b:s4+s2], $0x80, v3, vm0, $0xb8;
	[tilespmem:$0x14200] =	vst v63  }
0x214: {  	s17 =	simm.s32 $0x1E00  }
0x215: {  	[tilespmem:s17], [sflag:$0x1] =	stream.indirect_vreg.gather [hbm4b:s5+s2], $0x80, v3, vm0, $0xb8;
	[tilespmem:$0x14200] =	vst v63  }
0x216: {  	s12 =	simm.s32 $0x2600  }
0x217: {  	[tilespmem:s12], [sflag:$0x1] =	stream.indirect_vreg.gather [hbm4b:s6+s2], $0x80, v3, vm1, $0xb8;
	[tilespmem:$0x14200] =	vst v63  }
0x218: {  	v3 =	vld [tilespmem:$0x190];
	_ =	sdelay $0x4  }
0x219: {  	v57 =	vshrl.u32 v3, $0x3  }
0x21a: {  	v4 =	vmul.u32 $0x28, v57  }
0x21b: {  	v3 =	vand.u32 $0x7, v3  }
0x21c: {  	v3 =	vor.u32 v3, v4  }
0x21d: {  	v4 =	vperm.xlane v3, v0;
	_ =	sdelay $0x1  }
0x21e: {  	v4 =	vadd.s32 v1, v4;
	_ =	sdelay $0x3  }
0x21f: {  	s17 =	simm.s32 $0x2A00;
	v3 =	vperm.xlane v3, v2  }
0x220: {  	[tilespmem:s17], [sflag:$0x1] =	stream.indirect_vreg.gather [hbm4b:s4+s2], $0x80, v4, vm0, $0xb8;
	[tilespmem:$0x14200] =	vst v63  }
0x221: {  	s20 =	simm.s32 $0x3200;
	v3 =	vadd.s32 v1, v3  }
0x222: {  	[tilespmem:s20], [sflag:$0x1] =	stream.indirect_vreg.gather [hbm4b:s5+s2], $0x80, v4, vm0, $0xb8;
	[tilespmem:$0x14200] =	vst v63  }
0x223: {  	s21 =	simm.s32 $0x3A00  }
0x224: {  	[tilespmem:s21], [sflag:$0x1] =	stream.indirect_vreg.gather [hbm4b:s6+s2], $0x80, v4, vm1, $0xb8;
	[tilespmem:$0x14200] =	vst v63  }
0x225: {  	s22 =	simm.s32 $0x3E00  }
0x226: {  	[tilespmem:s22], [sflag:$0x1] =	stream.indirect_vreg.gather [hbm4b:s4+s2], $0x80, v3, vm0, $0xb8;
	[tilespmem:$0x14200] =	vst v63  }
0x227: {  	s23 =	simm.s32 $0x4600  }
0x228: {  	[tilespmem:s23], [sflag:$0x1] =	stream.indirect_vreg.gather [hbm4b:s5+s2], $0x80, v3, vm0, $0xb8;
	[tilespmem:$0x14200] =	vst v63  }
0x229: {  	s22 =	simm.s32 $0x4E00  }
0x22a: {  	[tilespmem:s22], [sflag:$0x1] =	stream.indirect_vreg.gather [hbm4b:s6+s2], $0x80, v3, vm1, $0xb8;
	[tilespmem:$0x14200] =	vst v63  }
0x22b: {  	v3 =	vld [tilespmem:$0x1A0];
	_ =	sdelay $0x4  }
0x22c: {  	v58 =	vshrl.u32 v3, $0x3  }
0x22d: {  	v4 =	vmul.u32 $0x28, v58  }
0x22e: {  	v3 =	vand.u32 $0x7, v3  }
0x22f: {  	v3 =	vor.u32 v3, v4  }
0x230: {  	v4 =	vperm.xlane v3, v0;
	_ =	sdelay $0x1  }
0x231: {  	v4 =	vadd.s32 v1, v4;
	_ =	sdelay $0x3  }
0x232: {  	s23 =	simm.s32 $0x5200;
	v3 =	vperm.xlane v3, v2  }
0x233: {  	[tilespmem:s23], [sflag:$0x1] =	stream.indirect_vreg.gather [hbm4b:s4+s2], $0x80, v4, vm0, $0xb8;
	[tilespmem:$0x14200] =	vst v63  }
0x234: {  	s24 =	simm.s32 $0x5A00;
	v3 =	vadd.s32 v1, v3  }
0x235: {  	[tilespmem:s24], [sflag:$0x1] =	stream.indirect_vreg.gather [hbm4b:s5+s2], $0x80, v4, vm0, $0xb8;
	[tilespmem:$0x14200] =	vst v63  }
0x236: {  	s25 =	simm.s32 $0x6200  }
0x237: {  	[tilespmem:s25], [sflag:$0x1] =	stream.indirect_vreg.gather [hbm4b:s6+s2], $0x80, v4, vm1, $0xb8;
	[tilespmem:$0x14200] =	vst v63  }
0x238: {  	s26 =	simm.s32 $0x6600  }
0x239: {  	[tilespmem:s26], [sflag:$0x1] =	stream.indirect_vreg.gather [hbm4b:s4+s2], $0x80, v3, vm0, $0xb8;
	[tilespmem:$0x14200] =	vst v63  }
0x23a: {  	s28 =	simm.s32 $0x6E00  }
0x23b: {  	[tilespmem:s28], [sflag:$0x1] =	stream.indirect_vreg.gather [hbm4b:s5+s2], $0x80, v3, vm0, $0xb8;
	[tilespmem:$0x14200] =	vst v63  }
0x23c: {  	s26 =	simm.s32 $0x7600  }
0x23d: {  	[tilespmem:s26], [sflag:$0x1] =	stream.indirect_vreg.gather [hbm4b:s6+s2], $0x80, v3, vm1, $0xb8;
	[tilespmem:$0x14200] =	vst v63  }
0x23e: {  	v3 =	vld [tilespmem:$0x1B0];
	_ =	sdelay $0x4  }
0x23f: {  	v59 =	vshrl.u32 v3, $0x3  }
0x240: {  	v4 =	vmul.u32 $0x28, v59  }
0x241: {  	v3 =	vand.u32 $0x7, v3  }
0x242: {  	v3 =	vor.u32 v3, v4  }
0x243: {  	v4 =	vperm.xlane v3, v0;
	_ =	sdelay $0x1  }
0x244: {  	v4 =	vadd.s32 v1, v4;
	_ =	sdelay $0x3  }
0x245: {  	s28 =	simm.s32 $0x7A00;
	v3 =	vperm.xlane v3, v2  }
0x246: {  	[tilespmem:s28], [sflag:$0x1] =	stream.indirect_vreg.gather [hbm4b:s4+s2], $0x80, v4, vm0, $0xb8;
	[tilespmem:$0x14200] =	vst v63  }
0x247: {  	s29 =	simm.s32 $0x8200;
	v3 =	vadd.s32 v1, v3  }
0x248: {  	[tilespmem:s29], [sflag:$0x1] =	stream.indirect_vreg.gather [hbm4b:s5+s2], $0x80, v4, vm0, $0xb8;
	[tilespmem:$0x14200] =	vst v63  }
0x249: {  	s30 =	simm.s32 $0x8A00  }
0x24a: {  	[tilespmem:s30], [sflag:$0x1] =	stream.indirect_vreg.gather [hbm4b:s6+s2], $0x80, v4, vm1, $0xb8;
	[tilespmem:$0x14200] =	vst v63  }
0x24b: {  	s13 =	simm.s32 $0x8E00  }
0x24c: {  	[tilespmem:s13], [sflag:$0x1] =	stream.indirect_vreg.gather [hbm4b:s4+s2], $0x80, v3, vm0, $0xb8;
	[tilespmem:$0x14200] =	vst v63  }
0x24d: {  	s14 =	simm.s32 $0x9600  }
0x24e: {  	[tilespmem:s14], [sflag:$0x1] =	stream.indirect_vreg.gather [hbm4b:s5+s2], $0x80, v3, vm0, $0xb8;
	[tilespmem:$0x14200] =	vst v63  }
0x24f: {  	s30 =	simm.s32 $0x9E00  }
0x250: {  	[tilespmem:s30], [sflag:$0x1] =	stream.indirect_vreg.gather [hbm4b:s6+s2], $0x80, v3, vm1, $0xb8;
	[tilespmem:$0x14200] =	vst v63  }
0x251: {  	_ =	swait.ge [sflag:s3], $0xA000  }
0x252: {  	[sflag:s3] =	ssyncset.done $0x0  }
0x253: {  	s0 =	rddreg [dreg:$0x8];
	[sflag:s3] =	ssyncadd.s32 $0xFFFF6000  }
0x254: {  	[hbm4b:s0+s2] =	stream.linear.scatter [tilespmem:s16], [sflag:$0x2], $0xA000, $0x38;
	[tilespmem:$0x14200] =	vst v63  }
0x255: {  	_ =	swait.ge [sflag:s11], $0xA000  }
0x256: {  	[sflag:s11] =	ssyncset.done $0x0  }
0x257: {  	[sflag:s11] =	ssyncadd.s32 $0xFFFF6000  }
0x258: {  	v3 =	vld [tilespmem:$0x1C0];
	_ =	sdelay $0x4  }
0x259: {  	v60 =	vshrl.u32 v3, $0x3  }
0x25a: {  	v4 =	vmul.u32 $0x28, v60  }
0x25b: {  	v3 =	vand.u32 $0x7, v3  }
0x25c: {  	v3 =	vor.u32 v3, v4  }
0x25d: {  	v4 =	vperm.xlane v3, v0;
	_ =	sdelay $0x1  }
0x25e: {  	v4 =	vadd.s32 v1, v4;
	_ =	sdelay $0x3  }
0x25f: {  	v3 =	vperm.xlane v3, v2  }
0x260: {  	[tilespmem:s8], [sflag:$0x1] =	stream.indirect_vreg.gather [hbm4b:s4+s2], $0x80, v4, vm0, $0xb8;
	[tilespmem:$0x14200] =	vst v63  }
0x261: {  	s31 =	simm.s32 $0xAA00;
	v3 =	vadd.s32 v1, v3  }
0x262: {  	[tilespmem:s31], [sflag:$0x1] =	stream.indirect_vreg.gather [hbm4b:s5+s2], $0x80, v4, vm0, $0xb8;
	[tilespmem:$0x14200] =	vst v63  }
0x263: {  	s15 =	simm.s32 $0xB200  }
0x264: {  	[tilespmem:s15], [sflag:$0x1] =	stream.indirect_vreg.gather [hbm4b:s6+s2], $0x80, v4, vm1, $0xb8;
	[tilespmem:$0x14200] =	vst v63  }
0x265: {  	s18 =	simm.s32 $0xB600  }
0x266: {  	[tilespmem:s18], [sflag:$0x1] =	stream.indirect_vreg.gather [hbm4b:s4+s2], $0x80, v3, vm0, $0xb8;
	[tilespmem:$0x14200] =	vst v63  }
0x267: {  	s19 =	simm.s32 $0xBE00  }
0x268: {  	[tilespmem:s19], [sflag:$0x1] =	stream.indirect_vreg.gather [hbm4b:s5+s2], $0x80, v3, vm0, $0xb8;
	[tilespmem:$0x14200] =	vst v63  }
0x269: {  	s1 =	simm.s32 $0xC600  }
0x26a: {  	[tilespmem:s1], [sflag:$0x1] =	stream.indirect_vreg.gather [hbm4b:s6+s2], $0x80, v3, vm1, $0xb8;
	[tilespmem:$0x14200] =	vst v63  }
0x26b: {  	v3 =	vld [tilespmem:$0x1D0];
	_ =	sdelay $0x4  }
0x26c: {  	v61 =	vshrl.u32 v3, $0x3  }
0x26d: {  	v4 =	vmul.u32 $0x28, v61  }
0x26e: {  	v3 =	vand.u32 $0x7, v3  }
0x26f: {  	v3 =	vor.u32 v3, v4  }
0x270: {  	v4 =	vperm.xlane v3, v0;
	_ =	sdelay $0x1  }
0x271: {  	v4 =	vadd.s32 v1, v4;
	_ =	sdelay $0x3  }
0x272: {  	s9 =	simm.s32 $0xCA00;
	v3 =	vperm.xlane v3, v2  }
0x273: {  	[tilespmem:s9], [sflag:$0x1] =	stream.indirect_vreg.gather [hbm4b:s4+s2], $0x80, v4, vm0, $0xb8;
	[tilespmem:$0x14200] =	vst v63  }
0x274: {  	s12 =	simm.s32 $0xD200;
	v3 =	vadd.s32 v1, v3  }
0x275: {  	[tilespmem:s12], [sflag:$0x1] =	stream.indirect_vreg.gather [hbm4b:s5+s2], $0x80, v4, vm0, $0xb8;
	[tilespmem:$0x14200] =	vst v63  }
0x276: {  	s13 =	simm.s32 $0xDA00  }
0x277: {  	[tilespmem:s13], [sflag:$0x1] =	stream.indirect_vreg.gather [hbm4b:s6+s2], $0x80, v4, vm1, $0xb8;
	[tilespmem:$0x14200] =	vst v63  }
0x278: {  	s14 =	simm.s32 $0xDE00  }
0x279: {  	[tilespmem:s14], [sflag:$0x1] =	stream.indirect_vreg.gather [hbm4b:s4+s2], $0x80, v3, vm0, $0xb8;
	[tilespmem:$0x14200] =	vst v63  }
0x27a: {  	s15 =	simm.s32 $0xE600  }
0x27b: {  	[tilespmem:s15], [sflag:$0x1] =	stream.indirect_vreg.gather [hbm4b:s5+s2], $0x80, v3, vm0, $0xb8;
	[tilespmem:$0x14200] =	vst v63  }
0x27c: {  	s17 =	simm.s32 $0xEE00  }
0x27d: {  	[tilespmem:s17], [sflag:$0x1] =	stream.indirect_vreg.gather [hbm4b:s6+s2], $0x80, v3, vm1, $0xb8;
	[tilespmem:$0x14200] =	vst v63  }
0x27e: {  	v3 =	vld [tilespmem:$0x1E0];
	_ =	sdelay $0x4  }
0x27f: {  	v62 =	vshrl.u32 v3, $0x3  }
0x280: {  	v4 =	vmul.u32 $0x28, v62  }
0x281: {  	v3 =	vand.u32 $0x7, v3  }
0x282: {  	v3 =	vor.u32 v3, v4  }
0x283: {  	v4 =	vperm.xlane v3, v0;
	_ =	sdelay $0x1  }
0x284: {  	v4 =	vadd.s32 v1, v4;
	_ =	sdelay $0x3  }
0x285: {  	s18 =	simm.s32 $0xF200;
	v3 =	vperm.xlane v3, v2  }
0x286: {  	[tilespmem:s18], [sflag:$0x1] =	stream.indirect_vreg.gather [hbm4b:s4+s2], $0x80, v4, vm0, $0xb8;
	[tilespmem:$0x14200] =	vst v63  }
0x287: {  	s19 =	simm.s32 $0xFA00;
	v3 =	vadd.s32 v1, v3  }
0x288: {  	[tilespmem:s19], [sflag:$0x1] =	stream.indirect_vreg.gather [hbm4b:s5+s2], $0x80, v4, vm0, $0xb8;
	[tilespmem:$0x14200] =	vst v63  }
0x289: {  	s20 =	simm.s32 $0x10200  }
0x28a: {  	[tilespmem:s20], [sflag:$0x1] =	stream.indirect_vreg.gather [hbm4b:s6+s2], $0x80, v4, vm1, $0xb8;
	[tilespmem:$0x14200] =	vst v63  }
0x28b: {  	s21 =	simm.s32 $0x10600  }
0x28c: {  	[tilespmem:s21], [sflag:$0x1] =	stream.indirect_vreg.gather [hbm4b:s4+s2], $0x80, v3, vm0, $0xb8;
	[tilespmem:$0x14200] =	vst v63  }
0x28d: {  	s22 =	simm.s32 $0x10E00  }
0x28e: {  	[tilespmem:s22], [sflag:$0x1] =	stream.indirect_vreg.gather [hbm4b:s5+s2], $0x80, v3, vm0, $0xb8;
	[tilespmem:$0x14200] =	vst v63  }
0x28f: {  	s23 =	simm.s32 $0x11600  }
0x290: {  	[tilespmem:s23], [sflag:$0x1] =	stream.indirect_vreg.gather [hbm4b:s6+s2], $0x80, v3, vm1, $0xb8;
	[tilespmem:$0x14200] =	vst v63  }
0x291: {  	v3 =	vld [tilespmem:$0x1F0];
	_ =	sdelay $0x4  }
0x292: {  	v63 =	vshrl.u32 v3, $0x3  }
0x293: {  	v4 =	vmul.u32 $0x28, v63  }
0x294: {  	v3 =	vand.u32 $0x7, v3  }
0x295: {  	v3 =	vor.u32 v3, v4  }
0x296: {  	v4 =	vperm.xlane v3, v0;
	_ =	sdelay $0x1  }
0x297: {  	v4 =	vadd.s32 v1, v4;
	_ =	sdelay $0x3  }
0x298: {  	s24 =	simm.s32 $0x11A00;
	v3 =	vperm.xlane v3, v2  }
0x299: {  	[tilespmem:s24], [sflag:$0x1] =	stream.indirect_vreg.gather [hbm4b:s4+s2], $0x80, v4, vm0, $0xb8;
	[tilespmem:$0x14200] =	vst v63  }
0x29a: {  	s25 =	simm.s32 $0x12200;
	v3 =	vadd.s32 v1, v3  }
0x29b: {  	[tilespmem:s25], [sflag:$0x1] =	stream.indirect_vreg.gather [hbm4b:s5+s2], $0x80, v4, vm0, $0xb8;
	[tilespmem:$0x14200] =	vst v63  }
0x29c: {  	s26 =	simm.s32 $0x12A00  }
0x29d: {  	[tilespmem:s26], [sflag:$0x1] =	stream.indirect_vreg.gather [hbm4b:s6+s2], $0x80, v4, vm1, $0xb8;
	[tilespmem:$0x14200] =	vst v63  }
0x29e: {  	s28 =	simm.s32 $0x12E00  }
0x29f: {  	[tilespmem:s28], [sflag:$0x1] =	stream.indirect_vreg.gather [hbm4b:s4+s2], $0x80, v3, vm0, $0xb8;
	[tilespmem:$0x14200] =	vst v63  }
0x2a0: {  	s29 =	simm.s32 $0x13600  }
0x2a1: {  	[tilespmem:s29], [sflag:$0x1] =	stream.indirect_vreg.gather [hbm4b:s5+s2], $0x80, v3, vm0, $0xb8;
	[tilespmem:$0x14200] =	vst v63  }
0x2a2: {  	s30 =	simm.s32 $0x13E00  }
0x2a3: {  	[tilespmem:s30], [sflag:$0x1] =	stream.indirect_vreg.gather [hbm4b:s6+s2], $0x80, v3, vm1, $0xb8;
	[tilespmem:$0x14200] =	vst v63  }
0x2a4: {  	_ =	swait.ge [sflag:s3], $0xA000  }
0x2a5: {  	[sflag:s3] =	ssyncset.done $0x0  }
0x2a6: {  	s31 =	rddreg [dreg:$0x9];
	[sflag:s3] =	ssyncadd.s32 $0xFFFF6000  }
0x2a7: {  	[hbm4b:s31+s2] =	stream.linear.scatter [tilespmem:s8], [sflag:$0x3], $0xA000, $0x38;
	[tilespmem:$0x14200] =	vst v63  }
0x2a8: {  	p0 =	sne.s32 s7, $0x1;
	_ =	swait.ge [sflag:s10], $0xA000  }
.Ltmp0:
0x2a9: {  	[sflag:s10] =	ssyncset.done $0x0;
	(pc) =	sbr.rel @p0 .LBB2_1-.Ltmp0, $4  }
0x2aa: {  	[sflag:s10] =	ssyncadd.s32 $0xFFFF6000  }
0x2ab: {  	_ =	swait.ge [sflag:s11], $0xA000  }
0x2ac: {  	[sflag:s11] =	ssyncset.done $0x0  }
0x2ad: {  	s7 =	sadd.s32 $0xFFFFFFFF, s7;
	[sflag:s11] =	ssyncadd.s32 $0xFFFF6000  }
0x2ae: {  	_ =	sfence.sel $0x180000  }
0x2af: {  	[bflag:$0x0] =	sbarrier.arrive $0xFFFF  }
0x2b0: {  	_ =	strace $0x90000047  }
0x2b1: {  	s0 =	stileid.u32;
	[bflag:$0x2] =	sbarrier.arrive $0xFFFF  }
0x2b2: {  	p0 =	sne.s32 s0, $0x0;
	s0 =	rddreg [dreg:$0x1]  }
0x2b3: {  	s0 =	sadd.s32 @!p0 $0x100000, s0  }
0x2b4: {  	[sflag:s0] =	ssyncadd.tile.s32 @!p0 $0x1;
	_ =	shalt  }
.Lfunc_end2:
_tile_overlayer_lowered:
.L_overlay_start_2:
0x2b5: {  	(tag) =	ssettag $0x2  }
0x2b6: {  	s0 =	rddreg [dreg:$0x0];
	s2 =	stileid.u32  }
0x2b7: {  	s1 =	rddreg [dreg:$0x1];
	p0 =	sne.s32 s2, $0x0  }
0x2b8: {  	s3 =	rddreg [dreg:$0x2];
	[bflag:$0x3] =	sbarrier.arrive $0xFFFF;
	s2 =	simm.s32 @!p0 $0x1C04  }
0x2b9: {  	[timem:s3], [sflag:s2] =	dma.local @!p0 [hbm:s0], s1  }
0x2ba: {  	s0 =	simm.s32 @!p0 $0x4  }
0x2bb: {  	_ =	swait.ge @!p0 [sflag:s0], s1  }
0x2bc: {  	s1 =	ssub.s32 @!p0 $0x0, s1;
	[sflag:s0] =	ssyncset.done @!p0 $0x0  }
0x2bd: {  	[sflag:s0] =	ssyncadd.s32 @!p0 s1  }
0x2be: {  	[bflag:$0x3] =	sbarrier.arrive $0xFFFF  }
0x2bf: {  	_ =	shalt  }

// kernel: kernel.9.cloned.1.call-start
scs
__scs_entry_jumppad:
0x0: {  	(pc) =	sbr.rel $0x88, $3  }
0x1: {  	(tag) =	ssettag $0x0;
	lr =	simm.s32 $0x1  }
0x2: {  	[smem:$0x3F89] =	sst lr;
	_ =	strace $0xD0000000  }
0x3: {  	_ = 	snop  }
0x4: {  	_ = 	snop  }
0x5: {  	_ = 	snop  }
0x6: {  	_ = 	snop  }
0x7: {  	_ = 	snop  }
__scs_overlays_trampoline_lowered:
0x8: {  	[smem:$0x3F98] =	sst s0  }
0x9: {  	[smem:$0x3F99] =	sst s1  }
0xa: {  	[smem:$0x3F9A] =	sst s2  }
0xb: {  	[smem:$0x3F9B] =	sst s3  }
0xc: {  	[smem:$0x3F9C] =	sst s4  }
0xd: {  	[smem:$0x3F9D] =	sst s5  }
0xe: {  	[smem:$0x3F9E] =	sst s6  }
0xf: {  	[smem:$0x3F9F] =	sst s7  }
0x10: {  	[smem:$0x3FA0] =	sst s8  }
0x11: {  	[smem:$0x3FA1] =	sst s9;
	s0 =	simm.s32 @!p0 $0x0  }
0x12: {  	s1 =	sld [smem:$0x3F87];
	s0 =	simm.s32 @p0 $0x1  }
0x13: {  	[smem:$0x3FA2] =	sst s0;
	s0 =	simm.s32 @!p1 $0x0  }
0x14: {  	s2 =	sld [smem:$0x3F86];
	s0 =	simm.s32 @p1 $0x1  }
0x15: {  	[smem:$0x3FA3] =	sst s0;
	s0 =	simm.s32 @!p2 $0x0  }
0x16: {  	s3 =	sld [smem:$0x3FDB];
	s0 =	simm.s32 @p2 $0x1  }
0x17: {  	s4 =	simm.s32 $0x1BF5;
	[smem:$0x3FA5] =	sst s0  }
0x18: {  	s0 =	sld [smem:$0x3F88];
	_ =	swait.ge [sflag:s4], $0x0  }
0x19: {  	s7 =	sld [smem:$0x3F89]  }
0x1a: {  	s8 =	sadd.s32 $0xFFFFE003, lr  }
0x1b: {  	s9 =	sadd.s32 $0xFFFFFEF7, lr;
	s5 =	simm.s32 $0xFFFFFFFF;
	p2 =	slt.u32 s8, $0xFFFFF086  }
0x1c: {  	p1 =	slt.u32 s9, $0xF7A;
	s5 =	simm.s32 @!p2 $0x0  }
0x1d: {  	s5 =	simm.s32 @p1 $0x1;
	p0 =	seq.s32 s7, s2  }
0x1e: {  	s7 =	smul.u32 @!p0 $0xF7A, s2;
	p2 =	seq.s32 @!p0 s5, $0x0  }
0x1f: {  	s9 =	smul.u32 $0xF7A, s1;
	s8 =	simm.s32 @!p0 $0x1BF5;
	p2 =	por !p2, p0  }
0x20: {  	[sflag:s8] =	ssyncset.s32 @!p0 $0xFFFFF086;
	s6 =	sadd.s32 @!p0 s3, s7;
	s7 =	simm.s32 @!p0 $0x108  }
0x21: {  	s3 =	sadd.s32 s3, s9;
	s6 =	sadd.s32 @!p0 $0x88, s6;
	s7 =	simm.s32 @p2 $0x1082  }
0x22: {  	[simem:s7], [sflag:s8] =	dma.local @!p0 [hbm:s6], $0xF7A  }
0x23: {  	s9 =	sor.u32 $0xD0000000, s2;
	s6 =	simm.s32 $0x108;
	_ =	swait.ge @!p0 [sflag:s8], $0x0  }
0x24: {  	s3 =	sadd.s32 $0x88, s3;
	s6 =	simm.s32 @!p1 $0x1082;
	[sflag:s4] =	ssyncset.s32 $0xFFFFF086  }
0x25: {  	[simem:s6], [sflag:s4] =	dma.local [hbm:s3], $0xF7A  }
0x26: {  	[smem:$0x3F89] =	sst s1;
	(tag) =	ssettag s2;
	_ =	strace s9  }
0x27: {  	s1 =	sld [smem:$0x3F99]  }
0x28: {  	s2 =	sld [smem:$0x3F9A]  }
0x29: {  	s4 =	sld [smem:$0x3F9C]  }
0x2a: {  	p0 =	seq.s32 s5, $0x0;
	s5 =	sld [smem:$0x3F9D]  }
0x2b: {  	s6 =	sld [smem:$0x3F9E]  }
0x2c: {  	s7 =	sld [smem:$0x3F9F]  }
0x2d: {  	s3 =	simm.s32 $0x108;
	s8 =	sld [smem:$0x3FA0]  }
0x2e: {  	s3 =	simm.s32 @!p0 $0x1082;
	s9 =	sld [smem:$0x3FA1]  }
0x2f: {  	lr =	sadd.s32 s0, s3;
	s0 =	sld [smem:$0x3F98]  }
0x30: {  	s3 =	sld [smem:$0x3F9B]  }
0x31: {  	[smem:$0x3FA4] =	sst s10  }
0x32: {  	s10 =	sld [smem:$0x3FA2];
	_ =	sdelay $0x3  }
0x33: {  	p0 =	seq.s32 s10, $0x1;
	s10 =	sld [smem:$0x3FA4];
	_ =	sdelay $0x3  }
0x34: {  	[smem:$0x3FA4] =	sst s10  }
0x35: {  	s10 =	sld [smem:$0x3FA3];
	_ =	sdelay $0x3  }
0x36: {  	p1 =	seq.s32 s10, $0x1;
	s10 =	sld [smem:$0x3FA4];
	_ =	sdelay $0x3  }
0x37: {  	[smem:$0x3FA4] =	sst s10  }
0x38: {  	s10 =	sld [smem:$0x3FA5]  }
0x39: {  	_ = 	snop;
	(pc) =	sbr.ind lr, $3  }
0x3a: {  	_ = 	snop  }
0x3b: {  	_ = 	snop  }
0x3c: {  	p2 =	seq.s32 s10, $0x1;
	s10 =	sld [smem:$0x3FA4]  }
0x3d: {  	_ =	shalt  }
0x3e: {  	_ =	shalt  }
0x3f: {  	_ =	shalt  }
0x40: {  	_ =	shalt  }
0x41: {  	_ =	shalt  }
0x42: {  	_ =	shalt  }
0x43: {  	_ =	shalt  }
0x44: {  	_ =	shalt  }
0x45: {  	_ =	shalt  }
0x46: {  	_ =	shalt  }
0x47: {  	_ =	shalt  }
0x48: {  	_ =	shalt  }
0x49: {  	_ =	shalt  }
0x4a: {  	_ =	shalt  }
0x4b: {  	_ =	shalt  }
0x4c: {  	_ =	shalt  }
0x4d: {  	_ =	shalt  }
0x4e: {  	_ =	shalt  }
0x4f: {  	_ =	shalt  }
0x50: {  	_ =	shalt  }
0x51: {  	_ =	shalt  }
0x52: {  	_ =	shalt  }
0x53: {  	_ =	shalt  }
0x54: {  	_ =	shalt  }
0x55: {  	_ =	shalt  }
0x56: {  	_ =	shalt  }
0x57: {  	_ =	shalt  }
0x58: {  	_ =	shalt  }
0x59: {  	_ =	shalt  }
0x5a: {  	_ =	shalt  }
0x5b: {  	_ =	shalt  }
0x5c: {  	_ =	shalt  }
0x5d: {  	_ =	shalt  }
0x5e: {  	_ =	shalt  }
0x5f: {  	_ =	shalt  }
0x60: {  	_ =	shalt  }
0x61: {  	_ =	shalt  }
0x62: {  	_ =	shalt  }
0x63: {  	_ =	shalt  }
0x64: {  	_ =	shalt  }
0x65: {  	_ =	shalt  }
0x66: {  	_ =	shalt  }
0x67: {  	_ =	shalt  }
0x68: {  	_ =	shalt  }
0x69: {  	_ =	shalt  }
0x6a: {  	_ =	shalt  }
0x6b: {  	_ =	shalt  }
0x6c: {  	_ =	shalt  }
0x6d: {  	_ =	shalt  }
0x6e: {  	_ =	shalt  }
0x6f: {  	_ =	shalt  }
0x70: {  	_ =	shalt  }
0x71: {  	_ =	shalt  }
0x72: {  	_ =	shalt  }
0x73: {  	_ =	shalt  }
0x74: {  	_ =	shalt  }
0x75: {  	_ =	shalt  }
0x76: {  	_ =	shalt  }
0x77: {  	_ =	shalt  }
0x78: {  	_ =	shalt  }
0x79: {  	_ =	shalt  }
0x7a: {  	_ =	shalt  }
0x7b: {  	_ =	shalt  }
0x7c: {  	_ =	shalt  }
0x7d: {  	_ =	shalt  }
0x7e: {  	_ =	shalt  }
0x7f: {  	_ =	shalt  }
0x80: {  	_ =	shalt  }
0x81: {  	_ =	shalt  }
0x82: {  	_ =	shalt  }
0x83: {  	_ =	shalt  }
0x84: {  	_ =	shalt  }
0x85: {  	_ =	shalt  }
0x86: {  	_ =	shalt  }
0x87: {  	_ =	shalt  }
.Lfunc_end0:
.L_simem_size_0:
called_computation_lowered:
.L_overlay_start_0:
0x88: {  	s2 =	sld [smem:$0x3FD9]  }
0x89: {  	s3 =	sld [smem:$0x3FFE];
	_ =	sdelay $0x1  }
0x8a: {  	s1 =	srdreg.scid  }
0x8b: {  	s0 =	sand.u32 $0x1, s1  }
0x8c: {  	s17 =	sshll.u32 s0, $0xA;
	s2 =	sadd.s32 s3, s2  }
0x8d: {  	s2 =	sadd.s32 s2, s17  }
0x8e: {  	[smem:$0x3FB0] =	sst s2  }
0x8f: {  	_ = 	snop  }
0x90: {  	(tm) =	ssettm $0x1  }
0x91: {  	s18 =	sld [smem:$0x3FFB];
	_ =	sdelay $0x3  }
0x92: {  	_ =	strace s18  }
0x93: {  	s2 =	sld [smem:$0x3FFC];
	_ =	sdelay $0x3  }
0x94: {  	_ =	strace s2  }
0x95: {  	s2 =	sld [smem:$0x3FFD];
	_ =	sdelay $0x3  }
0x96: {  	_ =	strace s2  }
0x97: {  	_ =	strace $0x8FFFFFFF  }
0x98: {  	s19 =	sld [smem:$0x3FDB];
	_ =	sdelay $0x1  }
0x99: {  	s20 =	simm.s32 $_scs_section_size  }
0x9a: {  	s4 =	simm.s32 $_size__tile_overlayer_lowered;
	s5 =	simm.s32 $_tile_overlayer_lowered  }
0x9b: {  	s6 =	simm.s32 $0x1BFF;
	s21 =	sshll.u32 s5, $0x1;
	s3 =	sadd.s32 s20, s19  }
0x9c: {  	s22 =	simm.s32 $0x0;
	s4 =	sshll.u32 s4, $0x1;
	s5 =	sadd.s32 s21, s3  }
0x9d: {  	[timem:s22], [sflag:s6] =	dma.local [hbm:s5], s4  }
0x9e: {  	_ =	swait.ge [sflag:s6], s4  }
0x9f: {  	s4 =	ssub.s32 $0x0, s4;
	[sflag:s6] =	ssyncset.done $0x0  }
0xa0: {  	[sflag:s6] =	ssyncadd.s32 s4;
	_ =	sdelay $0x1  }
0xa1: {  	s23 =	simm.s32 $0x1B8B  }
0xa2: {  	_ =	swait.ge [sflag:s23], $0x1  }
0xa3: {  	[sflag:s23] =	ssyncset.done $0x0  }
0xa4: {  	[sflag:s23] =	ssyncadd.s32 $0xFFFFFFFF  }
0xa5: {  	s4 =	sld [smem:$0x0]  }
0xa6: {  	s5 =	sand.u32 $0xFFFFFFFE, s1  }
0xa7: {  	p0 =	sne.s32 s1, s5  }
0xa8: {  	s5 =	sshll.u32 @p0 s5, $0xE  }
0xa9: {  	s5 =	sadd.s32 @p0 $0x11B8D, s5;
	s6 =	sshll.u32 @p0 s4, $0x11  }
0xaa: {  	s5 =	sor.u32 @p0 s6, s5  }
0xab: {  	[sflag:s5] =	ssyncadd.remote.s32 @p0 $0x1;
	_ =	sdelay $0x1  }
0xac: {  	s5 =	simm.s32 @p0 $0x1B8D  }
0xad: {  	_ =	swait.eq @p0 [sflag:s5], $0x1  }
0xae: {  	[sflag:s5] =	ssyncadd.s32 @p0 $0xFFFFFFFF  }
0xaf: {  	s6 =	sshll.u32 @!p0 s1, $0xE  }
0xb0: {  	s6 =	sor.u32 @!p0 $0x4000, s6;
	s5 =	simm.s32 @!p0 $0x1B8D  }
0xb1: {  	s4 =	sshll.u32 @!p0 s4, $0x11;
	s6 =	sadd.s32 @!p0 $0x11B8D, s6;
	_ =	swait.eq @!p0 [sflag:s5], $0x1  }
0xb2: {  	s4 =	sor.u32 @!p0 s4, s6;
	[sflag:s5] =	ssyncadd.s32 @!p0 $0xFFFFFFFF  }
0xb3: {  	s25 =	simm.s32 $0x1B8E;
	s24 =	sld [smem:$0x3FFE];
	[sflag:s4] =	ssyncadd.remote.s32 @!p0 $0x1  }
0xb4: {  	s26 =	simm.s32 $execute0_lowered;
	[smem:$0x3FD2] =	sst s25  }
0xb5: {  	s5 =	sshll.u32 s26, $0x1;
	_ =	strace $0x80000049;
	[dreg:$0x1] =	wrdreg $0xFFFFFFFF  }
0xb6: {  	s28 =	simm.s32 $_size_execute0_lowered;
	s3 =	sadd.s32 s3, s5;
	[dreg:$0x0] =	wrdreg $0x0  }
0xb7: {  	s5 =	sshll.u32 s28, $0x1;
	[dreg:$0x2] =	wrdreg s3  }
0xb8: {  	[dreg:$0x3] =	wrdreg s5  }
0xb9: {  	[dreg:$0x4] =	wrdreg $0xC0  }
0xba: {  	_ =	task [dreg:s22], $0x5FFFF  }
0xbb: {  	[dreg:$0x1] =	wrdreg $0xFFFFFFFF  }
0xbc: {  	[dreg:$0x0] =	wrdreg $0x60  }
0xbd: {  	[dreg:$0x2] =	wrdreg s24  }
0xbe: {  	[dreg:$0x3] =	wrdreg $0x9  }
0xbf: {  	_ =	task.clear_ibuf [dreg:s22], $0x4FFFF;
	_ =	strace $0x90000049  }
0xc0: {  	s29 =	simm.s32 $0x9;
	_ =	strace $0x8000004B  }
0xc1: {  	_ =	swait.ge [sflag:s29], $0x1  }
0xc2: {  	[sflag:s29] =	ssyncadd.s32 $0xFFFFFFFF  }
0xc3: {  	_ =	strace $0x9000004B  }
0xc4: {  	_ =	sfence  }
0xc5: {  	s30 =	sld [smem:$0x0];
	_ =	sdelay $0x2  }
0xc6: {  	s31 =	sshll.u32 s1, $0xD;
	s1 =	sshrl.u32 s1, $0x2  }
0xc7: {  	s4 =	sand.u32 $0x4000, s31;
	s1 =	sadd.s32 s1, s30  }
0xc8: {  	s0 =	sor.u32 s4, s0;
	s1 =	sshll.u32 s1, $0x11  }
0xc9: {  	s0 =	sor.u32 s1, s0  }
0xca: {  	s0 =	sadd.s32 $0x8F2B, s0  }
0xcb: {  	[sflag:s0] =	ssyncadd.remote.s32 $0x1  }
0xcc: {  	_ =	sfence.sel $0xFFFF  }
0xcd: {  	[dreg:$0x0] =	wrdreg $0xFFFFFFFF;
	(pc) =	sbr.abs _section_cstart, $3  }
0xce: {  	[dreg:$0x1] =	wrdreg $0xFFFFFFFF  }
0xcf: {  	_ =	task.clear_ibuf [dreg:s22], $0x2FFFF;
	_ =	strace $0x9FFFFFFF  }
0xd0: {  	(tm) =	ssettm $0x7FFFFFFF  }
0xd1: {  	_ =	shalt  }
tec
execute0_lowered:
.L_overlay_start_1:
0x0: {  	(tag) =	ssettag $0x1  }
0x1: {  	s0 =	srdreg.scid  }
0x2: {  	s1 =	stileid.u32;
	s3 =	rddreg [dreg:$0x0];
	s0 =	sand.u32 $0x1, s0  }
0x3: {  	s16 =	simm.s32 $0x200;
	s1 =	sshll.u32 s1, $0x7;
	s2 =	sshll.u32 s0, $0x6  }
0x4: {  	s8 =	simm.s32 $0xA200;
	s10 =	simm.s32 $0x2;
	s1 =	sor.u32 s2, s1  }
0x5: {  	s6 =	sadd.s32 $0x16C600, s3;
	s2 =	simm.s32 $0x0;
	s4 =	smul.u32 $0x280, s1  }
0x6: {  	[smem:$0x7FF] =	sst s2;
	s5 =	smul.u32 $0x1400, s1;
	s1 =	sadd.s32 s1, s3  }
0x7: {  	s11 =	simm.s32 $0x3;
	_ =	strace $0x8000004A;
	s1 =	sadd.s32 $0x16BE00, s1  }
0x8: {  	s7 =	sadd.s32 s6, s4;
	s21 =	sshrl.u32 s5, $0x3;
	[dreg:$0x2] =	wrdreg s1  }
0x9: {  	[dreg:$0xa] =	wrdreg s7;
	s22 =	sadd.s32 $0x1400, s7;
	s23 =	sadd.s32 s6, s21  }
0xa: {  	s0 =	ssub.s32 $0x2, s0;
	[dreg:$0x3] =	wrdreg s22;
	s24 =	sadd.s32 $0x2800, s23  }
0xb: {  	s26 =	sshrl.u32 s0, $0x1;
	s25 =	sadd.s32 $0x3C00, s23;
	[dreg:$0x4] =	wrdreg s24  }
0xc: {  	s0 =	ssub.s32 s0, s26;
	s28 =	sadd.s32 $0x5000, s23;
	[dreg:$0x5] =	wrdreg s25  }
0xd: {  	s4 =	sadd.s32 $0x3E00, s3;
	s29 =	sadd.s32 $0x6400, s23;
	[dreg:$0x6] =	wrdreg s28  }
0xe: {  	v2 =	vlaneseq.u32;
	s5 =	sadd.s32 $0x3F00, s3;
	s30 =	sadd.s32 $0x7800, s23;
	[dreg:$0x7] =	wrdreg s29  }
0xf: {  	vm0 =	vmmov $0xffff;
	vm1 =	vmmov $0xff;
	v1 =	vshrl.u32 v2, $0x3;
	s6 =	sadd.s32 $0x4000, s3;
	s31 =	sadd.s32 $0x8C00, s23;
	[dreg:$0x8] =	wrdreg s30  }
0x10: {  	v0 =	vand.u32 $0x7, v2;
	v2 =	vor.u32 $0x8, v2;
	v1 =	vmul.u32 $0x8, v1;
	s7 =	smax.u32 s0, $0x1;
	s3 =	simm.s32 $0x1;
	[dreg:$0x9] =	wrdreg s31  }
.LBB2_1:
0x11: {  	s12 =	rddreg [dreg:$0x2];
	s23 =	simm.s32 $0x4  }
0x12: {  	[tilespmem:s2], [sflag:$0x4] =	stream.linear.gather [hbm4b:s12+s2], $0x200, $0x38;
	[tilespmem:$0x14200] =	vst v63  }
0x13: {  	_ =	swait.ge [sflag:s23], $0x200  }
0x14: {  	[sflag:s23] =	ssyncset.done $0x0  }
0x15: {  	[sflag:s23] =	ssyncadd.s32 $0xFFFFFE00  }
0x16: {  	v3 =	vld [tilespmem:$0x0];
	_ =	sdelay $0x4  }
0x17: {  	v4 =	vshrl.u32 v3, $0x3  }
0x18: {  	v4 =	vmul.u32 $0x28, v4  }
0x19: {  	v3 =	vand.u32 $0x7, v3  }
0x1a: {  	v3 =	vor.u32 v3, v4  }
0x1b: {  	v4 =	vperm.xlane v3, v0;
	_ =	sdelay $0x1  }
0x1c: {  	v4 =	vadd.s32 v1, v4;
	_ =	sdelay $0x3  }
0x1d: {  	v3 =	vperm.xlane v3, v2  }
0x1e: {  	[tilespmem:s16], [sflag:$0x1] =	stream.indirect_vreg.gather [hbm4b:s4+s2], $0x80, v4, vm0, $0xb8;
	[tilespmem:$0x14200] =	vst v63  }
0x1f: {  	s0 =	simm.s32 $0xA00;
	v3 =	vadd.s32 v1, v3  }
0x20: {  	[tilespmem:s0], [sflag:$0x1] =	stream.indirect_vreg.gather [hbm4b:s5+s2], $0x80, v4, vm0, $0xb8;
	[tilespmem:$0x14200] =	vst v63  }
0x21: {  	s24 =	simm.s32 $0x1200  }
0x22: {  	[tilespmem:s24], [sflag:$0x1] =	stream.indirect_vreg.gather [hbm4b:s6+s2], $0x80, v4, vm1, $0xb8;
	[tilespmem:$0x14200] =	vst v63  }
0x23: {  	s25 =	simm.s32 $0x1600  }
0x24: {  	[tilespmem:s25], [sflag:$0x1] =	stream.indirect_vreg.gather [hbm4b:s4+s2], $0x80, v3, vm0, $0xb8;
	[tilespmem:$0x14200] =	vst v63  }
0x25: {  	s26 =	simm.s32 $0x1E00  }
0x26: {  	[tilespmem:s26], [sflag:$0x1] =	stream.indirect_vreg.gather [hbm4b:s5+s2], $0x80, v3, vm0, $0xb8;
	[tilespmem:$0x14200] =	vst v63  }
0x27: {  	s28 =	simm.s32 $0x2600  }
0x28: {  	[tilespmem:s28], [sflag:$0x1] =	stream.indirect_vreg.gather [hbm4b:s6+s2], $0x80, v3, vm1, $0xb8;
	[tilespmem:$0x14200] =	vst v63  }
0x29: {  	v3 =	vld [tilespmem:$0x10];
	_ =	sdelay $0x4  }
0x2a: {  	v33 =	vshrl.u32 v3, $0x3  }
0x2b: {  	v4 =	vmul.u32 $0x28, v33  }
0x2c: {  	v3 =	vand.u32 $0x7, v3  }
0x2d: {  	v3 =	vor.u32 v3, v4  }
0x2e: {  	v4 =	vperm.xlane v3, v0;
	_ =	sdelay $0x1  }
0x2f: {  	v4 =	vadd.s32 v1, v4;
	_ =	sdelay $0x3  }
0x30: {  	s29 =	simm.s32 $0x2A00;
	v3 =	vperm.xlane v3, v2  }
0x31: {  	[tilespmem:s29], [sflag:$0x1] =	stream.indirect_vreg.gather [hbm4b:s4+s2], $0x80, v4, vm0, $0xb8;
	[tilespmem:$0x14200] =	vst v63  }
0x32: {  	s30 =	simm.s32 $0x3200;
	v3 =	vadd.s32 v1, v3  }
0x33: {  	[tilespmem:s30], [sflag:$0x1] =	stream.indirect_vreg.gather [hbm4b:s5+s2], $0x80, v4, vm0, $0xb8;
	[tilespmem:$0x14200] =	vst v63  }
0x34: {  	s31 =	simm.s32 $0x3A00  }
0x35: {  	[tilespmem:s31], [sflag:$0x1] =	stream.indirect_vreg.gather [hbm4b:s6+s2], $0x80, v4, vm1, $0xb8;
	[tilespmem:$0x14200] =	vst v63  }
0x36: {  	s1 =	simm.s32 $0x3E00  }
0x37: {  	[tilespmem:s1], [sflag:$0x1] =	stream.indirect_vreg.gather [hbm4b:s4+s2], $0x80, v3, vm0, $0xb8;
	[tilespmem:$0x14200] =	vst v63  }
0x38: {  	s9 =	simm.s32 $0x4600  }
0x39: {  	[tilespmem:s9], [sflag:$0x1] =	stream.indirect_vreg.gather [hbm4b:s5+s2], $0x80, v3, vm0, $0xb8;
	[tilespmem:$0x14200] =	vst v63  }
0x3a: {  	s12 =	simm.s32 $0x4E00  }
0x3b: {  	[tilespmem:s12], [sflag:$0x1] =	stream.indirect_vreg.gather [hbm4b:s6+s2], $0x80, v3, vm1, $0xb8;
	[tilespmem:$0x14200] =	vst v63  }
0x3c: {  	v3 =	vld [tilespmem:$0x20];
	_ =	sdelay $0x4  }
0x3d: {  	v34 =	vshrl.u32 v3, $0x3  }
0x3e: {  	v4 =	vmul.u32 $0x28, v34  }
0x3f: {  	v3 =	vand.u32 $0x7, v3  }
0x40: {  	v3 =	vor.u32 v3, v4  }
0x41: {  	v4 =	vperm.xlane v3, v0;
	_ =	sdelay $0x1  }
0x42: {  	v4 =	vadd.s32 v1, v4;
	_ =	sdelay $0x3  }
0x43: {  	s15 =	simm.s32 $0x5200;
	v3 =	vperm.xlane v3, v2  }
0x44: {  	[tilespmem:s15], [sflag:$0x1] =	stream.indirect_vreg.gather [hbm4b:s4+s2], $0x80, v4, vm0, $0xb8;
	[tilespmem:$0x14200] =	vst v63  }
0x45: {  	s17 =	simm.s32 $0x5A00;
	v3 =	vadd.s32 v1, v3  }
0x46: {  	[tilespmem:s17], [sflag:$0x1] =	stream.indirect_vreg.gather [hbm4b:s5+s2], $0x80, v4, vm0, $0xb8;
	[tilespmem:$0x14200] =	vst v63  }
0x47: {  	s18 =	simm.s32 $0x6200  }
0x48: {  	[tilespmem:s18], [sflag:$0x1] =	stream.indirect_vreg.gather [hbm4b:s6+s2], $0x80, v4, vm1, $0xb8;
	[tilespmem:$0x14200] =	vst v63  }
0x49: {  	s19 =	simm.s32 $0x6600  }
0x4a: {  	[tilespmem:s19], [sflag:$0x1] =	stream.indirect_vreg.gather [hbm4b:s4+s2], $0x80, v3, vm0, $0xb8;
	[tilespmem:$0x14200] =	vst v63  }
0x4b: {  	s20 =	simm.s32 $0x6E00  }
0x4c: {  	[tilespmem:s20], [sflag:$0x1] =	stream.indirect_vreg.gather [hbm4b:s5+s2], $0x80, v3, vm0, $0xb8;
	[tilespmem:$0x14200] =	vst v63  }
0x4d: {  	s21 =	simm.s32 $0x7600  }
0x4e: {  	[tilespmem:s21], [sflag:$0x1] =	stream.indirect_vreg.gather [hbm4b:s6+s2], $0x80, v3, vm1, $0xb8;
	[tilespmem:$0x14200] =	vst v63  }
0x4f: {  	v3 =	vld [tilespmem:$0x30];
	_ =	sdelay $0x4  }
0x50: {  	v35 =	vshrl.u32 v3, $0x3  }
0x51: {  	v4 =	vmul.u32 $0x28, v35  }
0x52: {  	v3 =	vand.u32 $0x7, v3  }
0x53: {  	v3 =	vor.u32 v3, v4  }
0x54: {  	v4 =	vperm.xlane v3, v0;
	_ =	sdelay $0x1  }
0x55: {  	v4 =	vadd.s32 v1, v4;
	_ =	sdelay $0x3  }
0x56: {  	s22 =	simm.s32 $0x7A00;
	v3 =	vperm.xlane v3, v2  }
0x57: {  	[tilespmem:s22], [sflag:$0x1] =	stream.indirect_vreg.gather [hbm4b:s4+s2], $0x80, v4, vm0, $0xb8;
	[tilespmem:$0x14200] =	vst v63  }
0x58: {  	s23 =	simm.s32 $0x8200;
	v3 =	vadd.s32 v1, v3  }
0x59: {  	[tilespmem:s23], [sflag:$0x1] =	stream.indirect_vreg.gather [hbm4b:s5+s2], $0x80, v4, vm0, $0xb8;
	[tilespmem:$0x14200] =	vst v63  }
0x5a: {  	s24 =	simm.s32 $0x8A00  }
0x5b: {  	[tilespmem:s24], [sflag:$0x1] =	stream.indirect_vreg.gather [hbm4b:s6+s2], $0x80, v4, vm1, $0xb8;
	[tilespmem:$0x14200] =	vst v63  }
0x5c: {  	s28 =	simm.s32 $0x8E00  }
0x5d: {  	[tilespmem:s28], [sflag:$0x1] =	stream.indirect_vreg.gather [hbm4b:s4+s2], $0x80, v3, vm0, $0xb8;
	[tilespmem:$0x14200] =	vst v63  }
0x5e: {  	s29 =	simm.s32 $0x9600  }
0x5f: {  	[tilespmem:s29], [sflag:$0x1] =	stream.indirect_vreg.gather [hbm4b:s5+s2], $0x80, v3, vm0, $0xb8;
	[tilespmem:$0x14200] =	vst v63  }
0x60: {  	s1 =	simm.s32 $0x9E00  }
0x61: {  	[tilespmem:s1], [sflag:$0x1] =	stream.indirect_vreg.gather [hbm4b:s6+s2], $0x80, v3, vm1, $0xb8;
	[tilespmem:$0x14200] =	vst v63  }
0x62: {  	_ =	swait.ge [sflag:s3], $0xA000  }
0x63: {  	[sflag:s3] =	ssyncset.done $0x0  }
0x64: {  	s9 =	rddreg [dreg:$0xa];
	[sflag:s3] =	ssyncadd.s32 $0xFFFF6000  }
0x65: {  	[hbm4b:s9+s2] =	stream.linear.scatter [tilespmem:s16], [sflag:$0x2], $0xA000, $0x38;
	[tilespmem:$0x14200] =	vst v63  }
0x66: {  	v3 =	vld [tilespmem:$0x40];
	_ =	sdelay $0x4  }
0x67: {  	v36 =	vshrl.u32 v3, $0x3  }
0x68: {  	v4 =	vmul.u32 $0x28, v36  }
0x69: {  	v3 =	vand.u32 $0x7, v3  }
0x6a: {  	v3 =	vor.u32 v3, v4  }
0x6b: {  	v4 =	vperm.xlane v3, v0;
	_ =	sdelay $0x1  }
0x6c: {  	v4 =	vadd.s32 v1, v4;
	_ =	sdelay $0x3  }
0x6d: {  	v3 =	vperm.xlane v3, v2  }
0x6e: {  	[tilespmem:s8], [sflag:$0x1] =	stream.indirect_vreg.gather [hbm4b:s4+s2], $0x80, v4, vm0, $0xb8;
	[tilespmem:$0x14200] =	vst v63  }
0x6f: {  	s17 =	simm.s32 $0xAA00;
	v3 =	vadd.s32 v1, v3  }
0x70: {  	[tilespmem:s17], [sflag:$0x1] =	stream.indirect_vreg.gather [hbm4b:s5+s2], $0x80, v4, vm0, $0xb8;
	[tilespmem:$0x14200] =	vst v63  }
0x71: {  	s18 =	simm.s32 $0xB200  }
0x72: {  	[tilespmem:s18], [sflag:$0x1] =	stream.indirect_vreg.gather [hbm4b:s6+s2], $0x80, v4, vm1, $0xb8;
	[tilespmem:$0x14200] =	vst v63  }
0x73: {  	s19 =	simm.s32 $0xB600  }
0x74: {  	[tilespmem:s19], [sflag:$0x1] =	stream.indirect_vreg.gather [hbm4b:s4+s2], $0x80, v3, vm0, $0xb8;
	[tilespmem:$0x14200] =	vst v63  }
0x75: {  	s20 =	simm.s32 $0xBE00  }
0x76: {  	[tilespmem:s20], [sflag:$0x1] =	stream.indirect_vreg.gather [hbm4b:s5+s2], $0x80, v3, vm0, $0xb8;
	[tilespmem:$0x14200] =	vst v63  }
0x77: {  	s21 =	simm.s32 $0xC600  }
0x78: {  	[tilespmem:s21], [sflag:$0x1] =	stream.indirect_vreg.gather [hbm4b:s6+s2], $0x80, v3, vm1, $0xb8;
	[tilespmem:$0x14200] =	vst v63  }
0x79: {  	v3 =	vld [tilespmem:$0x50];
	_ =	sdelay $0x4  }
0x7a: {  	v37 =	vshrl.u32 v3, $0x3  }
0x7b: {  	v4 =	vmul.u32 $0x28, v37  }
0x7c: {  	v3 =	vand.u32 $0x7, v3  }
0x7d: {  	v3 =	vor.u32 v3, v4  }
0x7e: {  	v4 =	vperm.xlane v3, v0;
	_ =	sdelay $0x1  }
0x7f: {  	v4 =	vadd.s32 v1, v4;
	_ =	sdelay $0x3  }
0x80: {  	s22 =	simm.s32 $0xCA00;
	v3 =	vperm.xlane v3, v2  }
0x81: {  	[tilespmem:s22], [sflag:$0x1] =	stream.indirect_vreg.gather [hbm4b:s4+s2], $0x80, v4, vm0, $0xb8;
	[tilespmem:$0x14200] =	vst v63  }
0x82: {  	s23 =	simm.s32 $0xD200;
	v3 =	vadd.s32 v1, v3  }
0x83: {  	[tilespmem:s23], [sflag:$0x1] =	stream.indirect_vreg.gather [hbm4b:s5+s2], $0x80, v4, vm0, $0xb8;
	[tilespmem:$0x14200] =	vst v63  }
0x84: {  	s24 =	simm.s32 $0xDA00  }
0x85: {  	[tilespmem:s24], [sflag:$0x1] =	stream.indirect_vreg.gather [hbm4b:s6+s2], $0x80, v4, vm1, $0xb8;
	[tilespmem:$0x14200] =	vst v63  }
0x86: {  	s28 =	simm.s32 $0xDE00  }
0x87: {  	[tilespmem:s28], [sflag:$0x1] =	stream.indirect_vreg.gather [hbm4b:s4+s2], $0x80, v3, vm0, $0xb8;
	[tilespmem:$0x14200] =	vst v63  }
0x88: {  	s29 =	simm.s32 $0xE600  }
0x89: {  	[tilespmem:s29], [sflag:$0x1] =	stream.indirect_vreg.gather [hbm4b:s5+s2], $0x80, v3, vm0, $0xb8;
	[tilespmem:$0x14200] =	vst v63  }
0x8a: {  	s0 =	simm.s32 $0xEE00  }
0x8b: {  	[tilespmem:s0], [sflag:$0x1] =	stream.indirect_vreg.gather [hbm4b:s6+s2], $0x80, v3, vm1, $0xb8;
	[tilespmem:$0x14200] =	vst v63  }
0x8c: {  	v3 =	vld [tilespmem:$0x60];
	_ =	sdelay $0x4  }
0x8d: {  	v38 =	vshrl.u32 v3, $0x3  }
0x8e: {  	v4 =	vmul.u32 $0x28, v38  }
0x8f: {  	v3 =	vand.u32 $0x7, v3  }
0x90: {  	v3 =	vor.u32 v3, v4  }
0x91: {  	v4 =	vperm.xlane v3, v0;
	_ =	sdelay $0x1  }
0x92: {  	v4 =	vadd.s32 v1, v4;
	_ =	sdelay $0x3  }
0x93: {  	s1 =	simm.s32 $0xF200;
	v3 =	vperm.xlane v3, v2  }
0x94: {  	[tilespmem:s1], [sflag:$0x1] =	stream.indirect_vreg.gather [hbm4b:s4+s2], $0x80, v4, vm0, $0xb8;
	[tilespmem:$0x14200] =	vst v63  }
0x95: {  	s9 =	simm.s32 $0xFA00;
	v3 =	vadd.s32 v1, v3  }
0x96: {  	[tilespmem:s9], [sflag:$0x1] =	stream.indirect_vreg.gather [hbm4b:s5+s2], $0x80, v4, vm0, $0xb8;
	[tilespmem:$0x14200] =	vst v63  }
0x97: {  	s17 =	simm.s32 $0x10200  }
0x98: {  	[tilespmem:s17], [sflag:$0x1] =	stream.indirect_vreg.gather [hbm4b:s6+s2], $0x80, v4, vm1, $0xb8;
	[tilespmem:$0x14200] =	vst v63  }
0x99: {  	s20 =	simm.s32 $0x10600  }
0x9a: {  	[tilespmem:s20], [sflag:$0x1] =	stream.indirect_vreg.gather [hbm4b:s4+s2], $0x80, v3, vm0, $0xb8;
	[tilespmem:$0x14200] =	vst v63  }
0x9b: {  	s21 =	simm.s32 $0x10E00  }
0x9c: {  	[tilespmem:s21], [sflag:$0x1] =	stream.indirect_vreg.gather [hbm4b:s5+s2], $0x80, v3, vm0, $0xb8;
	[tilespmem:$0x14200] =	vst v63  }
0x9d: {  	s22 =	simm.s32 $0x11600  }
0x9e: {  	[tilespmem:s22], [sflag:$0x1] =	stream.indirect_vreg.gather [hbm4b:s6+s2], $0x80, v3, vm1, $0xb8;
	[tilespmem:$0x14200] =	vst v63  }
0x9f: {  	v3 =	vld [tilespmem:$0x70];
	_ =	sdelay $0x4  }
0xa0: {  	v39 =	vshrl.u32 v3, $0x3  }
0xa1: {  	v4 =	vmul.u32 $0x28, v39  }
0xa2: {  	v3 =	vand.u32 $0x7, v3  }
0xa3: {  	v3 =	vor.u32 v3, v4  }
0xa4: {  	v4 =	vperm.xlane v3, v0;
	_ =	sdelay $0x1  }
0xa5: {  	v4 =	vadd.s32 v1, v4;
	_ =	sdelay $0x3  }
0xa6: {  	s23 =	simm.s32 $0x11A00;
	v3 =	vperm.xlane v3, v2  }
0xa7: {  	[tilespmem:s23], [sflag:$0x1] =	stream.indirect_vreg.gather [hbm4b:s4+s2], $0x80, v4, vm0, $0xb8;
	[tilespmem:$0x14200] =	vst v63  }
0xa8: {  	s24 =	simm.s32 $0x12200;
	v3 =	vadd.s32 v1, v3  }
0xa9: {  	[tilespmem:s24], [sflag:$0x1] =	stream.indirect_vreg.gather [hbm4b:s5+s2], $0x80, v4, vm0, $0xb8;
	[tilespmem:$0x14200] =	vst v63  }
0xaa: {  	s28 =	simm.s32 $0x12A00  }
0xab: {  	[tilespmem:s28], [sflag:$0x1] =	stream.indirect_vreg.gather [hbm4b:s6+s2], $0x80, v4, vm1, $0xb8;
	[tilespmem:$0x14200] =	vst v63  }
0xac: {  	s29 =	simm.s32 $0x12E00  }
0xad: {  	[tilespmem:s29], [sflag:$0x1] =	stream.indirect_vreg.gather [hbm4b:s4+s2], $0x80, v3, vm0, $0xb8;
	[tilespmem:$0x14200] =	vst v63  }
0xae: {  	s0 =	simm.s32 $0x13600  }
0xaf: {  	[tilespmem:s0], [sflag:$0x1] =	stream.indirect_vreg.gather [hbm4b:s5+s2], $0x80, v3, vm0, $0xb8;
	[tilespmem:$0x14200] =	vst v63  }
0xb0: {  	s1 =	simm.s32 $0x13E00  }
0xb1: {  	[tilespmem:s1], [sflag:$0x1] =	stream.indirect_vreg.gather [hbm4b:s6+s2], $0x80, v3, vm1, $0xb8;
	[tilespmem:$0x14200] =	vst v63  }
0xb2: {  	_ =	swait.ge [sflag:s3], $0xA000  }
0xb3: {  	[sflag:s3] =	ssyncset.done $0x0  }
0xb4: {  	s9 =	rddreg [dreg:$0x3];
	[sflag:s3] =	ssyncadd.s32 $0xFFFF6000  }
0xb5: {  	[hbm4b:s9+s2] =	stream.linear.scatter [tilespmem:s8], [sflag:$0x3], $0xA000, $0x38;
	[tilespmem:$0x14200] =	vst v63  }
0xb6: {  	_ =	swait.ge [sflag:s10], $0xA000  }
0xb7: {  	[sflag:s10] =	ssyncset.done $0x0  }
0xb8: {  	[sflag:s10] =	ssyncadd.s32 $0xFFFF6000  }
0xb9: {  	v3 =	vld [tilespmem:$0x80];
	_ =	sdelay $0x4  }
0xba: {  	v40 =	vshrl.u32 v3, $0x3  }
0xbb: {  	v4 =	vmul.u32 $0x28, v40  }
0xbc: {  	v3 =	vand.u32 $0x7, v3  }
0xbd: {  	v3 =	vor.u32 v3, v4  }
0xbe: {  	v4 =	vperm.xlane v3, v0;
	_ =	sdelay $0x1  }
0xbf: {  	v4 =	vadd.s32 v1, v4;
	_ =	sdelay $0x3  }
0xc0: {  	v3 =	vperm.xlane v3, v2  }
0xc1: {  	[tilespmem:s16], [sflag:$0x1] =	stream.indirect_vreg.gather [hbm4b:s4+s2], $0x80, v4, vm0, $0xb8;
	[tilespmem:$0x14200] =	vst v63  }
0xc2: {  	s0 =	simm.s32 $0xA00;
	v3 =	vadd.s32 v1, v3  }
0xc3: {  	[tilespmem:s0], [sflag:$0x1] =	stream.indirect_vreg.gather [hbm4b:s5+s2], $0x80, v4, vm0, $0xb8;
	[tilespmem:$0x14200] =	vst v63  }
0xc4: {  	s1 =	simm.s32 $0x1200  }
0xc5: {  	[tilespmem:s1], [sflag:$0x1] =	stream.indirect_vreg.gather [hbm4b:s6+s2], $0x80, v4, vm1, $0xb8;
	[tilespmem:$0x14200] =	vst v63  }
0xc6: {  	s9 =	simm.s32 $0x1600  }
0xc7: {  	[tilespmem:s9], [sflag:$0x1] =	stream.indirect_vreg.gather [hbm4b:s4+s2], $0x80, v3, vm0, $0xb8;
	[tilespmem:$0x14200] =	vst v63  }
0xc8: {  	s20 =	simm.s32 $0x1E00  }
0xc9: {  	[tilespmem:s20], [sflag:$0x1] =	stream.indirect_vreg.gather [hbm4b:s5+s2], $0x80, v3, vm0, $0xb8;
	[tilespmem:$0x14200] =	vst v63  }
0xca: {  	s13 =	simm.s32 $0x2600  }
0xcb: {  	[tilespmem:s13], [sflag:$0x1] =	stream.indirect_vreg.gather [hbm4b:s6+s2], $0x80, v3, vm1, $0xb8;
	[tilespmem:$0x14200] =	vst v63  }
0xcc: {  	v3 =	vld [tilespmem:$0x90];
	_ =	sdelay $0x4  }
0xcd: {  	v41 =	vshrl.u32 v3, $0x3  }
0xce: {  	v4 =	vmul.u32 $0x28, v41  }
0xcf: {  	v3 =	vand.u32 $0x7, v3  }
0xd0: {  	v3 =	vor.u32 v3, v4  }
0xd1: {  	v4 =	vperm.xlane v3, v0;
	_ =	sdelay $0x1  }
0xd2: {  	v4 =	vadd.s32 v1, v4;
	_ =	sdelay $0x3  }
0xd3: {  	s14 =	simm.s32 $0x2A00;
	v3 =	vperm.xlane v3, v2  }
0xd4: {  	[tilespmem:s14], [sflag:$0x1] =	stream.indirect_vreg.gather [hbm4b:s4+s2], $0x80, v4, vm0, $0xb8;
	[tilespmem:$0x14200] =	vst v63  }
0xd5: {  	s21 =	simm.s32 $0x3200;
	v3 =	vadd.s32 v1, v3  }
0xd6: {  	[tilespmem:s21], [sflag:$0x1] =	stream.indirect_vreg.gather [hbm4b:s5+s2], $0x80, v4, vm0, $0xb8;
	[tilespmem:$0x14200] =	vst v63  }
0xd7: {  	s22 =	simm.s32 $0x3A00  }
0xd8: {  	[tilespmem:s22], [sflag:$0x1] =	stream.indirect_vreg.gather [hbm4b:s6+s2], $0x80, v4, vm1, $0xb8;
	[tilespmem:$0x14200] =	vst v63  }
0xd9: {  	s23 =	simm.s32 $0x3E00  }
0xda: {  	[tilespmem:s23], [sflag:$0x1] =	stream.indirect_vreg.gather [hbm4b:s4+s2], $0x80, v3, vm0, $0xb8;
	[tilespmem:$0x14200] =	vst v63  }
0xdb: {  	s24 =	simm.s32 $0x4600  }
0xdc: {  	[tilespmem:s24], [sflag:$0x1] =	stream.indirect_vreg.gather [hbm4b:s5+s2], $0x80, v3, vm0, $0xb8;
	[tilespmem:$0x14200] =	vst v63  }
0xdd: {  	s25 =	simm.s32 $0x4E00  }
0xde: {  	[tilespmem:s25], [sflag:$0x1] =	stream.indirect_vreg.gather [hbm4b:s6+s2], $0x80, v3, vm1, $0xb8;
	[tilespmem:$0x14200] =	vst v63  }
0xdf: {  	v3 =	vld [tilespmem:$0xA0];
	_ =	sdelay $0x4  }
0xe0: {  	v42 =	vshrl.u32 v3, $0x3  }
0xe1: {  	v4 =	vmul.u32 $0x28, v42  }
0xe2: {  	v3 =	vand.u32 $0x7, v3  }
0xe3: {  	v3 =	vor.u32 v3, v4  }
0xe4: {  	v4 =	vperm.xlane v3, v0;
	_ =	sdelay $0x1  }
0xe5: {  	v4 =	vadd.s32 v1, v4;
	_ =	sdelay $0x3  }
0xe6: {  	s26 =	simm.s32 $0x5200;
	v3 =	vperm.xlane v3, v2  }
0xe7: {  	[tilespmem:s26], [sflag:$0x1] =	stream.indirect_vreg.gather [hbm4b:s4+s2], $0x80, v4, vm0, $0xb8;
	[tilespmem:$0x14200] =	vst v63  }
0xe8: {  	s25 =	simm.s32 $0x5A00;
	v3 =	vadd.s32 v1, v3  }
0xe9: {  	[tilespmem:s25], [sflag:$0x1] =	stream.indirect_vreg.gather [hbm4b:s5+s2], $0x80, v4, vm0, $0xb8;
	[tilespmem:$0x14200] =	vst v63  }
0xea: {  	s26 =	simm.s32 $0x6200  }
0xeb: {  	[tilespmem:s26], [sflag:$0x1] =	stream.indirect_vreg.gather [hbm4b:s6+s2], $0x80, v4, vm1, $0xb8;
	[tilespmem:$0x14200] =	vst v63  }
0xec: {  	s28 =	simm.s32 $0x6600  }
0xed: {  	[tilespmem:s28], [sflag:$0x1] =	stream.indirect_vreg.gather [hbm4b:s4+s2], $0x80, v3, vm0, $0xb8;
	[tilespmem:$0x14200] =	vst v63  }
0xee: {  	s29 =	simm.s32 $0x6E00  }
0xef: {  	[tilespmem:s29], [sflag:$0x1] =	stream.indirect_vreg.gather [hbm4b:s5+s2], $0x80, v3, vm0, $0xb8;
	[tilespmem:$0x14200] =	vst v63  }
0xf0: {  	s30 =	simm.s32 $0x7600  }
0xf1: {  	[tilespmem:s30], [sflag:$0x1] =	stream.indirect_vreg.gather [hbm4b:s6+s2], $0x80, v3, vm1, $0xb8;
	[tilespmem:$0x14200] =	vst v63  }
0xf2: {  	v3 =	vld [tilespmem:$0xB0];
	_ =	sdelay $0x4  }
0xf3: {  	v43 =	vshrl.u32 v3, $0x3  }
0xf4: {  	v4 =	vmul.u32 $0x28, v43  }
0xf5: {  	v3 =	vand.u32 $0x7, v3  }
0xf6: {  	v3 =	vor.u32 v3, v4  }
0xf7: {  	v4 =	vperm.xlane v3, v0;
	_ =	sdelay $0x1  }
0xf8: {  	v4 =	vadd.s32 v1, v4;
	_ =	sdelay $0x3  }
0xf9: {  	s31 =	simm.s32 $0x7A00;
	v3 =	vperm.xlane v3, v2  }
0xfa: {  	[tilespmem:s31], [sflag:$0x1] =	stream.indirect_vreg.gather [hbm4b:s4+s2], $0x80, v4, vm0, $0xb8;
	[tilespmem:$0x14200] =	vst v63  }
0xfb: {  	s30 =	simm.s32 $0x8200;
	v3 =	vadd.s32 v1, v3  }
0xfc: {  	[tilespmem:s30], [sflag:$0x1] =	stream.indirect_vreg.gather [hbm4b:s5+s2], $0x80, v4, vm0, $0xb8;
	[tilespmem:$0x14200] =	vst v63  }
0xfd: {  	s31 =	simm.s32 $0x8A00  }
0xfe: {  	[tilespmem:s31], [sflag:$0x1] =	stream.indirect_vreg.gather [hbm4b:s6+s2], $0x80, v4, vm1, $0xb8;
	[tilespmem:$0x14200] =	vst v63  }
0xff: {  	s13 =	simm.s32 $0x8E00  }
0x100: {  	[tilespmem:s13], [sflag:$0x1] =	stream.indirect_vreg.gather [hbm4b:s4+s2], $0x80, v3, vm0, $0xb8;
	[tilespmem:$0x14200] =	vst v63  }
0x101: {  	s14 =	simm.s32 $0x9600  }
0x102: {  	[tilespmem:s14], [sflag:$0x1] =	stream.indirect_vreg.gather [hbm4b:s5+s2], $0x80, v3, vm0, $0xb8;
	[tilespmem:$0x14200] =	vst v63  }
0x103: {  	s15 =	simm.s32 $0x9E00  }
0x104: {  	[tilespmem:s15], [sflag:$0x1] =	stream.indirect_vreg.gather [hbm4b:s6+s2], $0x80, v3, vm1, $0xb8;
	[tilespmem:$0x14200] =	vst v63  }
0x105: {  	_ =	swait.ge [sflag:s3], $0xA000  }
0x106: {  	[sflag:s3] =	ssyncset.done $0x0  }
0x107: {  	s15 =	rddreg [dreg:$0x4];
	[sflag:s3] =	ssyncadd.s32 $0xFFFF6000  }
0x108: {  	[hbm4b:s15+s2] =	stream.linear.scatter [tilespmem:s16], [sflag:$0x2], $0xA000, $0x38;
	[tilespmem:$0x14200] =	vst v63  }
0x109: {  	_ =	swait.ge [sflag:s11], $0xA000  }
0x10a: {  	[sflag:s11] =	ssyncset.done $0x0  }
0x10b: {  	[sflag:s11] =	ssyncadd.s32 $0xFFFF6000  }
0x10c: {  	v3 =	vld [tilespmem:$0xC0];
	_ =	sdelay $0x4  }
0x10d: {  	v44 =	vshrl.u32 v3, $0x3  }
0x10e: {  	v4 =	vmul.u32 $0x28, v44  }
0x10f: {  	v3 =	vand.u32 $0x7, v3  }
0x110: {  	v3 =	vor.u32 v3, v4  }
0x111: {  	v4 =	vperm.xlane v3, v0;
	_ =	sdelay $0x1  }
0x112: {  	v4 =	vadd.s32 v1, v4;
	_ =	sdelay $0x3  }
0x113: {  	v3 =	vperm.xlane v3, v2  }
0x114: {  	[tilespmem:s8], [sflag:$0x1] =	stream.indirect_vreg.gather [hbm4b:s4+s2], $0x80, v4, vm0, $0xb8;
	[tilespmem:$0x14200] =	vst v63  }
0x115: {  	s15 =	simm.s32 $0xAA00;
	v3 =	vadd.s32 v1, v3  }
0x116: {  	[tilespmem:s15], [sflag:$0x1] =	stream.indirect_vreg.gather [hbm4b:s5+s2], $0x80, v4, vm0, $0xb8;
	[tilespmem:$0x14200] =	vst v63  }
0x117: {  	s12 =	simm.s32 $0xB200  }
0x118: {  	[tilespmem:s12], [sflag:$0x1] =	stream.indirect_vreg.gather [hbm4b:s6+s2], $0x80, v4, vm1, $0xb8;
	[tilespmem:$0x14200] =	vst v63  }
0x119: {  	s12 =	simm.s32 $0xB600  }
0x11a: {  	[tilespmem:s12], [sflag:$0x1] =	stream.indirect_vreg.gather [hbm4b:s4+s2], $0x80, v3, vm0, $0xb8;
	[tilespmem:$0x14200] =	vst v63  }
0x11b: {  	s12 =	simm.s32 $0xBE00  }
0x11c: {  	[tilespmem:s12], [sflag:$0x1] =	stream.indirect_vreg.gather [hbm4b:s5+s2], $0x80, v3, vm0, $0xb8;
	[tilespmem:$0x14200] =	vst v63  }
0x11d: {  	s18 =	simm.s32 $0xC600  }
0x11e: {  	[tilespmem:s18], [sflag:$0x1] =	stream.indirect_vreg.gather [hbm4b:s6+s2], $0x80, v3, vm1, $0xb8;
	[tilespmem:$0x14200] =	vst v63  }
0x11f: {  	v3 =	vld [tilespmem:$0xD0];
	_ =	sdelay $0x4  }
0x120: {  	v45 =	vshrl.u32 v3, $0x3  }
0x121: {  	v4 =	vmul.u32 $0x28, v45  }
0x122: {  	v3 =	vand.u32 $0x7, v3  }
0x123: {  	v3 =	vor.u32 v3, v4  }
0x124: {  	v4 =	vperm.xlane v3, v0;
	_ =	sdelay $0x1  }
0x125: {  	v4 =	vadd.s32 v1, v4;
	_ =	sdelay $0x3  }
0x126: {  	s19 =	simm.s32 $0xCA00;
	v3 =	vperm.xlane v3, v2  }
0x127: {  	[tilespmem:s19], [sflag:$0x1] =	stream.indirect_vreg.gather [hbm4b:s4+s2], $0x80, v4, vm0, $0xb8;
	[tilespmem:$0x14200] =	vst v63  }
0x128: {  	v3 =	vadd.s32 v1, v3;
	s19 =	simm.s32 $0xD200  }
0x129: {  	[tilespmem:s19], [sflag:$0x1] =	stream.indirect_vreg.gather [hbm4b:s5+s2], $0x80, v4, vm0, $0xb8;
	[tilespmem:$0x14200] =	vst v63  }
0x12a: {  	s18 =	simm.s32 $0xDA00  }
0x12b: {  	[tilespmem:s18], [sflag:$0x1] =	stream.indirect_vreg.gather [hbm4b:s6+s2], $0x80, v4, vm1, $0xb8;
	[tilespmem:$0x14200] =	vst v63  }
0x12c: {  	s19 =	simm.s32 $0xDE00  }
0x12d: {  	[tilespmem:s19], [sflag:$0x1] =	stream.indirect_vreg.gather [hbm4b:s4+s2], $0x80, v3, vm0, $0xb8;
	[tilespmem:$0x14200] =	vst v63  }
0x12e: {  	s18 =	simm.s32 $0xE600  }
0x12f: {  	[tilespmem:s18], [sflag:$0x1] =	stream.indirect_vreg.gather [hbm4b:s5+s2], $0x80, v3, vm0, $0xb8;
	[tilespmem:$0x14200] =	vst v63  }
0x130: {  	s19 =	simm.s32 $0xEE00  }
0x131: {  	[tilespmem:s19], [sflag:$0x1] =	stream.indirect_vreg.gather [hbm4b:s6+s2], $0x80, v3, vm1, $0xb8;
	[tilespmem:$0x14200] =	vst v63  }
0x132: {  	v3 =	vld [tilespmem:$0xE0];
	_ =	sdelay $0x4  }
0x133: {  	v46 =	vshrl.u32 v3, $0x3  }
0x134: {  	v4 =	vmul.u32 $0x28, v46  }
0x135: {  	v3 =	vand.u32 $0x7, v3  }
0x136: {  	v3 =	vor.u32 v3, v4  }
0x137: {  	v4 =	vperm.xlane v3, v0;
	_ =	sdelay $0x1  }
0x138: {  	v4 =	vadd.s32 v1, v4;
	_ =	sdelay $0x3  }
0x139: {  	s18 =	simm.s32 $0xF200;
	v3 =	vperm.xlane v3, v2  }
0x13a: {  	[tilespmem:s18], [sflag:$0x1] =	stream.indirect_vreg.gather [hbm4b:s4+s2], $0x80, v4, vm0, $0xb8;
	[tilespmem:$0x14200] =	vst v63  }
0x13b: {  	s19 =	simm.s32 $0xFA00;
	v3 =	vadd.s32 v1, v3  }
0x13c: {  	[tilespmem:s19], [sflag:$0x1] =	stream.indirect_vreg.gather [hbm4b:s5+s2], $0x80, v4, vm0, $0xb8;
	[tilespmem:$0x14200] =	vst v63  }
0x13d: {  	s18 =	simm.s32 $0x10200  }
0x13e: {  	[tilespmem:s18], [sflag:$0x1] =	stream.indirect_vreg.gather [hbm4b:s6+s2], $0x80, v4, vm1, $0xb8;
	[tilespmem:$0x14200] =	vst v63  }
0x13f: {  	s19 =	simm.s32 $0x10600  }
0x140: {  	[tilespmem:s19], [sflag:$0x1] =	stream.indirect_vreg.gather [hbm4b:s4+s2], $0x80, v3, vm0, $0xb8;
	[tilespmem:$0x14200] =	vst v63  }
0x141: {  	s18 =	simm.s32 $0x10E00  }
0x142: {  	[tilespmem:s18], [sflag:$0x1] =	stream.indirect_vreg.gather [hbm4b:s5+s2], $0x80, v3, vm0, $0xb8;
	[tilespmem:$0x14200] =	vst v63  }
0x143: {  	s19 =	simm.s32 $0x11600  }
0x144: {  	[tilespmem:s19], [sflag:$0x1] =	stream.indirect_vreg.gather [hbm4b:s6+s2], $0x80, v3, vm1, $0xb8;
	[tilespmem:$0x14200] =	vst v63  }
0x145: {  	v3 =	vld [tilespmem:$0xF0];
	_ =	sdelay $0x4  }
0x146: {  	v47 =	vshrl.u32 v3, $0x3  }
0x147: {  	v4 =	vmul.u32 $0x28, v47  }
0x148: {  	v3 =	vand.u32 $0x7, v3  }
0x149: {  	v3 =	vor.u32 v3, v4  }
0x14a: {  	v4 =	vperm.xlane v3, v0;
	_ =	sdelay $0x1  }
0x14b: {  	v4 =	vadd.s32 v1, v4;
	_ =	sdelay $0x3  }
0x14c: {  	s18 =	simm.s32 $0x11A00;
	v3 =	vperm.xlane v3, v2  }
0x14d: {  	[tilespmem:s18], [sflag:$0x1] =	stream.indirect_vreg.gather [hbm4b:s4+s2], $0x80, v4, vm0, $0xb8;
	[tilespmem:$0x14200] =	vst v63  }
0x14e: {  	s19 =	simm.s32 $0x12200;
	v3 =	vadd.s32 v1, v3  }
0x14f: {  	[tilespmem:s19], [sflag:$0x1] =	stream.indirect_vreg.gather [hbm4b:s5+s2], $0x80, v4, vm0, $0xb8;
	[tilespmem:$0x14200] =	vst v63  }
0x150: {  	s18 =	simm.s32 $0x12A00  }
0x151: {  	[tilespmem:s18], [sflag:$0x1] =	stream.indirect_vreg.gather [hbm4b:s6+s2], $0x80, v4, vm1, $0xb8;
	[tilespmem:$0x14200] =	vst v63  }
0x152: {  	s19 =	simm.s32 $0x12E00  }
0x153: {  	[tilespmem:s19], [sflag:$0x1] =	stream.indirect_vreg.gather [hbm4b:s4+s2], $0x80, v3, vm0, $0xb8;
	[tilespmem:$0x14200] =	vst v63  }
0x154: {  	s18 =	simm.s32 $0x13600  }
0x155: {  	[tilespmem:s18], [sflag:$0x1] =	stream.indirect_vreg.gather [hbm4b:s5+s2], $0x80, v3, vm0, $0xb8;
	[tilespmem:$0x14200] =	vst v63  }
0x156: {  	s17 =	simm.s32 $0x13E00  }
0x157: {  	[tilespmem:s17], [sflag:$0x1] =	stream.indirect_vreg.gather [hbm4b:s6+s2], $0x80, v3, vm1, $0xb8;
	[tilespmem:$0x14200] =	vst v63  }
0x158: {  	_ =	swait.ge [sflag:s3], $0xA000  }
0x159: {  	[sflag:s3] =	ssyncset.done $0x0  }
0x15a: {  	s19 =	rddreg [dreg:$0x5];
	[sflag:s3] =	ssyncadd.s32 $0xFFFF6000  }
0x15b: {  	[hbm4b:s19+s2] =	stream.linear.scatter [tilespmem:s8], [sflag:$0x3], $0xA000, $0x38;
	[tilespmem:$0x14200] =	vst v63  }
0x15c: {  	_ =	swait.ge [sflag:s10], $0xA000  }
0x15d: {  	[sflag:s10] =	ssyncset.done $0x0  }
0x15e: {  	[sflag:s10] =	ssyncadd.s32 $0xFFFF6000  }
0x15f: {  	v3 =	vld [tilespmem:$0x100];
	_ =	sdelay $0x4  }
0x160: {  	v48 =	vshrl.u32 v3, $0x3  }
0x161: {  	v4 =	vmul.u32 $0x28, v48  }
0x162: {  	v3 =	vand.u32 $0x7, v3  }
0x163: {  	v3 =	vor.u32 v3, v4  }
0x164: {  	v4 =	vperm.xlane v3, v0;
	_ =	sdelay $0x1  }
0x165: {  	v4 =	vadd.s32 v1, v4;
	_ =	sdelay $0x3  }
0x166: {  	v3 =	vperm.xlane v3, v2  }
0x167: {  	[tilespmem:s16], [sflag:$0x1] =	stream.indirect_vreg.gather [hbm4b:s4+s2], $0x80, v4, vm0, $0xb8;
	[tilespmem:$0x14200] =	vst v63  }
0x168: {  	v3 =	vadd.s32 v1, v3  }
0x169: {  	[tilespmem:s0], [sflag:$0x1] =	stream.indirect_vreg.gather [hbm4b:s5+s2], $0x80, v4, vm0, $0xb8;
	[tilespmem:$0x14200] =	vst v63  }
0x16a: {  	_ = 	snop  }
0x16b: {  	[tilespmem:s1], [sflag:$0x1] =	stream.indirect_vreg.gather [hbm4b:s6+s2], $0x80, v4, vm1, $0xb8;
	[tilespmem:$0x14200] =	vst v63  }
0x16c: {  	_ = 	snop  }
0x16d: {  	[tilespmem:s9], [sflag:$0x1] =	stream.indirect_vreg.gather [hbm4b:s4+s2], $0x80, v3, vm0, $0xb8;
	[tilespmem:$0x14200] =	vst v63  }
0x16e: {  	_ = 	snop  }
0x16f: {  	[tilespmem:s20], [sflag:$0x1] =	stream.indirect_vreg.gather [hbm4b:s5+s2], $0x80, v3, vm0, $0xb8;
	[tilespmem:$0x14200] =	vst v63  }
0x170: {  	s20 =	simm.s32 $0x2600  }
0x171: {  	[tilespmem:s20], [sflag:$0x1] =	stream.indirect_vreg.gather [hbm4b:s6+s2], $0x80, v3, vm1, $0xb8;
	[tilespmem:$0x14200] =	vst v63  }
0x172: {  	v3 =	vld [tilespmem:$0x110];
	_ =	sdelay $0x4  }
0x173: {  	v49 =	vshrl.u32 v3, $0x3  }
0x174: {  	v4 =	vmul.u32 $0x28, v49  }
0x175: {  	v3 =	vand.u32 $0x7, v3  }
0x176: {  	v3 =	vor.u32 v3, v4  }
0x177: {  	v4 =	vperm.xlane v3, v0;
	_ =	sdelay $0x1  }
0x178: {  	v4 =	vadd.s32 v1, v4;
	_ =	sdelay $0x3  }
0x179: {  	s18 =	simm.s32 $0x2A00;
	v3 =	vperm.xlane v3, v2  }
0x17a: {  	[tilespmem:s18], [sflag:$0x1] =	stream.indirect_vreg.gather [hbm4b:s4+s2], $0x80, v4, vm0, $0xb8;
	[tilespmem:$0x14200] =	vst v63  }
0x17b: {  	v3 =	vadd.s32 v1, v3  }
0x17c: {  	[tilespmem:s21], [sflag:$0x1] =	stream.indirect_vreg.gather [hbm4b:s5+s2], $0x80, v4, vm0, $0xb8;
	[tilespmem:$0x14200] =	vst v63  }
0x17d: {  	_ = 	snop  }
0x17e: {  	[tilespmem:s22], [sflag:$0x1] =	stream.indirect_vreg.gather [hbm4b:s6+s2], $0x80, v4, vm1, $0xb8;
	[tilespmem:$0x14200] =	vst v63  }
0x17f: {  	_ = 	snop  }
0x180: {  	[tilespmem:s23], [sflag:$0x1] =	stream.indirect_vreg.gather [hbm4b:s4+s2], $0x80, v3, vm0, $0xb8;
	[tilespmem:$0x14200] =	vst v63  }
0x181: {  	_ = 	snop  }
0x182: {  	[tilespmem:s24], [sflag:$0x1] =	stream.indirect_vreg.gather [hbm4b:s5+s2], $0x80, v3, vm0, $0xb8;
	[tilespmem:$0x14200] =	vst v63  }
0x183: {  	s19 =	simm.s32 $0x4E00  }
0x184: {  	[tilespmem:s19], [sflag:$0x1] =	stream.indirect_vreg.gather [hbm4b:s6+s2], $0x80, v3, vm1, $0xb8;
	[tilespmem:$0x14200] =	vst v63  }
0x185: {  	v3 =	vld [tilespmem:$0x120];
	_ =	sdelay $0x4  }
0x186: {  	v50 =	vshrl.u32 v3, $0x3  }
0x187: {  	v4 =	vmul.u32 $0x28, v50  }
0x188: {  	v3 =	vand.u32 $0x7, v3  }
0x189: {  	v3 =	vor.u32 v3, v4  }
0x18a: {  	v4 =	vperm.xlane v3, v0;
	_ =	sdelay $0x1  }
0x18b: {  	v4 =	vadd.s32 v1, v4;
	_ =	sdelay $0x3  }
0x18c: {  	s24 =	simm.s32 $0x5200;
	v3 =	vperm.xlane v3, v2  }
0x18d: {  	[tilespmem:s24], [sflag:$0x1] =	stream.indirect_vreg.gather [hbm4b:s4+s2], $0x80, v4, vm0, $0xb8;
	[tilespmem:$0x14200] =	vst v63  }
0x18e: {  	v3 =	vadd.s32 v1, v3  }
0x18f: {  	[tilespmem:s25], [sflag:$0x1] =	stream.indirect_vreg.gather [hbm4b:s5+s2], $0x80, v4, vm0, $0xb8;
	[tilespmem:$0x14200] =	vst v63  }
0x190: {  	_ = 	snop  }
0x191: {  	[tilespmem:s26], [sflag:$0x1] =	stream.indirect_vreg.gather [hbm4b:s6+s2], $0x80, v4, vm1, $0xb8;
	[tilespmem:$0x14200] =	vst v63  }
0x192: {  	_ = 	snop  }
0x193: {  	[tilespmem:s28], [sflag:$0x1] =	stream.indirect_vreg.gather [hbm4b:s4+s2], $0x80, v3, vm0, $0xb8;
	[tilespmem:$0x14200] =	vst v63  }
0x194: {  	_ = 	snop  }
0x195: {  	[tilespmem:s29], [sflag:$0x1] =	stream.indirect_vreg.gather [hbm4b:s5+s2], $0x80, v3, vm0, $0xb8;
	[tilespmem:$0x14200] =	vst v63  }
0x196: {  	s29 =	simm.s32 $0x7600  }
0x197: {  	[tilespmem:s29], [sflag:$0x1] =	stream.indirect_vreg.gather [hbm4b:s6+s2], $0x80, v3, vm1, $0xb8;
	[tilespmem:$0x14200] =	vst v63  }
0x198: {  	v3 =	vld [tilespmem:$0x130];
	_ =	sdelay $0x4  }
0x199: {  	v51 =	vshrl.u32 v3, $0x3  }
0x19a: {  	v4 =	vmul.u32 $0x28, v51  }
0x19b: {  	v3 =	vand.u32 $0x7, v3  }
0x19c: {  	v3 =	vor.u32 v3, v4  }
0x19d: {  	v4 =	vperm.xlane v3, v0;
	_ =	sdelay $0x1  }
0x19e: {  	v4 =	vadd.s32 v1, v4;
	_ =	sdelay $0x3  }
0x19f: {  	s18 =	simm.s32 $0x7A00;
	v3 =	vperm.xlane v3, v2  }
0x1a0: {  	[tilespmem:s18], [sflag:$0x1] =	stream.indirect_vreg.gather [hbm4b:s4+s2], $0x80, v4, vm0, $0xb8;
	[tilespmem:$0x14200] =	vst v63  }
0x1a1: {  	v3 =	vadd.s32 v1, v3  }
0x1a2: {  	[tilespmem:s30], [sflag:$0x1] =	stream.indirect_vreg.gather [hbm4b:s5+s2], $0x80, v4, vm0, $0xb8;
	[tilespmem:$0x14200] =	vst v63  }
0x1a3: {  	_ = 	snop  }
0x1a4: {  	[tilespmem:s31], [sflag:$0x1] =	stream.indirect_vreg.gather [hbm4b:s6+s2], $0x80, v4, vm1, $0xb8;
	[tilespmem:$0x14200] =	vst v63  }
0x1a5: {  	_ = 	snop  }
0x1a6: {  	[tilespmem:s13], [sflag:$0x1] =	stream.indirect_vreg.gather [hbm4b:s4+s2], $0x80, v3, vm0, $0xb8;
	[tilespmem:$0x14200] =	vst v63  }
0x1a7: {  	_ = 	snop  }
0x1a8: {  	[tilespmem:s14], [sflag:$0x1] =	stream.indirect_vreg.gather [hbm4b:s5+s2], $0x80, v3, vm0, $0xb8;
	[tilespmem:$0x14200] =	vst v63  }
0x1a9: {  	s19 =	simm.s32 $0x9E00  }
0x1aa: {  	[tilespmem:s19], [sflag:$0x1] =	stream.indirect_vreg.gather [hbm4b:s6+s2], $0x80, v3, vm1, $0xb8;
	[tilespmem:$0x14200] =	vst v63  }
0x1ab: {  	_ =	swait.ge [sflag:s3], $0xA000  }
0x1ac: {  	[sflag:s3] =	ssyncset.done $0x0  }
0x1ad: {  	s31 =	rddreg [dreg:$0x6];
	[sflag:s3] =	ssyncadd.s32 $0xFFFF6000  }
0x1ae: {  	[hbm4b:s31+s2] =	stream.linear.scatter [tilespmem:s16], [sflag:$0x2], $0xA000, $0x38;
	[tilespmem:$0x14200] =	vst v63  }
0x1af: {  	_ =	swait.ge [sflag:s11], $0xA000  }
0x1b0: {  	[sflag:s11] =	ssyncset.done $0x0  }
0x1b1: {  	[sflag:s11] =	ssyncadd.s32 $0xFFFF6000  }
0x1b2: {  	v3 =	vld [tilespmem:$0x140];
	_ =	sdelay $0x4  }
0x1b3: {  	v52 =	vshrl.u32 v3, $0x3  }
0x1b4: {  	v4 =	vmul.u32 $0x28, v52  }
0x1b5: {  	v3 =	vand.u32 $0x7, v3  }
0x1b6: {  	v3 =	vor.u32 v3, v4  }
0x1b7: {  	v4 =	vperm.xlane v3, v0;
	_ =	sdelay $0x1  }
0x1b8: {  	v4 =	vadd.s32 v1, v4;
	_ =	sdelay $0x3  }
0x1b9: {  	v3 =	vperm.xlane v3, v2  }
0x1ba: {  	[tilespmem:s8], [sflag:$0x1] =	stream.indirect_vreg.gather [hbm4b:s4+s2], $0x80, v4, vm0, $0xb8;
	[tilespmem:$0x14200] =	vst v63  }
0x1bb: {  	s15 =	simm.s32 $0xAA00;
	v3 =	vadd.s32 v1, v3  }
0x1bc: {  	[tilespmem:s15], [sflag:$0x1] =	stream.indirect_vreg.gather [hbm4b:s5+s2], $0x80, v4, vm0, $0xb8;
	[tilespmem:$0x14200] =	vst v63  }
0x1bd: {  	s15 =	simm.s32 $0xB200  }
0x1be: {  	[tilespmem:s15], [sflag:$0x1] =	stream.indirect_vreg.gather [hbm4b:s6+s2], $0x80, v4, vm1, $0xb8;
	[tilespmem:$0x14200] =	vst v63  }
0x1bf: {  	s18 =	simm.s32 $0xB600  }
0x1c0: {  	[tilespmem:s18], [sflag:$0x1] =	stream.indirect_vreg.gather [hbm4b:s4+s2], $0x80, v3, vm0, $0xb8;
	[tilespmem:$0x14200] =	vst v63  }
0x1c1: {  	s19 =	simm.s32 $0xBE00  }
0x1c2: {  	[tilespmem:s19], [sflag:$0x1] =	stream.indirect_vreg.gather [hbm4b:s5+s2], $0x80, v3, vm0, $0xb8;
	[tilespmem:$0x14200] =	vst v63  }
0x1c3: {  	s12 =	simm.s32 $0xC600  }
0x1c4: {  	[tilespmem:s12], [sflag:$0x1] =	stream.indirect_vreg.gather [hbm4b:s6+s2], $0x80, v3, vm1, $0xb8;
	[tilespmem:$0x14200] =	vst v63  }
0x1c5: {  	v3 =	vld [tilespmem:$0x150];
	_ =	sdelay $0x4  }
0x1c6: {  	v53 =	vshrl.u32 v3, $0x3  }
0x1c7: {  	v4 =	vmul.u32 $0x28, v53  }
0x1c8: {  	v3 =	vand.u32 $0x7, v3  }
0x1c9: {  	v3 =	vor.u32 v3, v4  }
0x1ca: {  	v4 =	vperm.xlane v3, v0;
	_ =	sdelay $0x1  }
0x1cb: {  	v4 =	vadd.s32 v1, v4;
	_ =	sdelay $0x3  }
0x1cc: {  	s12 =	simm.s32 $0xCA00;
	v3 =	vperm.xlane v3, v2  }
0x1cd: {  	[tilespmem:s12], [sflag:$0x1] =	stream.indirect_vreg.gather [hbm4b:s4+s2], $0x80, v4, vm0, $0xb8;
	[tilespmem:$0x14200] =	vst v63  }
0x1ce: {  	v3 =	vadd.s32 v1, v3;
	s12 =	simm.s32 $0xD200  }
0x1cf: {  	[tilespmem:s12], [sflag:$0x1] =	stream.indirect_vreg.gather [hbm4b:s5+s2], $0x80, v4, vm0, $0xb8;
	[tilespmem:$0x14200] =	vst v63  }
0x1d0: {  	s12 =	simm.s32 $0xDA00  }
0x1d1: {  	[tilespmem:s12], [sflag:$0x1] =	stream.indirect_vreg.gather [hbm4b:s6+s2], $0x80, v4, vm1, $0xb8;
	[tilespmem:$0x14200] =	vst v63  }
0x1d2: {  	s12 =	simm.s32 $0xDE00  }
0x1d3: {  	[tilespmem:s12], [sflag:$0x1] =	stream.indirect_vreg.gather [hbm4b:s4+s2], $0x80, v3, vm0, $0xb8;
	[tilespmem:$0x14200] =	vst v63  }
0x1d4: {  	s12 =	simm.s32 $0xE600  }
0x1d5: {  	[tilespmem:s12], [sflag:$0x1] =	stream.indirect_vreg.gather [hbm4b:s5+s2], $0x80, v3, vm0, $0xb8;
	[tilespmem:$0x14200] =	vst v63  }
0x1d6: {  	s12 =	simm.s32 $0xEE00  }
0x1d7: {  	[tilespmem:s12], [sflag:$0x1] =	stream.indirect_vreg.gather [hbm4b:s6+s2], $0x80, v3, vm1, $0xb8;
	[tilespmem:$0x14200] =	vst v63  }
0x1d8: {  	v3 =	vld [tilespmem:$0x160];
	_ =	sdelay $0x4  }
0x1d9: {  	v54 =	vshrl.u32 v3, $0x3  }
0x1da: {  	v4 =	vmul.u32 $0x28, v54  }
0x1db: {  	v3 =	vand.u32 $0x7, v3  }
0x1dc: {  	v3 =	vor.u32 v3, v4  }
0x1dd: {  	v4 =	vperm.xlane v3, v0;
	_ =	sdelay $0x1  }
0x1de: {  	v4 =	vadd.s32 v1, v4;
	_ =	sdelay $0x3  }
0x1df: {  	s12 =	simm.s32 $0xF200;
	v3 =	vperm.xlane v3, v2  }
0x1e0: {  	[tilespmem:s12], [sflag:$0x1] =	stream.indirect_vreg.gather [hbm4b:s4+s2], $0x80, v4, vm0, $0xb8;
	[tilespmem:$0x14200] =	vst v63  }
0x1e1: {  	v3 =	vadd.s32 v1, v3;
	s12 =	simm.s32 $0xFA00  }
0x1e2: {  	[tilespmem:s12], [sflag:$0x1] =	stream.indirect_vreg.gather [hbm4b:s5+s2], $0x80, v4, vm0, $0xb8;
	[tilespmem:$0x14200] =	vst v63  }
0x1e3: {  	s12 =	simm.s32 $0x10200  }
0x1e4: {  	[tilespmem:s12], [sflag:$0x1] =	stream.indirect_vreg.gather [hbm4b:s6+s2], $0x80, v4, vm1, $0xb8;
	[tilespmem:$0x14200] =	vst v63  }
0x1e5: {  	s12 =	simm.s32 $0x10600  }
0x1e6: {  	[tilespmem:s12], [sflag:$0x1] =	stream.indirect_vreg.gather [hbm4b:s4+s2], $0x80, v3, vm0, $0xb8;
	[tilespmem:$0x14200] =	vst v63  }
0x1e7: {  	s12 =	simm.s32 $0x10E00  }
0x1e8: {  	[tilespmem:s12], [sflag:$0x1] =	stream.indirect_vreg.gather [hbm4b:s5+s2], $0x80, v3, vm0, $0xb8;
	[tilespmem:$0x14200] =	vst v63  }
0x1e9: {  	s12 =	simm.s32 $0x11600  }
0x1ea: {  	[tilespmem:s12], [sflag:$0x1] =	stream.indirect_vreg.gather [hbm4b:s6+s2], $0x80, v3, vm1, $0xb8;
	[tilespmem:$0x14200] =	vst v63  }
0x1eb: {  	v3 =	vld [tilespmem:$0x170];
	_ =	sdelay $0x4  }
0x1ec: {  	v55 =	vshrl.u32 v3, $0x3  }
0x1ed: {  	v4 =	vmul.u32 $0x28, v55  }
0x1ee: {  	v3 =	vand.u32 $0x7, v3  }
0x1ef: {  	v3 =	vor.u32 v3, v4  }
0x1f0: {  	v4 =	vperm.xlane v3, v0;
	_ =	sdelay $0x1  }
0x1f1: {  	v4 =	vadd.s32 v1, v4;
	_ =	sdelay $0x3  }
0x1f2: {  	s12 =	simm.s32 $0x11A00;
	v3 =	vperm.xlane v3, v2  }
0x1f3: {  	[tilespmem:s12], [sflag:$0x1] =	stream.indirect_vreg.gather [hbm4b:s4+s2], $0x80, v4, vm0, $0xb8;
	[tilespmem:$0x14200] =	vst v63  }
0x1f4: {  	v3 =	vadd.s32 v1, v3;
	s12 =	simm.s32 $0x12200  }
0x1f5: {  	[tilespmem:s12], [sflag:$0x1] =	stream.indirect_vreg.gather [hbm4b:s5+s2], $0x80, v4, vm0, $0xb8;
	[tilespmem:$0x14200] =	vst v63  }
0x1f6: {  	s12 =	simm.s32 $0x12A00  }
0x1f7: {  	[tilespmem:s12], [sflag:$0x1] =	stream.indirect_vreg.gather [hbm4b:s6+s2], $0x80, v4, vm1, $0xb8;
	[tilespmem:$0x14200] =	vst v63  }
0x1f8: {  	s12 =	simm.s32 $0x12E00  }
0x1f9: {  	[tilespmem:s12], [sflag:$0x1] =	stream.indirect_vreg.gather [hbm4b:s4+s2], $0x80, v3, vm0, $0xb8;
	[tilespmem:$0x14200] =	vst v63  }
0x1fa: {  	s12 =	simm.s32 $0x13600  }
0x1fb: {  	[tilespmem:s12], [sflag:$0x1] =	stream.indirect_vreg.gather [hbm4b:s5+s2], $0x80, v3, vm0, $0xb8;
	[tilespmem:$0x14200] =	vst v63  }
0x1fc: {  	s12 =	simm.s32 $0x13E00  }
0x1fd: {  	[tilespmem:s12], [sflag:$0x1] =	stream.indirect_vreg.gather [hbm4b:s6+s2], $0x80, v3, vm1, $0xb8;
	[tilespmem:$0x14200] =	vst v63  }
0x1fe: {  	_ =	swait.ge [sflag:s3], $0xA000  }
0x1ff: {  	[sflag:s3] =	ssyncset.done $0x0  }
0x200: {  	s12 =	rddreg [dreg:$0x7];
	[sflag:s3] =	ssyncadd.s32 $0xFFFF6000  }
0x201: {  	[hbm4b:s12+s2] =	stream.linear.scatter [tilespmem:s8], [sflag:$0x3], $0xA000, $0x38;
	[tilespmem:$0x14200] =	vst v63  }
0x202: {  	_ =	swait.ge [sflag:s10], $0xA000  }
0x203: {  	[sflag:s10] =	ssyncset.done $0x0  }
0x204: {  	[sflag:s10] =	ssyncadd.s32 $0xFFFF6000  }
0x205: {  	v3 =	vld [tilespmem:$0x180];
	_ =	sdelay $0x4  }
0x206: {  	v56 =	vshrl.u32 v3, $0x3  }
0x207: {  	v4 =	vmul.u32 $0x28, v56  }
0x208: {  	v3 =	vand.u32 $0x7, v3  }
0x209: {  	v3 =	vor.u32 v3, v4  }
0x20a: {  	v4 =	vperm.xlane v3, v0;
	_ =	sdelay $0x1  }
0x20b: {  	v4 =	vadd.s32 v1, v4;
	_ =	sdelay $0x3  }
0x20c: {  	v3 =	vperm.xlane v3, v2  }
0x20d: {  	[tilespmem:s16], [sflag:$0x1] =	stream.indirect_vreg.gather [hbm4b:s4+s2], $0x80, v4, vm0, $0xb8;
	[tilespmem:$0x14200] =	vst v63  }
0x20e: {  	s0 =	simm.s32 $0xA00;
	v3 =	vadd.s32 v1, v3  }
0x20f: {  	[tilespmem:s0], [sflag:$0x1] =	stream.indirect_vreg.gather [hbm4b:s5+s2], $0x80, v4, vm0, $0xb8;
	[tilespmem:$0x14200] =	vst v63  }
0x210: {  	s1 =	simm.s32 $0x1200  }
0x211: {  	[tilespmem:s1], [sflag:$0x1] =	stream.indirect_vreg.gather [hbm4b:s6+s2], $0x80, v4, vm1, $0xb8;
	[tilespmem:$0x14200] =	vst v63  }
0x212: {  	s9 =	simm.s32 $0x1600  }
0x213: {  	[tilespmem:s9], [sflag:$0x1] =	stream.indirect_vreg.gather [hbm4b:s4+s2], $0x80, v3, vm0, $0xb8;
	[tilespmem:$0x14200] =	vst v63  }
0x214: {  	s17 =	simm.s32 $0x1E00  }
0x215: {  	[tilespmem:s17], [sflag:$0x1] =	stream.indirect_vreg.gather [hbm4b:s5+s2], $0x80, v3, vm0, $0xb8;
	[tilespmem:$0x14200] =	vst v63  }
0x216: {  	s12 =	simm.s32 $0x2600  }
0x217: {  	[tilespmem:s12], [sflag:$0x1] =	stream.indirect_vreg.gather [hbm4b:s6+s2], $0x80, v3, vm1, $0xb8;
	[tilespmem:$0x14200] =	vst v63  }
0x218: {  	v3 =	vld [tilespmem:$0x190];
	_ =	sdelay $0x4  }
0x219: {  	v57 =	vshrl.u32 v3, $0x3  }
0x21a: {  	v4 =	vmul.u32 $0x28, v57  }
0x21b: {  	v3 =	vand.u32 $0x7, v3  }
0x21c: {  	v3 =	vor.u32 v3, v4  }
0x21d: {  	v4 =	vperm.xlane v3, v0;
	_ =	sdelay $0x1  }
0x21e: {  	v4 =	vadd.s32 v1, v4;
	_ =	sdelay $0x3  }
0x21f: {  	s17 =	simm.s32 $0x2A00;
	v3 =	vperm.xlane v3, v2  }
0x220: {  	[tilespmem:s17], [sflag:$0x1] =	stream.indirect_vreg.gather [hbm4b:s4+s2], $0x80, v4, vm0, $0xb8;
	[tilespmem:$0x14200] =	vst v63  }
0x221: {  	s20 =	simm.s32 $0x3200;
	v3 =	vadd.s32 v1, v3  }
0x222: {  	[tilespmem:s20], [sflag:$0x1] =	stream.indirect_vreg.gather [hbm4b:s5+s2], $0x80, v4, vm0, $0xb8;
	[tilespmem:$0x14200] =	vst v63  }
0x223: {  	s21 =	simm.s32 $0x3A00  }
0x224: {  	[tilespmem:s21], [sflag:$0x1] =	stream.indirect_vreg.gather [hbm4b:s6+s2], $0x80, v4, vm1, $0xb8;
	[tilespmem:$0x14200] =	vst v63  }
0x225: {  	s22 =	simm.s32 $0x3E00  }
0x226: {  	[tilespmem:s22], [sflag:$0x1] =	stream.indirect_vreg.gather [hbm4b:s4+s2], $0x80, v3, vm0, $0xb8;
	[tilespmem:$0x14200] =	vst v63  }
0x227: {  	s23 =	simm.s32 $0x4600  }
0x228: {  	[tilespmem:s23], [sflag:$0x1] =	stream.indirect_vreg.gather [hbm4b:s5+s2], $0x80, v3, vm0, $0xb8;
	[tilespmem:$0x14200] =	vst v63  }
0x229: {  	s22 =	simm.s32 $0x4E00  }
0x22a: {  	[tilespmem:s22], [sflag:$0x1] =	stream.indirect_vreg.gather [hbm4b:s6+s2], $0x80, v3, vm1, $0xb8;
	[tilespmem:$0x14200] =	vst v63  }
0x22b: {  	v3 =	vld [tilespmem:$0x1A0];
	_ =	sdelay $0x4  }
0x22c: {  	v58 =	vshrl.u32 v3, $0x3  }
0x22d: {  	v4 =	vmul.u32 $0x28, v58  }
0x22e: {  	v3 =	vand.u32 $0x7, v3  }
0x22f: {  	v3 =	vor.u32 v3, v4  }
0x230: {  	v4 =	vperm.xlane v3, v0;
	_ =	sdelay $0x1  }
0x231: {  	v4 =	vadd.s32 v1, v4;
	_ =	sdelay $0x3  }
0x232: {  	s23 =	simm.s32 $0x5200;
	v3 =	vperm.xlane v3, v2  }
0x233: {  	[tilespmem:s23], [sflag:$0x1] =	stream.indirect_vreg.gather [hbm4b:s4+s2], $0x80, v4, vm0, $0xb8;
	[tilespmem:$0x14200] =	vst v63  }
0x234: {  	s24 =	simm.s32 $0x5A00;
	v3 =	vadd.s32 v1, v3  }
0x235: {  	[tilespmem:s24], [sflag:$0x1] =	stream.indirect_vreg.gather [hbm4b:s5+s2], $0x80, v4, vm0, $0xb8;
	[tilespmem:$0x14200] =	vst v63  }
0x236: {  	s25 =	simm.s32 $0x6200  }
0x237: {  	[tilespmem:s25], [sflag:$0x1] =	stream.indirect_vreg.gather [hbm4b:s6+s2], $0x80, v4, vm1, $0xb8;
	[tilespmem:$0x14200] =	vst v63  }
0x238: {  	s26 =	simm.s32 $0x6600  }
0x239: {  	[tilespmem:s26], [sflag:$0x1] =	stream.indirect_vreg.gather [hbm4b:s4+s2], $0x80, v3, vm0, $0xb8;
	[tilespmem:$0x14200] =	vst v63  }
0x23a: {  	s28 =	simm.s32 $0x6E00  }
0x23b: {  	[tilespmem:s28], [sflag:$0x1] =	stream.indirect_vreg.gather [hbm4b:s5+s2], $0x80, v3, vm0, $0xb8;
	[tilespmem:$0x14200] =	vst v63  }
0x23c: {  	s26 =	simm.s32 $0x7600  }
0x23d: {  	[tilespmem:s26], [sflag:$0x1] =	stream.indirect_vreg.gather [hbm4b:s6+s2], $0x80, v3, vm1, $0xb8;
	[tilespmem:$0x14200] =	vst v63  }
0x23e: {  	v3 =	vld [tilespmem:$0x1B0];
	_ =	sdelay $0x4  }
0x23f: {  	v59 =	vshrl.u32 v3, $0x3  }
0x240: {  	v4 =	vmul.u32 $0x28, v59  }
0x241: {  	v3 =	vand.u32 $0x7, v3  }
0x242: {  	v3 =	vor.u32 v3, v4  }
0x243: {  	v4 =	vperm.xlane v3, v0;
	_ =	sdelay $0x1  }
0x244: {  	v4 =	vadd.s32 v1, v4;
	_ =	sdelay $0x3  }
0x245: {  	s28 =	simm.s32 $0x7A00;
	v3 =	vperm.xlane v3, v2  }
0x246: {  	[tilespmem:s28], [sflag:$0x1] =	stream.indirect_vreg.gather [hbm4b:s4+s2], $0x80, v4, vm0, $0xb8;
	[tilespmem:$0x14200] =	vst v63  }
0x247: {  	s29 =	simm.s32 $0x8200;
	v3 =	vadd.s32 v1, v3  }
0x248: {  	[tilespmem:s29], [sflag:$0x1] =	stream.indirect_vreg.gather [hbm4b:s5+s2], $0x80, v4, vm0, $0xb8;
	[tilespmem:$0x14200] =	vst v63  }
0x249: {  	s30 =	simm.s32 $0x8A00  }
0x24a: {  	[tilespmem:s30], [sflag:$0x1] =	stream.indirect_vreg.gather [hbm4b:s6+s2], $0x80, v4, vm1, $0xb8;
	[tilespmem:$0x14200] =	vst v63  }
0x24b: {  	s13 =	simm.s32 $0x8E00  }
0x24c: {  	[tilespmem:s13], [sflag:$0x1] =	stream.indirect_vreg.gather [hbm4b:s4+s2], $0x80, v3, vm0, $0xb8;
	[tilespmem:$0x14200] =	vst v63  }
0x24d: {  	s14 =	simm.s32 $0x9600  }
0x24e: {  	[tilespmem:s14], [sflag:$0x1] =	stream.indirect_vreg.gather [hbm4b:s5+s2], $0x80, v3, vm0, $0xb8;
	[tilespmem:$0x14200] =	vst v63  }
0x24f: {  	s30 =	simm.s32 $0x9E00  }
0x250: {  	[tilespmem:s30], [sflag:$0x1] =	stream.indirect_vreg.gather [hbm4b:s6+s2], $0x80, v3, vm1, $0xb8;
	[tilespmem:$0x14200] =	vst v63  }
0x251: {  	_ =	swait.ge [sflag:s3], $0xA000  }
0x252: {  	[sflag:s3] =	ssyncset.done $0x0  }
0x253: {  	s0 =	rddreg [dreg:$0x8];
	[sflag:s3] =	ssyncadd.s32 $0xFFFF6000  }
0x254: {  	[hbm4b:s0+s2] =	stream.linear.scatter [tilespmem:s16], [sflag:$0x2], $0xA000, $0x38;
	[tilespmem:$0x14200] =	vst v63  }
0x255: {  	_ =	swait.ge [sflag:s11], $0xA000  }
0x256: {  	[sflag:s11] =	ssyncset.done $0x0  }
0x257: {  	[sflag:s11] =	ssyncadd.s32 $0xFFFF6000  }
0x258: {  	v3 =	vld [tilespmem:$0x1C0];
	_ =	sdelay $0x4  }
0x259: {  	v60 =	vshrl.u32 v3, $0x3  }
0x25a: {  	v4 =	vmul.u32 $0x28, v60  }
0x25b: {  	v3 =	vand.u32 $0x7, v3  }
0x25c: {  	v3 =	vor.u32 v3, v4  }
0x25d: {  	v4 =	vperm.xlane v3, v0;
	_ =	sdelay $0x1  }
0x25e: {  	v4 =	vadd.s32 v1, v4;
	_ =	sdelay $0x3  }
0x25f: {  	v3 =	vperm.xlane v3, v2  }
0x260: {  	[tilespmem:s8], [sflag:$0x1] =	stream.indirect_vreg.gather [hbm4b:s4+s2], $0x80, v4, vm0, $0xb8;
	[tilespmem:$0x14200] =	vst v63  }
0x261: {  	s31 =	simm.s32 $0xAA00;
	v3 =	vadd.s32 v1, v3  }
0x262: {  	[tilespmem:s31], [sflag:$0x1] =	stream.indirect_vreg.gather [hbm4b:s5+s2], $0x80, v4, vm0, $0xb8;
	[tilespmem:$0x14200] =	vst v63  }
0x263: {  	s15 =	simm.s32 $0xB200  }
0x264: {  	[tilespmem:s15], [sflag:$0x1] =	stream.indirect_vreg.gather [hbm4b:s6+s2], $0x80, v4, vm1, $0xb8;
	[tilespmem:$0x14200] =	vst v63  }
0x265: {  	s18 =	simm.s32 $0xB600  }
0x266: {  	[tilespmem:s18], [sflag:$0x1] =	stream.indirect_vreg.gather [hbm4b:s4+s2], $0x80, v3, vm0, $0xb8;
	[tilespmem:$0x14200] =	vst v63  }
0x267: {  	s19 =	simm.s32 $0xBE00  }
0x268: {  	[tilespmem:s19], [sflag:$0x1] =	stream.indirect_vreg.gather [hbm4b:s5+s2], $0x80, v3, vm0, $0xb8;
	[tilespmem:$0x14200] =	vst v63  }
0x269: {  	s1 =	simm.s32 $0xC600  }
0x26a: {  	[tilespmem:s1], [sflag:$0x1] =	stream.indirect_vreg.gather [hbm4b:s6+s2], $0x80, v3, vm1, $0xb8;
	[tilespmem:$0x14200] =	vst v63  }
0x26b: {  	v3 =	vld [tilespmem:$0x1D0];
	_ =	sdelay $0x4  }
0x26c: {  	v61 =	vshrl.u32 v3, $0x3  }
0x26d: {  	v4 =	vmul.u32 $0x28, v61  }
0x26e: {  	v3 =	vand.u32 $0x7, v3  }
0x26f: {  	v3 =	vor.u32 v3, v4  }
0x270: {  	v4 =	vperm.xlane v3, v0;
	_ =	sdelay $0x1  }
0x271: {  	v4 =	vadd.s32 v1, v4;
	_ =	sdelay $0x3  }
0x272: {  	s9 =	simm.s32 $0xCA00;
	v3 =	vperm.xlane v3, v2  }
0x273: {  	[tilespmem:s9], [sflag:$0x1] =	stream.indirect_vreg.gather [hbm4b:s4+s2], $0x80, v4, vm0, $0xb8;
	[tilespmem:$0x14200] =	vst v63  }
0x274: {  	s12 =	simm.s32 $0xD200;
	v3 =	vadd.s32 v1, v3  }
0x275: {  	[tilespmem:s12], [sflag:$0x1] =	stream.indirect_vreg.gather [hbm4b:s5+s2], $0x80, v4, vm0, $0xb8;
	[tilespmem:$0x14200] =	vst v63  }
0x276: {  	s13 =	simm.s32 $0xDA00  }
0x277: {  	[tilespmem:s13], [sflag:$0x1] =	stream.indirect_vreg.gather [hbm4b:s6+s2], $0x80, v4, vm1, $0xb8;
	[tilespmem:$0x14200] =	vst v63  }
0x278: {  	s14 =	simm.s32 $0xDE00  }
0x279: {  	[tilespmem:s14], [sflag:$0x1] =	stream.indirect_vreg.gather [hbm4b:s4+s2], $0x80, v3, vm0, $0xb8;
	[tilespmem:$0x14200] =	vst v63  }
0x27a: {  	s15 =	simm.s32 $0xE600  }
0x27b: {  	[tilespmem:s15], [sflag:$0x1] =	stream.indirect_vreg.gather [hbm4b:s5+s2], $0x80, v3, vm0, $0xb8;
	[tilespmem:$0x14200] =	vst v63  }
0x27c: {  	s17 =	simm.s32 $0xEE00  }
0x27d: {  	[tilespmem:s17], [sflag:$0x1] =	stream.indirect_vreg.gather [hbm4b:s6+s2], $0x80, v3, vm1, $0xb8;
	[tilespmem:$0x14200] =	vst v63  }
0x27e: {  	v3 =	vld [tilespmem:$0x1E0];
	_ =	sdelay $0x4  }
0x27f: {  	v62 =	vshrl.u32 v3, $0x3  }
0x280: {  	v4 =	vmul.u32 $0x28, v62  }
0x281: {  	v3 =	vand.u32 $0x7, v3  }
0x282: {  	v3 =	vor.u32 v3, v4  }
0x283: {  	v4 =	vperm.xlane v3, v0;
	_ =	sdelay $0x1  }
0x284: {  	v4 =	vadd.s32 v1, v4;
	_ =	sdelay $0x3  }
0x285: {  	s18 =	simm.s32 $0xF200;
	v3 =	vperm.xlane v3, v2  }
0x286: {  	[tilespmem:s18], [sflag:$0x1] =	stream.indirect_vreg.gather [hbm4b:s4+s2], $0x80, v4, vm0, $0xb8;
	[tilespmem:$0x14200] =	vst v63  }
0x287: {  	s19 =	simm.s32 $0xFA00;
	v3 =	vadd.s32 v1, v3  }
0x288: {  	[tilespmem:s19], [sflag:$0x1] =	stream.indirect_vreg.gather [hbm4b:s5+s2], $0x80, v4, vm0, $0xb8;
	[tilespmem:$0x14200] =	vst v63  }
0x289: {  	s20 =	simm.s32 $0x10200  }
0x28a: {  	[tilespmem:s20], [sflag:$0x1] =	stream.indirect_vreg.gather [hbm4b:s6+s2], $0x80, v4, vm1, $0xb8;
	[tilespmem:$0x14200] =	vst v63  }
0x28b: {  	s21 =	simm.s32 $0x10600  }
0x28c: {  	[tilespmem:s21], [sflag:$0x1] =	stream.indirect_vreg.gather [hbm4b:s4+s2], $0x80, v3, vm0, $0xb8;
	[tilespmem:$0x14200] =	vst v63  }
0x28d: {  	s22 =	simm.s32 $0x10E00  }
0x28e: {  	[tilespmem:s22], [sflag:$0x1] =	stream.indirect_vreg.gather [hbm4b:s5+s2], $0x80, v3, vm0, $0xb8;
	[tilespmem:$0x14200] =	vst v63  }
0x28f: {  	s23 =	simm.s32 $0x11600  }
0x290: {  	[tilespmem:s23], [sflag:$0x1] =	stream.indirect_vreg.gather [hbm4b:s6+s2], $0x80, v3, vm1, $0xb8;
	[tilespmem:$0x14200] =	vst v63  }
0x291: {  	v3 =	vld [tilespmem:$0x1F0];
	_ =	sdelay $0x4  }
0x292: {  	v63 =	vshrl.u32 v3, $0x3  }
0x293: {  	v4 =	vmul.u32 $0x28, v63  }
0x294: {  	v3 =	vand.u32 $0x7, v3  }
0x295: {  	v3 =	vor.u32 v3, v4  }
0x296: {  	v4 =	vperm.xlane v3, v0;
	_ =	sdelay $0x1  }
0x297: {  	v4 =	vadd.s32 v1, v4;
	_ =	sdelay $0x3  }
0x298: {  	s24 =	simm.s32 $0x11A00;
	v3 =	vperm.xlane v3, v2  }
0x299: {  	[tilespmem:s24], [sflag:$0x1] =	stream.indirect_vreg.gather [hbm4b:s4+s2], $0x80, v4, vm0, $0xb8;
	[tilespmem:$0x14200] =	vst v63  }
0x29a: {  	s25 =	simm.s32 $0x12200;
	v3 =	vadd.s32 v1, v3  }
0x29b: {  	[tilespmem:s25], [sflag:$0x1] =	stream.indirect_vreg.gather [hbm4b:s5+s2], $0x80, v4, vm0, $0xb8;
	[tilespmem:$0x14200] =	vst v63  }
0x29c: {  	s26 =	simm.s32 $0x12A00  }
0x29d: {  	[tilespmem:s26], [sflag:$0x1] =	stream.indirect_vreg.gather [hbm4b:s6+s2], $0x80, v4, vm1, $0xb8;
	[tilespmem:$0x14200] =	vst v63  }
0x29e: {  	s28 =	simm.s32 $0x12E00  }
0x29f: {  	[tilespmem:s28], [sflag:$0x1] =	stream.indirect_vreg.gather [hbm4b:s4+s2], $0x80, v3, vm0, $0xb8;
	[tilespmem:$0x14200] =	vst v63  }
0x2a0: {  	s29 =	simm.s32 $0x13600  }
0x2a1: {  	[tilespmem:s29], [sflag:$0x1] =	stream.indirect_vreg.gather [hbm4b:s5+s2], $0x80, v3, vm0, $0xb8;
	[tilespmem:$0x14200] =	vst v63  }
0x2a2: {  	s30 =	simm.s32 $0x13E00  }
0x2a3: {  	[tilespmem:s30], [sflag:$0x1] =	stream.indirect_vreg.gather [hbm4b:s6+s2], $0x80, v3, vm1, $0xb8;
	[tilespmem:$0x14200] =	vst v63  }
0x2a4: {  	_ =	swait.ge [sflag:s3], $0xA000  }
0x2a5: {  	[sflag:s3] =	ssyncset.done $0x0  }
0x2a6: {  	s31 =	rddreg [dreg:$0x9];
	[sflag:s3] =	ssyncadd.s32 $0xFFFF6000  }
0x2a7: {  	[hbm4b:s31+s2] =	stream.linear.scatter [tilespmem:s8], [sflag:$0x3], $0xA000, $0x38;
	[tilespmem:$0x14200] =	vst v63  }
0x2a8: {  	p0 =	sne.s32 s7, $0x1;
	_ =	swait.ge [sflag:s10], $0xA000  }
.Ltmp0:
0x2a9: {  	[sflag:s10] =	ssyncset.done $0x0;
	(pc) =	sbr.rel @p0 .LBB2_1-.Ltmp0, $4  }
0x2aa: {  	[sflag:s10] =	ssyncadd.s32 $0xFFFF6000  }
0x2ab: {  	_ =	swait.ge [sflag:s11], $0xA000  }
0x2ac: {  	[sflag:s11] =	ssyncset.done $0x0  }
0x2ad: {  	s7 =	sadd.s32 $0xFFFFFFFF, s7;
	[sflag:s11] =	ssyncadd.s32 $0xFFFF6000  }
0x2ae: {  	_ =	sfence.sel $0x180000  }
0x2af: {  	[bflag:$0x0] =	sbarrier.arrive $0xFFFF  }
0x2b0: {  	_ =	strace $0x9000004A  }
0x2b1: {  	s0 =	stileid.u32;
	[bflag:$0x2] =	sbarrier.arrive $0xFFFF  }
0x2b2: {  	p0 =	sne.s32 s0, $0x0;
	s0 =	rddreg [dreg:$0x1]  }
0x2b3: {  	s0 =	sadd.s32 @!p0 $0x100000, s0  }
0x2b4: {  	[sflag:s0] =	ssyncadd.tile.s32 @!p0 $0x1;
	_ =	shalt  }
.Lfunc_end2:
_tile_overlayer_lowered:
.L_overlay_start_2:
0x2b5: {  	(tag) =	ssettag $0x2  }
0x2b6: {  	s0 =	rddreg [dreg:$0x0];
	s2 =	stileid.u32  }
0x2b7: {  	s1 =	rddreg [dreg:$0x1];
	p0 =	sne.s32 s2, $0x0  }
0x2b8: {  	s3 =	rddreg [dreg:$0x2];
	[bflag:$0x3] =	sbarrier.arrive $0xFFFF;
	s2 =	simm.s32 @!p0 $0x1C04  }
0x2b9: {  	[timem:s3], [sflag:s2] =	dma.local @!p0 [hbm:s0], s1  }
0x2ba: {  	s0 =	simm.s32 @!p0 $0x4  }
0x2bb: {  	_ =	swait.ge @!p0 [sflag:s0], s1  }
0x2bc: {  	s1 =	ssub.s32 @!p0 $0x0, s1;
	[sflag:s0] =	ssyncset.done @!p0 $0x0  }
0x2bd: {  	[sflag:s0] =	ssyncadd.s32 @!p0 s1  }
0x2be: {  	[bflag:$0x3] =	sbarrier.arrive $0xFFFF  }
0x2bf: {  	_ =	shalt  }

</sc_bundles>
